<compile_context>
chip_gen: v7x
topology: tpu7x:2x2x1
jax: 0.10.2.dev20260603
libtpu: 0.0.44.dev20260713+nightly
codegen_flags: <defaults>
</compile_context>

<pallas_src>
import functools

import jax
import jax.numpy as jnp
from jax import lax
from jax.experimental import pallas as pl
from jax.experimental.pallas import tpu as pltpu
from jax.experimental.pallas import tpu_sc as plsc

N_NODES = 10000
N_EDGES = 320000
DIM = 128

NC = 2
NS = 16
NW = NC * NS
SUB = 128
STEPS = -(-N_EDGES // (NW * SUB))
E_PAD = NW * SUB * STEPS
NRANGE = N_NODES // 2
SLAB = 320
N_SP = NS * SLAB
ROWB = 1000
RB_PER_RANGE = NRANGE // ROWB
GRID = N_NODES // ROWB

_MESH = plsc.VectorSubcoreMesh(core_axis_name="c", subcore_axis_name="s")


def _wid_sid():
    cid = lax.axis_index("c")
    sid = lax.axis_index("s")
    return cid, sid, cid * NS + sid


def _sc_agg_body(h_hbm, src_hbm, dst0_hbm, dst1_hbm, z_hbm, s_out,
                 src_v, dst_v0, dst_v1, rows_a, rows_b, rows_c, agg_sh,
                 sem_a, sem_b, sem_c):
    cid, sid, wid = _wid_sid()

    pltpu.sync_copy(src_hbm.at[wid], src_v)
    pltpu.sync_copy(dst0_hbm.at[wid], dst_v0)
    pltpu.sync_copy(dst1_hbm.at[wid], dst_v1)

    for rng, dst_v in enumerate((dst_v0, dst_v1)):
        pltpu.sync_copy(z_hbm, agg_sh.at[pl.ds(sid * SLAB, SLAB)])
        plsc.subcore_barrier()

        pltpu.async_copy(h_hbm.at[src_v.at[0]], rows_a, sem_a)
        pltpu.async_copy(h_hbm.at[src_v.at[1]], rows_b, sem_b)

        def step(j, _):
            def do(buf, sem, pbuf, psem):
                @pl.when(j + 2 < STEPS)
                def _():
                    pltpu.async_copy(h_hbm.at[src_v.at[j + 2]], pbuf, psem)
                pltpu.make_async_copy(h_hbm.at[src_v.at[j]], buf, sem).wait()
                pltpu.sync_copy(buf, agg_sh.at[dst_v.at[j]], add=True)

            cur = jnp.remainder(j, 3)

            @pl.when(cur == 0)
            def _():
                do(rows_a, sem_a, rows_c, sem_c)

            @pl.when(cur == 1)
            def _():
                do(rows_b, sem_b, rows_a, sem_a)

            @pl.when(cur == 2)
            def _():
                do(rows_c, sem_c, rows_b, sem_b)
            return 0

        lax.fori_loop(0, STEPS, step, 0)
        plsc.subcore_barrier()

        obase = pl.multiple_of(jnp.minimum(sid * SLAB, NRANGE - SLAB), 8)
        pltpu.sync_copy(agg_sh.at[pl.ds(obase, SLAB)],
                        s_out.at[rng].at[cid].at[pl.ds(obase, SLAB)])
        plsc.subcore_barrier()


_sc_agg = pl.kernel(
    _sc_agg_body,
    out_type=jax.ShapeDtypeStruct((2, NC, NRANGE, DIM), jnp.float32),
    mesh=_MESH,
    scratch_types=[
        pltpu.VMEM((STEPS, SUB), jnp.int32),
        pltpu.VMEM((STEPS, SUB), jnp.int32),
        pltpu.VMEM((STEPS, SUB), jnp.int32),
        pltpu.VMEM((SUB, DIM), jnp.float32),
        pltpu.VMEM((SUB, DIM), jnp.float32),
        pltpu.VMEM((SUB, DIM), jnp.float32),
        pltpu.VMEM_SHARED((N_SP, DIM), jnp.float32),
        pltpu.SemaphoreType.DMA,
        pltpu.SemaphoreType.DMA,
        pltpu.SemaphoreType.DMA,
    ],
)


def _sc_ones_body(ones_hbm, dst0_hbm, dst1_hbm, z_hbm, s_out,
                  dst_v0, dst_v1, rows_a, agg_sh):
    cid, sid, wid = _wid_sid()
    pltpu.sync_copy(ones_hbm, rows_a)
    pltpu.sync_copy(dst0_hbm.at[wid], dst_v0)
    pltpu.sync_copy(dst1_hbm.at[wid], dst_v1)

    for rng, dst_v in enumerate((dst_v0, dst_v1)):
        pltpu.sync_copy(z_hbm, agg_sh.at[pl.ds(sid * SLAB, SLAB)])
        plsc.subcore_barrier()

        def step(j, _):
            pltpu.sync_copy(rows_a, agg_sh.at[dst_v.at[j]], add=True)
            return 0

        lax.fori_loop(0, STEPS, step, 0)
        plsc.subcore_barrier()
        obase = pl.multiple_of(jnp.minimum(sid * SLAB, NRANGE - SLAB), 8)
        pltpu.sync_copy(agg_sh.at[pl.ds(obase, SLAB)],
                        s_out.at[rng].at[cid].at[pl.ds(obase, SLAB)])
        plsc.subcore_barrier()


_sc_ones = pl.kernel(
    _sc_ones_body,
    out_type=jax.ShapeDtypeStruct((2, NC, NRANGE, DIM), jnp.float32),
    mesh=_MESH,
    scratch_types=[
        pltpu.VMEM((STEPS, SUB), jnp.int32),
        pltpu.VMEM((STEPS, SUB), jnp.int32),
        pltpu.VMEM((SUB, DIM), jnp.float32),
        pltpu.VMEM_SHARED((N_SP, DIM), jnp.float32),
    ],
)


def _tc_body(relu, s_ref, d_ref, w_ref, b_ref, o_ref):
    s = s_ref[0, 0] + s_ref[0, 1]
    deg = d_ref[0, 0, :, 0:1] + d_ref[0, 1, :, 0:1]
    t = s * (1.0 / jnp.maximum(deg, 1.0))
    h = jnp.dot(t, w_ref[...], preferred_element_type=jnp.float32) + b_ref[...]
    o_ref[...] = jnp.maximum(h, 0.0) if relu else h


def _make_tc_pass(relu: bool):
    return pl.pallas_call(
        functools.partial(_tc_body, relu),
        grid=(GRID,),
        in_specs=[
            pl.BlockSpec((1, NC, ROWB, DIM),
                         lambda i: (i // RB_PER_RANGE, 0, i % RB_PER_RANGE, 0)),
            pl.BlockSpec((1, NC, ROWB, DIM),
                         lambda i: (i // RB_PER_RANGE, 0, i % RB_PER_RANGE, 0)),
            pl.BlockSpec((DIM, DIM), lambda i: (0, 0)),
            pl.BlockSpec((1, DIM), lambda i: (0, 0)),
        ],
        out_specs=pl.BlockSpec((ROWB, DIM), lambda i: (i, 0)),
        out_shape=jax.ShapeDtypeStruct((N_NODES, DIM), jnp.float32),
    )


_tc_pass_relu = _make_tc_pass(relu=True)
_tc_pass_lin = _make_tc_pass(relu=False)


def kernel(x, edge_index, W1, b1, W2, b2):
    ei = edge_index.astype(jnp.int32)
    pad = E_PAD - N_EDGES
    src = jnp.concatenate([ei[0], jnp.zeros((pad,), jnp.int32)])
    dstp = jnp.concatenate([ei[1], jnp.full((pad,), N_NODES, jnp.int32)])
    dummy = NRANGE + jnp.arange(E_PAD, dtype=jnp.int32) % (N_SP - NRANGE)
    dst0 = jnp.where(dstp < NRANGE, dstp, dummy)
    t = dstp - NRANGE
    dst1 = jnp.where((t < 0) | (t >= NRANGE), dummy, t)
    src3 = src.reshape(NW, STEPS, SUB)
    dst0_3 = dst0.reshape(NW, STEPS, SUB)
    dst1_3 = dst1.reshape(NW, STEPS, SUB)
    z128 = jnp.zeros((SLAB, DIM), jnp.float32)
    ones128 = jnp.ones((SUB, DIM), jnp.float32)

    deg = _sc_ones(ones128, dst0_3, dst1_3, z128)
    s1 = _sc_agg(x, src3, dst0_3, dst1_3, z128)
    h1 = _tc_pass_relu(s1, deg, W1, b1.reshape(1, DIM))
    s2 = _sc_agg(h1, src3, dst0_3, dst1_3, z128)
    out = _tc_pass_lin(s2, deg, W2, b2.reshape(1, DIM))
    return out

# --- scband reference (transcript-rebuilt; emitter-appended) ---
"""Pipeline reference for scband-basic-homogeneous-gnn-19009525252726 (READ-ONLY COPY).

The authoritative reference and input builder live on the scoring server;
editing this copy changes nothing except your own understanding.
"""

import jax, jax.numpy as jnp
import numpy as np

N_NODES = 10000
N_EDGES = 320000
IN_DIM = 128
HID_DIM = 128
OUT_DIM = 128


def setup_inputs(seed: int = 0) -> dict:
    key = jax.random.key(seed)
    k_x, k_e, k_w1, k_b1, k_w2, k_b2 = jax.random.split(key, 6)
    x = jax.random.normal(k_x, (N_NODES, IN_DIM), dtype=jnp.float32)
    edge_index = jax.random.randint(k_e, (2, N_EDGES), 0, N_NODES, dtype=jnp.int64)
    # layer 1 conv weights (mean-aggregation message passing, GCN/SAGE style)
    W1 = jax.random.normal(k_w1, (IN_DIM, HID_DIM), dtype=jnp.float32) * (1.0 / np.sqrt(IN_DIM))
    b1 = jnp.zeros((HID_DIM,), dtype=jnp.float32)
    # layer 2 conv weights
    W2 = jax.random.normal(k_w2, (HID_DIM, OUT_DIM), dtype=jnp.float32) * (1.0 / np.sqrt(HID_DIM))
    b2 = jnp.zeros((OUT_DIM,), dtype=jnp.float32)
    return {"x": x, "edge_index": edge_index, "W1": W1, "b1": b1, "W2": W2, "b2": b2}


def _mp_conv(x, edge_index, W, b):
    # message passing conv: transform, gather at src, scatter-mean at dst
    h = x @ W
    src = edge_index[0]
    dst = edge_index[1]
    msg = jnp.take(h, src, axis=0)                       # gather
    agg = jax.ops.segment_sum(msg, dst, num_segments=N_NODES)  # scatter-add
    deg = jax.ops.segment_sum(jnp.ones((msg.shape[0],), dtype=jnp.float32), dst, num_segments=N_NODES)
    agg = agg / jnp.clip(deg, 1.0, None)[:, None]        # mean aggregation
    return agg + b


def reference(x, edge_index, W1, b1, W2, b2):
    # BasicHomogeneousGNN.forward: conv -> activation -> dropout(p=0, identity) -> conv (no act after last)
    h = _mp_conv(x, edge_index, W1, b1)
    h = jax.nn.relu(h)
    out = _mp_conv(h, edge_index, W2, b2)
    return out

if __name__ == "__main__":
    import jax
    _d = setup_inputs()
    print(jax.jit(kernel)(*tuple(_d.values())))

</pallas_src>

<mosaic_0001>
#map = affine_map<(d0, d1) -> (0, 0)>
#map1 = affine_map<(d0, d1) -> (0, 0, 0)>
#map2 = affine_map<(d0, d1) -> (0, 0, 0, 0)>
module attributes {stable_mosaic.version = 14 : i64} {
  func.func @_sc_ones_body(%arg0: i32, %arg1: i32, %arg2: memref<128x128xf32, #tpu.memory_space<hbm>>, %arg3: memref<32x79x128xi32, #tpu.memory_space<hbm>>, %arg4: memref<32x79x128xi32, #tpu.memory_space<hbm>>, %arg5: memref<320x128xf32, #tpu.memory_space<hbm>>, %arg6: memref<2x2x5000x128xf32, #tpu.memory_space<hbm>>, %arg7: memref<79x128xi32, #tpu.memory_space<vmem>>, %arg8: memref<79x128xi32, #tpu.memory_space<vmem>>, %arg9: memref<128x128xf32, #tpu.memory_space<vmem>>, %arg10: memref<5120x128xf32, #tpu.memory_space<vmem_shared>>) attributes {dimension_semantics = [#tpu.dimension_semantics<core_parallel>, #tpu.dimension_semantics<subcore_parallel>], iteration_bounds = array<i64: 2, 16>, scalar_prefetch = 0 : i64, scratch_operands = 4 : i64, tpu.core_type = #tpu.core_type<sc_vector_subcore>, window_params = [{transform_indices = #map}, {transform_indices = #map1}, {transform_indices = #map1}, {transform_indices = #map}, {transform_indices = #map2}]} {
    %mul3A = arith.constant 16 : i32
    %mul3A_0 = arith.muli %arg0, %mul3A : i32
    %add3A = arith.addi %mul3A_0, %arg1 : i32
    "tpu.region"() ({
      %run_scoped3A_32 = tpu.sem_alloc : memref<!tpu.dma_semaphore, #tpu.memory_space<semaphore_mem>>
      tpu.enqueue_dma source(%arg2 : memref<128x128xf32, #tpu.memory_space<hbm>>) target(%arg9 : memref<128x128xf32, #tpu.memory_space<vmem>>) target_semaphore(%run_scoped3A_32 : memref<!tpu.dma_semaphore, #tpu.memory_space<semaphore_mem>>)
      tpu.wait_dma2 semaphore(%run_scoped3A_32 : memref<!tpu.dma_semaphore, #tpu.memory_space<semaphore_mem>>) src(%arg2 : memref<128x128xf32, #tpu.memory_space<hbm>>) dst(%arg9 : memref<128x128xf32, #tpu.memory_space<vmem>>)
      tpu.yield
    }) : () -> ()
    "tpu.region"() ({
      %run_scoped3A_32 = tpu.sem_alloc : memref<!tpu.dma_semaphore, #tpu.memory_space<semaphore_mem>>
      %dma_start3A = arith.constant 0 : i32
      %dma_start3A_33 = arith.constant 0 : i32
      %dma_start3A_34 = tpu.memref_slice %arg3[%add3A, %dma_start3A, %dma_start3A_33] : memref<32x79x128xi32, #tpu.memory_space<hbm>> -> memref<1x79x128xi32, #tpu.memory_space<hbm>>
      %dma_start3A_35 = tpu.memref_squeeze %dma_start3A_34 : memref<1x79x128xi32, #tpu.memory_space<hbm>> -> memref<79x128xi32, #tpu.memory_space<hbm>>
      %dma_start3A_36 = arith.constant 0 : i32
      %dma_start3A_37 = arith.constant 0 : i32
      %dma_start3A_38 = tpu.memref_slice %arg3[%add3A, %dma_start3A_36, %dma_start3A_37] : memref<32x79x128xi32, #tpu.memory_space<hbm>> -> memref<1x79x128xi32, #tpu.memory_space<hbm>>
      %dma_start3A_39 = tpu.memref_squeeze %dma_start3A_38 : memref<1x79x128xi32, #tpu.memory_space<hbm>> -> memref<79x128xi32, #tpu.memory_space<hbm>>
      tpu.enqueue_dma source(%dma_start3A_39 : memref<79x128xi32, #tpu.memory_space<hbm>>) target(%arg7 : memref<79x128xi32, #tpu.memory_space<vmem>>) target_semaphore(%run_scoped3A_32 : memref<!tpu.dma_semaphore, #tpu.memory_space<semaphore_mem>>)
      %dma_wait3A = arith.constant 0 : i32
      %dma_wait3A_40 = arith.constant 0 : i32
      %dma_wait3A_41 = tpu.memref_slice %arg3[%add3A, %dma_wait3A, %dma_wait3A_40] : memref<32x79x128xi32, #tpu.memory_space<hbm>> -> memref<1x79x128xi32, #tpu.memory_space<hbm>>
      %dma_wait3A_42 = tpu.memref_squeeze %dma_wait3A_41 : memref<1x79x128xi32, #tpu.memory_space<hbm>> -> memref<79x128xi32, #tpu.memory_space<hbm>>
      %dma_wait3A_43 = arith.constant 0 : i32
      %dma_wait3A_44 = arith.constant 0 : i32
      %dma_wait3A_45 = tpu.memref_slice %arg3[%add3A, %dma_wait3A_43, %dma_wait3A_44] : memref<32x79x128xi32, #tpu.memory_space<hbm>> -> memref<1x79x128xi32, #tpu.memory_space<hbm>>
      %dma_wait3A_46 = tpu.memref_squeeze %dma_wait3A_45 : memref<1x79x128xi32, #tpu.memory_space<hbm>> -> memref<79x128xi32, #tpu.memory_space<hbm>>
      tpu.wait_dma2 semaphore(%run_scoped3A_32 : memref<!tpu.dma_semaphore, #tpu.memory_space<semaphore_mem>>) src(%dma_wait3A_46 : memref<79x128xi32, #tpu.memory_space<hbm>>) dst(%arg7 : memref<79x128xi32, #tpu.memory_space<vmem>>)
      tpu.yield
    }) : () -> ()
    "tpu.region"() ({
      %run_scoped3A_32 = tpu.sem_alloc : memref<!tpu.dma_semaphore, #tpu.memory_space<semaphore_mem>>
      %dma_start3A = arith.constant 0 : i32
      %dma_start3A_33 = arith.constant 0 : i32
      %dma_start3A_34 = tpu.memref_slice %arg4[%add3A, %dma_start3A, %dma_start3A_33] : memref<32x79x128xi32, #tpu.memory_space<hbm>> -> memref<1x79x128xi32, #tpu.memory_space<hbm>>
      %dma_start3A_35 = tpu.memref_squeeze %dma_start3A_34 : memref<1x79x128xi32, #tpu.memory_space<hbm>> -> memref<79x128xi32, #tpu.memory_space<hbm>>
      %dma_start3A_36 = arith.constant 0 : i32
      %dma_start3A_37 = arith.constant 0 : i32
      %dma_start3A_38 = tpu.memref_slice %arg4[%add3A, %dma_start3A_36, %dma_start3A_37] : memref<32x79x128xi32, #tpu.memory_space<hbm>> -> memref<1x79x128xi32, #tpu.memory_space<hbm>>
      %dma_start3A_39 = tpu.memref_squeeze %dma_start3A_38 : memref<1x79x128xi32, #tpu.memory_space<hbm>> -> memref<79x128xi32, #tpu.memory_space<hbm>>
      tpu.enqueue_dma source(%dma_start3A_39 : memref<79x128xi32, #tpu.memory_space<hbm>>) target(%arg8 : memref<79x128xi32, #tpu.memory_space<vmem>>) target_semaphore(%run_scoped3A_32 : memref<!tpu.dma_semaphore, #tpu.memory_space<semaphore_mem>>)
      %dma_wait3A = arith.constant 0 : i32
      %dma_wait3A_40 = arith.constant 0 : i32
      %dma_wait3A_41 = tpu.memref_slice %arg4[%add3A, %dma_wait3A, %dma_wait3A_40] : memref<32x79x128xi32, #tpu.memory_space<hbm>> -> memref<1x79x128xi32, #tpu.memory_space<hbm>>
      %dma_wait3A_42 = tpu.memref_squeeze %dma_wait3A_41 : memref<1x79x128xi32, #tpu.memory_space<hbm>> -> memref<79x128xi32, #tpu.memory_space<hbm>>
      %dma_wait3A_43 = arith.constant 0 : i32
      %dma_wait3A_44 = arith.constant 0 : i32
      %dma_wait3A_45 = tpu.memref_slice %arg4[%add3A, %dma_wait3A_43, %dma_wait3A_44] : memref<32x79x128xi32, #tpu.memory_space<hbm>> -> memref<1x79x128xi32, #tpu.memory_space<hbm>>
      %dma_wait3A_46 = tpu.memref_squeeze %dma_wait3A_45 : memref<1x79x128xi32, #tpu.memory_space<hbm>> -> memref<79x128xi32, #tpu.memory_space<hbm>>
      tpu.wait_dma2 semaphore(%run_scoped3A_32 : memref<!tpu.dma_semaphore, #tpu.memory_space<semaphore_mem>>) src(%dma_wait3A_46 : memref<79x128xi32, #tpu.memory_space<hbm>>) dst(%arg8 : memref<79x128xi32, #tpu.memory_space<vmem>>)
      tpu.yield
    }) : () -> ()
    %mul3A_1 = arith.constant 320 : i32
    %mul3A_2 = arith.muli %arg1, %mul3A_1 : i32
    "tpu.region"() ({
      %run_scoped3A_32 = tpu.sem_alloc : memref<!tpu.dma_semaphore, #tpu.memory_space<semaphore_mem>>
      %dma_start3A = arith.constant 0 : i32
      %dma_start3A_33 = tpu.memref_slice %arg10[%mul3A_2, %dma_start3A] : memref<5120x128xf32, #tpu.memory_space<vmem_shared>> -> memref<320x128xf32, #tpu.memory_space<vmem_shared>>
      tpu.enqueue_dma source(%arg5 : memref<320x128xf32, #tpu.memory_space<hbm>>) target(%dma_start3A_33 : memref<320x128xf32, #tpu.memory_space<vmem_shared>>) target_semaphore(%run_scoped3A_32 : memref<!tpu.dma_semaphore, #tpu.memory_space<semaphore_mem>>)
      %dma_wait3A = arith.constant 0 : i32
      %dma_wait3A_34 = tpu.memref_slice %arg10[%mul3A_2, %dma_wait3A] : memref<5120x128xf32, #tpu.memory_space<vmem_shared>> -> memref<320x128xf32, #tpu.memory_space<vmem_shared>>
      tpu.wait_dma2 semaphore(%run_scoped3A_32 : memref<!tpu.dma_semaphore, #tpu.memory_space<semaphore_mem>>) src(%arg5 : memref<320x128xf32, #tpu.memory_space<hbm>>) dst(%dma_wait3A_34 : memref<320x128xf32, #tpu.memory_space<vmem_shared>>)
      tpu.yield
    }) : () -> ()
    %barrier3A = arith.constant 0 : index
    tpu.barrier barrier_id(%barrier3A)
    %scan3A = arith.constant 0 : i32
    %scan3A_3 = arith.constant 0 : i32
    %scan3A_4 = arith.constant 79 : i32
    %scan3A_5 = arith.addi %scan3A_3, %scan3A_4 : i32
    %scan3A_6 = arith.constant 1 : i32
    %scan3A_7 = scf.for %scan3A_32 = %scan3A_3 to %scan3A_5 step %scan3A_6 iter_args(%scan3A_33 = %scan3A) -> (i32)  : i32 {
      "tpu.region"() ({
        %run_scoped3A_35 = tpu.sem_alloc : memref<!tpu.dma_semaphore, #tpu.memory_space<semaphore_mem>>
        %dma_start3A = arith.constant 0 : i32
        %dma_start3A_36 = tpu.memref_slice %arg7[%scan3A_32, %dma_start3A] : memref<79x128xi32, #tpu.memory_space<vmem>> -> memref<1x128xi32, #tpu.memory_space<vmem>>
        %dma_start3A_37 = tpu.memref_squeeze %dma_start3A_36 : memref<1x128xi32, #tpu.memory_space<vmem>> -> memref<128xi32, #tpu.memory_space<vmem>>
        %dma_start3A_38 = arith.constant 0 : i32
        %dma_start3A_39 = arith.constant 0 : i32
        %dma_start3A_40 = tpu.memref_slice %arg10[%dma_start3A_38, %dma_start3A_39] : memref<5120x128xf32, #tpu.memory_space<vmem_shared>> -> memref<5120x128xf32, #tpu.memory_space<vmem_shared>>
        tpu.enqueue_indirect_dma source(%arg9 : memref<128x128xf32, #tpu.memory_space<vmem>>) target(%dma_start3A_40 : memref<5120x128xf32, #tpu.memory_space<vmem_shared>>) offsets(%dma_start3A_37 : memref<128xi32, #tpu.memory_space<vmem>>) semaphore(%run_scoped3A_35 : memref<!tpu.dma_semaphore, #tpu.memory_space<semaphore_mem>>) {add = true}
        %dma_wait3A = arith.constant 0 : i32
        %dma_wait3A_41 = tpu.memref_slice %arg7[%scan3A_32, %dma_wait3A] : memref<79x128xi32, #tpu.memory_space<vmem>> -> memref<1x128xi32, #tpu.memory_space<vmem>>
        %dma_wait3A_42 = tpu.memref_squeeze %dma_wait3A_41 : memref<1x128xi32, #tpu.memory_space<vmem>> -> memref<128xi32, #tpu.memory_space<vmem>>
        %dma_wait3A_43 = arith.constant 0 : i32
        %dma_wait3A_44 = arith.constant 0 : i32
        %dma_wait3A_45 = tpu.memref_slice %arg10[%dma_wait3A_43, %dma_wait3A_44] : memref<5120x128xf32, #tpu.memory_space<vmem_shared>> -> memref<5120x128xf32, #tpu.memory_space<vmem_shared>>
        tpu.wait_indirect_dma semaphore(%run_scoped3A_35 : memref<!tpu.dma_semaphore, #tpu.memory_space<semaphore_mem>>) src(%arg9 : memref<128x128xf32, #tpu.memory_space<vmem>>) dst(%dma_wait3A_45 : memref<5120x128xf32, #tpu.memory_space<vmem_shared>>)
        tpu.yield
      }) : () -> ()
      %scan3A_34 = arith.constant 0 : i32
      scf.yield %scan3A_34 : i32
    }
    %scan3A_8 = arith.constant 79 : i32
    %barrier3A_9 = arith.constant 0 : index
    tpu.barrier barrier_id(%barrier3A_9)
    %mul3A_10 = arith.constant 320 : i32
    %mul3A_11 = arith.muli %arg1, %mul3A_10 : i32
    %min3A = arith.constant 4680 : i32
    %min3A_12 = arith.minsi %mul3A_11, %min3A : i32
    %multiple_of3A = tpu.assume_multiple %min3A_12, 8 : i32
    %run_scoped3A = arith.constant 0 : i32
    "tpu.region"() ({
      %run_scoped3A_32 = tpu.sem_alloc : memref<!tpu.dma_semaphore, #tpu.memory_space<semaphore_mem>>
      %dma_start3A = arith.constant 0 : i32
      %dma_start3A_33 = arith.constant 0 : i32
      %dma_start3A_34 = arith.constant 0 : i32
      %dma_start3A_35 = tpu.memref_slice %arg6[%run_scoped3A, %dma_start3A, %dma_start3A_33, %dma_start3A_34] : memref<2x2x5000x128xf32, #tpu.memory_space<hbm>> -> memref<1x2x5000x128xf32, #tpu.memory_space<hbm>>
      %dma_start3A_36 = tpu.memref_squeeze %dma_start3A_35 : memref<1x2x5000x128xf32, #tpu.memory_space<hbm>> -> memref<2x5000x128xf32, #tpu.memory_space<hbm>>
      %dma_start3A_37 = arith.constant 0 : i32
      %dma_start3A_38 = arith.constant 0 : i32
      %dma_start3A_39 = tpu.memref_slice %dma_start3A_36[%arg0, %dma_start3A_37, %dma_start3A_38] : memref<2x5000x128xf32, #tpu.memory_space<hbm>> -> memref<1x5000x128xf32, #tpu.memory_space<hbm>>
      %dma_start3A_40 = tpu.memref_squeeze %dma_start3A_39 : memref<1x5000x128xf32, #tpu.memory_space<hbm>> -> memref<5000x128xf32, #tpu.memory_space<hbm>>
      %dma_start3A_41 = arith.constant 0 : i32
      %dma_start3A_42 = tpu.memref_slice %dma_start3A_40[%multiple_of3A, %dma_start3A_41] : memref<5000x128xf32, #tpu.memory_space<hbm>> -> memref<320x128xf32, #tpu.memory_space<hbm>>
      %dma_start3A_43 = arith.constant 0 : i32
      %dma_start3A_44 = tpu.memref_slice %arg10[%multiple_of3A, %dma_start3A_43] : memref<5120x128xf32, #tpu.memory_space<vmem_shared>> -> memref<320x128xf32, #tpu.memory_space<vmem_shared>>
      tpu.enqueue_dma source(%dma_start3A_44 : memref<320x128xf32, #tpu.memory_space<vmem_shared>>) target(%dma_start3A_42 : memref<320x128xf32, #tpu.memory_space<hbm>>) target_semaphore(%run_scoped3A_32 : memref<!tpu.dma_semaphore, #tpu.memory_space<semaphore_mem>>)
      %dma_wait3A = arith.constant 0 : i32
      %dma_wait3A_45 = arith.constant 0 : i32
      %dma_wait3A_46 = arith.constant 0 : i32
      %dma_wait3A_47 = tpu.memref_slice %arg6[%run_scoped3A, %dma_wait3A, %dma_wait3A_45, %dma_wait3A_46] : memref<2x2x5000x128xf32, #tpu.memory_space<hbm>> -> memref<1x2x5000x128xf32, #tpu.memory_space<hbm>>
      %dma_wait3A_48 = tpu.memref_squeeze %dma_wait3A_47 : memref<1x2x5000x128xf32, #tpu.memory_space<hbm>> -> memref<2x5000x128xf32, #tpu.memory_space<hbm>>
      %dma_wait3A_49 = arith.constant 0 : i32
      %dma_wait3A_50 = arith.constant 0 : i32
      %dma_wait3A_51 = tpu.memref_slice %dma_wait3A_48[%arg0, %dma_wait3A_49, %dma_wait3A_50] : memref<2x5000x128xf32, #tpu.memory_space<hbm>> -> memref<1x5000x128xf32, #tpu.memory_space<hbm>>
      %dma_wait3A_52 = tpu.memref_squeeze %dma_wait3A_51 : memref<1x5000x128xf32, #tpu.memory_space<hbm>> -> memref<5000x128xf32, #tpu.memory_space<hbm>>
      %dma_wait3A_53 = arith.constant 0 : i32
      %dma_wait3A_54 = tpu.memref_slice %dma_wait3A_52[%multiple_of3A, %dma_wait3A_53] : memref<5000x128xf32, #tpu.memory_space<hbm>> -> memref<320x128xf32, #tpu.memory_space<hbm>>
      %dma_wait3A_55 = arith.constant 0 : i32
      %dma_wait3A_56 = tpu.memref_slice %arg10[%multiple_of3A, %dma_wait3A_55] : memref<5120x128xf32, #tpu.memory_space<vmem_shared>> -> memref<320x128xf32, #tpu.memory_space<vmem_shared>>
      tpu.wait_dma2 semaphore(%run_scoped3A_32 : memref<!tpu.dma_semaphore, #tpu.memory_space<semaphore_mem>>) src(%dma_wait3A_56 : memref<320x128xf32, #tpu.memory_space<vmem_shared>>) dst(%dma_wait3A_54 : memref<320x128xf32, #tpu.memory_space<hbm>>)
      tpu.yield
    }) : () -> ()
    %barrier3A_13 = arith.constant 0 : index
    tpu.barrier barrier_id(%barrier3A_13)
    %mul3A_14 = arith.constant 320 : i32
    %mul3A_15 = arith.muli %arg1, %mul3A_14 : i32
    "tpu.region"() ({
      %run_scoped3A_32 = tpu.sem_alloc : memref<!tpu.dma_semaphore, #tpu.memory_space<semaphore_mem>>
      %dma_start3A = arith.constant 0 : i32
      %dma_start3A_33 = tpu.memref_slice %arg10[%mul3A_15, %dma_start3A] : memref<5120x128xf32, #tpu.memory_space<vmem_shared>> -> memref<320x128xf32, #tpu.memory_space<vmem_shared>>
      tpu.enqueue_dma source(%arg5 : memref<320x128xf32, #tpu.memory_space<hbm>>) target(%dma_start3A_33 : memref<320x128xf32, #tpu.memory_space<vmem_shared>>) target_semaphore(%run_scoped3A_32 : memref<!tpu.dma_semaphore, #tpu.memory_space<semaphore_mem>>)
      %dma_wait3A = arith.constant 0 : i32
      %dma_wait3A_34 = tpu.memref_slice %arg10[%mul3A_15, %dma_wait3A] : memref<5120x128xf32, #tpu.memory_space<vmem_shared>> -> memref<320x128xf32, #tpu.memory_space<vmem_shared>>
      tpu.wait_dma2 semaphore(%run_scoped3A_32 : memref<!tpu.dma_semaphore, #tpu.memory_space<semaphore_mem>>) src(%arg5 : memref<320x128xf32, #tpu.memory_space<hbm>>) dst(%dma_wait3A_34 : memref<320x128xf32, #tpu.memory_space<vmem_shared>>)
      tpu.yield
    }) : () -> ()
    %barrier3A_16 = arith.constant 0 : index
    tpu.barrier barrier_id(%barrier3A_16)
    %scan3A_17 = arith.constant 0 : i32
    %scan3A_18 = arith.constant 0 : i32
    %scan3A_19 = arith.constant 79 : i32
    %scan3A_20 = arith.addi %scan3A_18, %scan3A_19 : i32
    %scan3A_21 = arith.constant 1 : i32
    %scan3A_22 = scf.for %scan3A_32 = %scan3A_18 to %scan3A_20 step %scan3A_21 iter_args(%scan3A_33 = %scan3A_17) -> (i32)  : i32 {
      "tpu.region"() ({
        %run_scoped3A_35 = tpu.sem_alloc : memref<!tpu.dma_semaphore, #tpu.memory_space<semaphore_mem>>
        %dma_start3A = arith.constant 0 : i32
        %dma_start3A_36 = tpu.memref_slice %arg8[%scan3A_32, %dma_start3A] : memref<79x128xi32, #tpu.memory_space<vmem>> -> memref<1x128xi32, #tpu.memory_space<vmem>>
        %dma_start3A_37 = tpu.memref_squeeze %dma_start3A_36 : memref<1x128xi32, #tpu.memory_space<vmem>> -> memref<128xi32, #tpu.memory_space<vmem>>
        %dma_start3A_38 = arith.constant 0 : i32
        %dma_start3A_39 = arith.constant 0 : i32
        %dma_start3A_40 = tpu.memref_slice %arg10[%dma_start3A_38, %dma_start3A_39] : memref<5120x128xf32, #tpu.memory_space<vmem_shared>> -> memref<5120x128xf32, #tpu.memory_space<vmem_shared>>
        tpu.enqueue_indirect_dma source(%arg9 : memref<128x128xf32, #tpu.memory_space<vmem>>) target(%dma_start3A_40 : memref<5120x128xf32, #tpu.memory_space<vmem_shared>>) offsets(%dma_start3A_37 : memref<128xi32, #tpu.memory_space<vmem>>) semaphore(%run_scoped3A_35 : memref<!tpu.dma_semaphore, #tpu.memory_space<semaphore_mem>>) {add = true}
        %dma_wait3A = arith.constant 0 : i32
        %dma_wait3A_41 = tpu.memref_slice %arg8[%scan3A_32, %dma_wait3A] : memref<79x128xi32, #tpu.memory_space<vmem>> -> memref<1x128xi32, #tpu.memory_space<vmem>>
        %dma_wait3A_42 = tpu.memref_squeeze %dma_wait3A_41 : memref<1x128xi32, #tpu.memory_space<vmem>> -> memref<128xi32, #tpu.memory_space<vmem>>
        %dma_wait3A_43 = arith.constant 0 : i32
        %dma_wait3A_44 = arith.constant 0 : i32
        %dma_wait3A_45 = tpu.memref_slice %arg10[%dma_wait3A_43, %dma_wait3A_44] : memref<5120x128xf32, #tpu.memory_space<vmem_shared>> -> memref<5120x128xf32, #tpu.memory_space<vmem_shared>>
        tpu.wait_indirect_dma semaphore(%run_scoped3A_35 : memref<!tpu.dma_semaphore, #tpu.memory_space<semaphore_mem>>) src(%arg9 : memref<128x128xf32, #tpu.memory_space<vmem>>) dst(%dma_wait3A_45 : memref<5120x128xf32, #tpu.memory_space<vmem_shared>>)
        tpu.yield
      }) : () -> ()
      %scan3A_34 = arith.constant 0 : i32
      scf.yield %scan3A_34 : i32
    }
    %scan3A_23 = arith.constant 79 : i32
    %barrier3A_24 = arith.constant 0 : index
    tpu.barrier barrier_id(%barrier3A_24)
    %mul3A_25 = arith.constant 320 : i32
    %mul3A_26 = arith.muli %arg1, %mul3A_25 : i32
    %min3A_27 = arith.constant 4680 : i32
    %min3A_28 = arith.minsi %mul3A_26, %min3A_27 : i32
    %multiple_of3A_29 = tpu.assume_multiple %min3A_28, 8 : i32
    %run_scoped3A_30 = arith.constant 1 : i32
    "tpu.region"() ({
      %run_scoped3A_32 = tpu.sem_alloc : memref<!tpu.dma_semaphore, #tpu.memory_space<semaphore_mem>>
      %dma_start3A = arith.constant 0 : i32
      %dma_start3A_33 = arith.constant 0 : i32
      %dma_start3A_34 = arith.constant 0 : i32
      %dma_start3A_35 = tpu.memref_slice %arg6[%run_scoped3A_30, %dma_start3A, %dma_start3A_33, %dma_start3A_34] : memref<2x2x5000x128xf32, #tpu.memory_space<hbm>> -> memref<1x2x5000x128xf32, #tpu.memory_space<hbm>>
      %dma_start3A_36 = tpu.memref_squeeze %dma_start3A_35 : memref<1x2x5000x128xf32, #tpu.memory_space<hbm>> -> memref<2x5000x128xf32, #tpu.memory_space<hbm>>
      %dma_start3A_37 = arith.constant 0 : i32
      %dma_start3A_38 = arith.constant 0 : i32
      %dma_start3A_39 = tpu.memref_slice %dma_start3A_36[%arg0, %dma_start3A_37, %dma_start3A_38] : memref<2x5000x128xf32, #tpu.memory_space<hbm>> -> memref<1x5000x128xf32, #tpu.memory_space<hbm>>
      %dma_start3A_40 = tpu.memref_squeeze %dma_start3A_39 : memref<1x5000x128xf32, #tpu.memory_space<hbm>> -> memref<5000x128xf32, #tpu.memory_space<hbm>>
      %dma_start3A_41 = arith.constant 0 : i32
      %dma_start3A_42 = tpu.memref_slice %dma_start3A_40[%multiple_of3A_29, %dma_start3A_41] : memref<5000x128xf32, #tpu.memory_space<hbm>> -> memref<320x128xf32, #tpu.memory_space<hbm>>
      %dma_start3A_43 = arith.constant 0 : i32
      %dma_start3A_44 = tpu.memref_slice %arg10[%multiple_of3A_29, %dma_start3A_43] : memref<5120x128xf32, #tpu.memory_space<vmem_shared>> -> memref<320x128xf32, #tpu.memory_space<vmem_shared>>
      tpu.enqueue_dma source(%dma_start3A_44 : memref<320x128xf32, #tpu.memory_space<vmem_shared>>) target(%dma_start3A_42 : memref<320x128xf32, #tpu.memory_space<hbm>>) target_semaphore(%run_scoped3A_32 : memref<!tpu.dma_semaphore, #tpu.memory_space<semaphore_mem>>)
      %dma_wait3A = arith.constant 0 : i32
      %dma_wait3A_45 = arith.constant 0 : i32
      %dma_wait3A_46 = arith.constant 0 : i32
      %dma_wait3A_47 = tpu.memref_slice %arg6[%run_scoped3A_30, %dma_wait3A, %dma_wait3A_45, %dma_wait3A_46] : memref<2x2x5000x128xf32, #tpu.memory_space<hbm>> -> memref<1x2x5000x128xf32, #tpu.memory_space<hbm>>
      %dma_wait3A_48 = tpu.memref_squeeze %dma_wait3A_47 : memref<1x2x5000x128xf32, #tpu.memory_space<hbm>> -> memref<2x5000x128xf32, #tpu.memory_space<hbm>>
      %dma_wait3A_49 = arith.constant 0 : i32
      %dma_wait3A_50 = arith.constant 0 : i32
      %dma_wait3A_51 = tpu.memref_slice %dma_wait3A_48[%arg0, %dma_wait3A_49, %dma_wait3A_50] : memref<2x5000x128xf32, #tpu.memory_space<hbm>> -> memref<1x5000x128xf32, #tpu.memory_space<hbm>>
      %dma_wait3A_52 = tpu.memref_squeeze %dma_wait3A_51 : memref<1x5000x128xf32, #tpu.memory_space<hbm>> -> memref<5000x128xf32, #tpu.memory_space<hbm>>
      %dma_wait3A_53 = arith.constant 0 : i32
      %dma_wait3A_54 = tpu.memref_slice %dma_wait3A_52[%multiple_of3A_29, %dma_wait3A_53] : memref<5000x128xf32, #tpu.memory_space<hbm>> -> memref<320x128xf32, #tpu.memory_space<hbm>>
      %dma_wait3A_55 = arith.constant 0 : i32
      %dma_wait3A_56 = tpu.memref_slice %arg10[%multiple_of3A_29, %dma_wait3A_55] : memref<5120x128xf32, #tpu.memory_space<vmem_shared>> -> memref<320x128xf32, #tpu.memory_space<vmem_shared>>
      tpu.wait_dma2 semaphore(%run_scoped3A_32 : memref<!tpu.dma_semaphore, #tpu.memory_space<semaphore_mem>>) src(%dma_wait3A_56 : memref<320x128xf32, #tpu.memory_space<vmem_shared>>) dst(%dma_wait3A_54 : memref<320x128xf32, #tpu.memory_space<hbm>>)
      tpu.yield
    }) : () -> ()
    %barrier3A_31 = arith.constant 0 : index
    tpu.barrier barrier_id(%barrier3A_31)
    return
  }
}

#map = affine_map<(d0, d1) -> (0, 0)>
#map1 = affine_map<(d0, d1) -> (0, 0, 0)>
#map2 = affine_map<(d0, d1) -> (0, 0, 0, 0)>
module attributes {stable_mosaic.version = 14 : i64} {
  func.func @_sc_agg_body(%arg0: i32, %arg1: i32, %arg2: memref<10000x128xf32, #tpu.memory_space<hbm>>, %arg3: memref<32x79x128xi32, #tpu.memory_space<hbm>>, %arg4: memref<32x79x128xi32, #tpu.memory_space<hbm>>, %arg5: memref<32x79x128xi32, #tpu.memory_space<hbm>>, %arg6: memref<320x128xf32, #tpu.memory_space<hbm>>, %arg7: memref<2x2x5000x128xf32, #tpu.memory_space<hbm>>, %arg8: memref<79x128xi32, #tpu.memory_space<vmem>>, %arg9: memref<79x128xi32, #tpu.memory_space<vmem>>, %arg10: memref<79x128xi32, #tpu.memory_space<vmem>>, %arg11: memref<128x128xf32, #tpu.memory_space<vmem>>, %arg12: memref<128x128xf32, #tpu.memory_space<vmem>>, %arg13: memref<128x128xf32, #tpu.memory_space<vmem>>, %arg14: memref<5120x128xf32, #tpu.memory_space<vmem_shared>>, %arg15: memref<!tpu.dma_semaphore, #tpu.memory_space<semaphore_mem>>, %arg16: memref<!tpu.dma_semaphore, #tpu.memory_space<semaphore_mem>>, %arg17: memref<!tpu.dma_semaphore, #tpu.memory_space<semaphore_mem>>) attributes {dimension_semantics = [#tpu.dimension_semantics<core_parallel>, #tpu.dimension_semantics<subcore_parallel>], iteration_bounds = array<i64: 2, 16>, scalar_prefetch = 0 : i64, scratch_operands = 10 : i64, tpu.core_type = #tpu.core_type<sc_vector_subcore>, window_params = [{transform_indices = #map}, {transform_indices = #map1}, {transform_indices = #map1}, {transform_indices = #map1}, {transform_indices = #map}, {transform_indices = #map2}]} {
    %mul3A = arith.constant 16 : i32
    %mul3A_0 = arith.muli %arg0, %mul3A : i32
    %add3A = arith.addi %mul3A_0, %arg1 : i32
    "tpu.region"() ({
      %run_scoped3A_59 = tpu.sem_alloc : memref<!tpu.dma_semaphore, #tpu.memory_space<semaphore_mem>>
      %dma_start3A_60 = arith.constant 0 : i32
      %dma_start3A_61 = arith.constant 0 : i32
      %dma_start3A_62 = tpu.memref_slice %arg3[%add3A, %dma_start3A_60, %dma_start3A_61] : memref<32x79x128xi32, #tpu.memory_space<hbm>> -> memref<1x79x128xi32, #tpu.memory_space<hbm>>
      %dma_start3A_63 = tpu.memref_squeeze %dma_start3A_62 : memref<1x79x128xi32, #tpu.memory_space<hbm>> -> memref<79x128xi32, #tpu.memory_space<hbm>>
      %dma_start3A_64 = arith.constant 0 : i32
      %dma_start3A_65 = arith.constant 0 : i32
      %dma_start3A_66 = tpu.memref_slice %arg3[%add3A, %dma_start3A_64, %dma_start3A_65] : memref<32x79x128xi32, #tpu.memory_space<hbm>> -> memref<1x79x128xi32, #tpu.memory_space<hbm>>
      %dma_start3A_67 = tpu.memref_squeeze %dma_start3A_66 : memref<1x79x128xi32, #tpu.memory_space<hbm>> -> memref<79x128xi32, #tpu.memory_space<hbm>>
      tpu.enqueue_dma source(%dma_start3A_67 : memref<79x128xi32, #tpu.memory_space<hbm>>) target(%arg8 : memref<79x128xi32, #tpu.memory_space<vmem>>) target_semaphore(%run_scoped3A_59 : memref<!tpu.dma_semaphore, #tpu.memory_space<semaphore_mem>>)
      %dma_wait3A = arith.constant 0 : i32
      %dma_wait3A_68 = arith.constant 0 : i32
      %dma_wait3A_69 = tpu.memref_slice %arg3[%add3A, %dma_wait3A, %dma_wait3A_68] : memref<32x79x128xi32, #tpu.memory_space<hbm>> -> memref<1x79x128xi32, #tpu.memory_space<hbm>>
      %dma_wait3A_70 = tpu.memref_squeeze %dma_wait3A_69 : memref<1x79x128xi32, #tpu.memory_space<hbm>> -> memref<79x128xi32, #tpu.memory_space<hbm>>
      %dma_wait3A_71 = arith.constant 0 : i32
      %dma_wait3A_72 = arith.constant 0 : i32
      %dma_wait3A_73 = tpu.memref_slice %arg3[%add3A, %dma_wait3A_71, %dma_wait3A_72] : memref<32x79x128xi32, #tpu.memory_space<hbm>> -> memref<1x79x128xi32, #tpu.memory_space<hbm>>
      %dma_wait3A_74 = tpu.memref_squeeze %dma_wait3A_73 : memref<1x79x128xi32, #tpu.memory_space<hbm>> -> memref<79x128xi32, #tpu.memory_space<hbm>>
      tpu.wait_dma2 semaphore(%run_scoped3A_59 : memref<!tpu.dma_semaphore, #tpu.memory_space<semaphore_mem>>) src(%dma_wait3A_74 : memref<79x128xi32, #tpu.memory_space<hbm>>) dst(%arg8 : memref<79x128xi32, #tpu.memory_space<vmem>>)
      tpu.yield
    }) : () -> ()
    "tpu.region"() ({
      %run_scoped3A_59 = tpu.sem_alloc : memref<!tpu.dma_semaphore, #tpu.memory_space<semaphore_mem>>
      %dma_start3A_60 = arith.constant 0 : i32
      %dma_start3A_61 = arith.constant 0 : i32
      %dma_start3A_62 = tpu.memref_slice %arg4[%add3A, %dma_start3A_60, %dma_start3A_61] : memref<32x79x128xi32, #tpu.memory_space<hbm>> -> memref<1x79x128xi32, #tpu.memory_space<hbm>>
      %dma_start3A_63 = tpu.memref_squeeze %dma_start3A_62 : memref<1x79x128xi32, #tpu.memory_space<hbm>> -> memref<79x128xi32, #tpu.memory_space<hbm>>
      %dma_start3A_64 = arith.constant 0 : i32
      %dma_start3A_65 = arith.constant 0 : i32
      %dma_start3A_66 = tpu.memref_slice %arg4[%add3A, %dma_start3A_64, %dma_start3A_65] : memref<32x79x128xi32, #tpu.memory_space<hbm>> -> memref<1x79x128xi32, #tpu.memory_space<hbm>>
      %dma_start3A_67 = tpu.memref_squeeze %dma_start3A_66 : memref<1x79x128xi32, #tpu.memory_space<hbm>> -> memref<79x128xi32, #tpu.memory_space<hbm>>
      tpu.enqueue_dma source(%dma_start3A_67 : memref<79x128xi32, #tpu.memory_space<hbm>>) target(%arg9 : memref<79x128xi32, #tpu.memory_space<vmem>>) target_semaphore(%run_scoped3A_59 : memref<!tpu.dma_semaphore, #tpu.memory_space<semaphore_mem>>)
      %dma_wait3A = arith.constant 0 : i32
      %dma_wait3A_68 = arith.constant 0 : i32
      %dma_wait3A_69 = tpu.memref_slice %arg4[%add3A, %dma_wait3A, %dma_wait3A_68] : memref<32x79x128xi32, #tpu.memory_space<hbm>> -> memref<1x79x128xi32, #tpu.memory_space<hbm>>
      %dma_wait3A_70 = tpu.memref_squeeze %dma_wait3A_69 : memref<1x79x128xi32, #tpu.memory_space<hbm>> -> memref<79x128xi32, #tpu.memory_space<hbm>>
      %dma_wait3A_71 = arith.constant 0 : i32
      %dma_wait3A_72 = arith.constant 0 : i32
      %dma_wait3A_73 = tpu.memref_slice %arg4[%add3A, %dma_wait3A_71, %dma_wait3A_72] : memref<32x79x128xi32, #tpu.memory_space<hbm>> -> memref<1x79x128xi32, #tpu.memory_space<hbm>>
      %dma_wait3A_74 = tpu.memref_squeeze %dma_wait3A_73 : memref<1x79x128xi32, #tpu.memory_space<hbm>> -> memref<79x128xi32, #tpu.memory_space<hbm>>
      tpu.wait_dma2 semaphore(%run_scoped3A_59 : memref<!tpu.dma_semaphore, #tpu.memory_space<semaphore_mem>>) src(%dma_wait3A_74 : memref<79x128xi32, #tpu.memory_space<hbm>>) dst(%arg9 : memref<79x128xi32, #tpu.memory_space<vmem>>)
      tpu.yield
    }) : () -> ()
    "tpu.region"() ({
      %run_scoped3A_59 = tpu.sem_alloc : memref<!tpu.dma_semaphore, #tpu.memory_space<semaphore_mem>>
      %dma_start3A_60 = arith.constant 0 : i32
      %dma_start3A_61 = arith.constant 0 : i32
      %dma_start3A_62 = tpu.memref_slice %arg5[%add3A, %dma_start3A_60, %dma_start3A_61] : memref<32x79x128xi32, #tpu.memory_space<hbm>> -> memref<1x79x128xi32, #tpu.memory_space<hbm>>
      %dma_start3A_63 = tpu.memref_squeeze %dma_start3A_62 : memref<1x79x128xi32, #tpu.memory_space<hbm>> -> memref<79x128xi32, #tpu.memory_space<hbm>>
      %dma_start3A_64 = arith.constant 0 : i32
      %dma_start3A_65 = arith.constant 0 : i32
      %dma_start3A_66 = tpu.memref_slice %arg5[%add3A, %dma_start3A_64, %dma_start3A_65] : memref<32x79x128xi32, #tpu.memory_space<hbm>> -> memref<1x79x128xi32, #tpu.memory_space<hbm>>
      %dma_start3A_67 = tpu.memref_squeeze %dma_start3A_66 : memref<1x79x128xi32, #tpu.memory_space<hbm>> -> memref<79x128xi32, #tpu.memory_space<hbm>>
      tpu.enqueue_dma source(%dma_start3A_67 : memref<79x128xi32, #tpu.memory_space<hbm>>) target(%arg10 : memref<79x128xi32, #tpu.memory_space<vmem>>) target_semaphore(%run_scoped3A_59 : memref<!tpu.dma_semaphore, #tpu.memory_space<semaphore_mem>>)
      %dma_wait3A = arith.constant 0 : i32
      %dma_wait3A_68 = arith.constant 0 : i32
      %dma_wait3A_69 = tpu.memref_slice %arg5[%add3A, %dma_wait3A, %dma_wait3A_68] : memref<32x79x128xi32, #tpu.memory_space<hbm>> -> memref<1x79x128xi32, #tpu.memory_space<hbm>>
      %dma_wait3A_70 = tpu.memref_squeeze %dma_wait3A_69 : memref<1x79x128xi32, #tpu.memory_space<hbm>> -> memref<79x128xi32, #tpu.memory_space<hbm>>
      %dma_wait3A_71 = arith.constant 0 : i32
      %dma_wait3A_72 = arith.constant 0 : i32
      %dma_wait3A_73 = tpu.memref_slice %arg5[%add3A, %dma_wait3A_71, %dma_wait3A_72] : memref<32x79x128xi32, #tpu.memory_space<hbm>> -> memref<1x79x128xi32, #tpu.memory_space<hbm>>
      %dma_wait3A_74 = tpu.memref_squeeze %dma_wait3A_73 : memref<1x79x128xi32, #tpu.memory_space<hbm>> -> memref<79x128xi32, #tpu.memory_space<hbm>>
      tpu.wait_dma2 semaphore(%run_scoped3A_59 : memref<!tpu.dma_semaphore, #tpu.memory_space<semaphore_mem>>) src(%dma_wait3A_74 : memref<79x128xi32, #tpu.memory_space<hbm>>) dst(%arg10 : memref<79x128xi32, #tpu.memory_space<vmem>>)
      tpu.yield
    }) : () -> ()
    %mul3A_1 = arith.constant 320 : i32
    %mul3A_2 = arith.muli %arg1, %mul3A_1 : i32
    "tpu.region"() ({
      %run_scoped3A_59 = tpu.sem_alloc : memref<!tpu.dma_semaphore, #tpu.memory_space<semaphore_mem>>
      %dma_start3A_60 = arith.constant 0 : i32
      %dma_start3A_61 = tpu.memref_slice %arg14[%mul3A_2, %dma_start3A_60] : memref<5120x128xf32, #tpu.memory_space<vmem_shared>> -> memref<320x128xf32, #tpu.memory_space<vmem_shared>>
      tpu.enqueue_dma source(%arg6 : memref<320x128xf32, #tpu.memory_space<hbm>>) target(%dma_start3A_61 : memref<320x128xf32, #tpu.memory_space<vmem_shared>>) target_semaphore(%run_scoped3A_59 : memref<!tpu.dma_semaphore, #tpu.memory_space<semaphore_mem>>)
      %dma_wait3A = arith.constant 0 : i32
      %dma_wait3A_62 = tpu.memref_slice %arg14[%mul3A_2, %dma_wait3A] : memref<5120x128xf32, #tpu.memory_space<vmem_shared>> -> memref<320x128xf32, #tpu.memory_space<vmem_shared>>
      tpu.wait_dma2 semaphore(%run_scoped3A_59 : memref<!tpu.dma_semaphore, #tpu.memory_space<semaphore_mem>>) src(%arg6 : memref<320x128xf32, #tpu.memory_space<hbm>>) dst(%dma_wait3A_62 : memref<320x128xf32, #tpu.memory_space<vmem_shared>>)
      tpu.yield
    }) : () -> ()
    %barrier3A = arith.constant 0 : index
    tpu.barrier barrier_id(%barrier3A)
    %dma_start3A = arith.constant 0 : i32
    %dma_start3A_3 = arith.constant 0 : i32
    %dma_start3A_4 = tpu.memref_slice %arg8[%dma_start3A, %dma_start3A_3] : memref<79x128xi32, #tpu.memory_space<vmem>> -> memref<1x128xi32, #tpu.memory_space<vmem>>
    %dma_start3A_5 = tpu.memref_squeeze %dma_start3A_4 : memref<1x128xi32, #tpu.memory_space<vmem>> -> memref<128xi32, #tpu.memory_space<vmem>>
    %dma_start3A_6 = arith.constant 0 : i32
    %dma_start3A_7 = arith.constant 0 : i32
    %dma_start3A_8 = tpu.memref_slice %arg2[%dma_start3A_6, %dma_start3A_7] : memref<10000x128xf32, #tpu.memory_space<hbm>> -> memref<10000x128xf32, #tpu.memory_space<hbm>>
    tpu.enqueue_indirect_dma source(%dma_start3A_8 : memref<10000x128xf32, #tpu.memory_space<hbm>>) target(%arg11 : memref<128x128xf32, #tpu.memory_space<vmem>>) offsets(%dma_start3A_5 : memref<128xi32, #tpu.memory_space<vmem>>) semaphore(%arg15 : memref<!tpu.dma_semaphore, #tpu.memory_space<semaphore_mem>>)
    %dma_start3A_9 = arith.constant 1 : i32
    %dma_start3A_10 = arith.constant 0 : i32
    %dma_start3A_11 = tpu.memref_slice %arg8[%dma_start3A_9, %dma_start3A_10] : memref<79x128xi32, #tpu.memory_space<vmem>> -> memref<1x128xi32, #tpu.memory_space<vmem>>
    %dma_start3A_12 = tpu.memref_squeeze %dma_start3A_11 : memref<1x128xi32, #tpu.memory_space<vmem>> -> memref<128xi32, #tpu.memory_space<vmem>>
    %dma_start3A_13 = arith.constant 0 : i32
    %dma_start3A_14 = arith.constant 0 : i32
    %dma_start3A_15 = tpu.memref_slice %arg2[%dma_start3A_13, %dma_start3A_14] : memref<10000x128xf32, #tpu.memory_space<hbm>> -> memref<10000x128xf32, #tpu.memory_space<hbm>>
    tpu.enqueue_indirect_dma source(%dma_start3A_15 : memref<10000x128xf32, #tpu.memory_space<hbm>>) target(%arg12 : memref<128x128xf32, #tpu.memory_space<vmem>>) offsets(%dma_start3A_12 : memref<128xi32, #tpu.memory_space<vmem>>) semaphore(%arg16 : memref<!tpu.dma_semaphore, #tpu.memory_space<semaphore_mem>>)
    %scan3A = arith.constant 0 : i32
    %scan3A_16 = arith.constant 0 : i32
    %scan3A_17 = arith.constant 79 : i32
    %scan3A_18 = arith.addi %scan3A_16, %scan3A_17 : i32
    %scan3A_19 = arith.constant 1 : i32
    %scan3A_20 = scf.for %scan3A_59 = %scan3A_16 to %scan3A_18 step %scan3A_19 iter_args(%scan3A_60 = %scan3A) -> (i32)  : i32 {
      %jit3A = arith.constant 3 : i32
      %eq3A = arith.constant 0 : i32
      %eq3A_61 = arith.cmpi eq, %jit3A, %eq3A : i32
      %jit3A_62 = arith.constant 1 : i32
      %select_n3A = arith.select %eq3A_61, %jit3A_62, %jit3A : i32
      %rem3A = arith.remsi %scan3A_59, %select_n3A : i32
      %ne3A = arith.constant 0 : i32
      %ne3A_63 = arith.cmpi ne, %rem3A, %ne3A : i32
      %lt3A = arith.constant 0 : i32
      %lt3A_64 = arith.cmpi slt, %rem3A, %lt3A : i32
      %lt3A_65 = arith.constant 0 : i32
      %lt3A_66 = arith.cmpi slt, %select_n3A, %lt3A_65 : i32
      %ne3A_67 = arith.xori %lt3A_64, %lt3A_66 : i1
      %and3A = arith.andi %ne3A_67, %ne3A_63 : i1
      %add3A_68 = arith.addi %rem3A, %select_n3A : i32
      %select_n3A_69 = arith.select %and3A, %add3A_68, %rem3A : i32
      %eq3A_70 = arith.constant 0 : i32
      %eq3A_71 = arith.cmpi eq, %select_n3A_69, %eq3A_70 : i32
      %convert_element_type3A = arith.extui %eq3A_71 : i1 to i32
      %cond3A = arith.constant 0 : i32
      %cond3A_72 = arith.cmpi ne, %convert_element_type3A, %cond3A : i32
      scf.if %cond3A_72 {
        %add3A_84 = arith.constant 2 : i32
        %add3A_85 = arith.addi %scan3A_59, %add3A_84 : i32
        %lt3A_86 = arith.constant 79 : i32
        %lt3A_87 = arith.cmpi slt, %add3A_85, %lt3A_86 : i32
        %convert_element_type3A_88 = arith.extui %lt3A_87 : i1 to i32
        %cond3A_89 = arith.constant 0 : i32
        %cond3A_90 = arith.cmpi ne, %convert_element_type3A_88, %cond3A_89 : i32
        scf.if %cond3A_90 {
          %add3A_96 = arith.constant 2 : i32
          %add3A_97 = arith.addi %scan3A_59, %add3A_96 : i32
          %dma_start3A_98 = arith.constant 0 : i32
          %dma_start3A_99 = tpu.memref_slice %arg8[%add3A_97, %dma_start3A_98] : memref<79x128xi32, #tpu.memory_space<vmem>> -> memref<1x128xi32, #tpu.memory_space<vmem>>
          %dma_start3A_100 = tpu.memref_squeeze %dma_start3A_99 : memref<1x128xi32, #tpu.memory_space<vmem>> -> memref<128xi32, #tpu.memory_space<vmem>>
          %dma_start3A_101 = arith.constant 0 : i32
          %dma_start3A_102 = arith.constant 0 : i32
          %dma_start3A_103 = tpu.memref_slice %arg2[%dma_start3A_101, %dma_start3A_102] : memref<10000x128xf32, #tpu.memory_space<hbm>> -> memref<10000x128xf32, #tpu.memory_space<hbm>>
          tpu.enqueue_indirect_dma source(%dma_start3A_103 : memref<10000x128xf32, #tpu.memory_space<hbm>>) target(%arg13 : memref<128x128xf32, #tpu.memory_space<vmem>>) offsets(%dma_start3A_100 : memref<128xi32, #tpu.memory_space<vmem>>) semaphore(%arg17 : memref<!tpu.dma_semaphore, #tpu.memory_space<semaphore_mem>>)
        } else {
        }
        %dma_wait3A = arith.constant 0 : i32
        %dma_wait3A_91 = tpu.memref_slice %arg8[%scan3A_59, %dma_wait3A] : memref<79x128xi32, #tpu.memory_space<vmem>> -> memref<1x128xi32, #tpu.memory_space<vmem>>
        %dma_wait3A_92 = tpu.memref_squeeze %dma_wait3A_91 : memref<1x128xi32, #tpu.memory_space<vmem>> -> memref<128xi32, #tpu.memory_space<vmem>>
        %dma_wait3A_93 = arith.constant 0 : i32
        %dma_wait3A_94 = arith.constant 0 : i32
        %dma_wait3A_95 = tpu.memref_slice %arg2[%dma_wait3A_93, %dma_wait3A_94] : memref<10000x128xf32, #tpu.memory_space<hbm>> -> memref<10000x128xf32, #tpu.memory_space<hbm>>
        tpu.wait_indirect_dma semaphore(%arg15 : memref<!tpu.dma_semaphore, #tpu.memory_space<semaphore_mem>>) src(%dma_wait3A_95 : memref<10000x128xf32, #tpu.memory_space<hbm>>) dst(%arg11 : memref<128x128xf32, #tpu.memory_space<vmem>>)
        "tpu.region"() ({
          %run_scoped3A_96 = tpu.sem_alloc : memref<!tpu.dma_semaphore, #tpu.memory_space<semaphore_mem>>
          %dma_start3A_97 = arith.constant 0 : i32
          %dma_start3A_98 = tpu.memref_slice %arg9[%scan3A_59, %dma_start3A_97] : memref<79x128xi32, #tpu.memory_space<vmem>> -> memref<1x128xi32, #tpu.memory_space<vmem>>
          %dma_start3A_99 = tpu.memref_squeeze %dma_start3A_98 : memref<1x128xi32, #tpu.memory_space<vmem>> -> memref<128xi32, #tpu.memory_space<vmem>>
          %dma_start3A_100 = arith.constant 0 : i32
          %dma_start3A_101 = arith.constant 0 : i32
          %dma_start3A_102 = tpu.memref_slice %arg14[%dma_start3A_100, %dma_start3A_101] : memref<5120x128xf32, #tpu.memory_space<vmem_shared>> -> memref<5120x128xf32, #tpu.memory_space<vmem_shared>>
          tpu.enqueue_indirect_dma source(%arg11 : memref<128x128xf32, #tpu.memory_space<vmem>>) target(%dma_start3A_102 : memref<5120x128xf32, #tpu.memory_space<vmem_shared>>) offsets(%dma_start3A_99 : memref<128xi32, #tpu.memory_space<vmem>>) semaphore(%run_scoped3A_96 : memref<!tpu.dma_semaphore, #tpu.memory_space<semaphore_mem>>) {add = true}
          %dma_wait3A_103 = arith.constant 0 : i32
          %dma_wait3A_104 = tpu.memref_slice %arg9[%scan3A_59, %dma_wait3A_103] : memref<79x128xi32, #tpu.memory_space<vmem>> -> memref<1x128xi32, #tpu.memory_space<vmem>>
          %dma_wait3A_105 = tpu.memref_squeeze %dma_wait3A_104 : memref<1x128xi32, #tpu.memory_space<vmem>> -> memref<128xi32, #tpu.memory_space<vmem>>
          %dma_wait3A_106 = arith.constant 0 : i32
          %dma_wait3A_107 = arith.constant 0 : i32
          %dma_wait3A_108 = tpu.memref_slice %arg14[%dma_wait3A_106, %dma_wait3A_107] : memref<5120x128xf32, #tpu.memory_space<vmem_shared>> -> memref<5120x128xf32, #tpu.memory_space<vmem_shared>>
          tpu.wait_indirect_dma semaphore(%run_scoped3A_96 : memref<!tpu.dma_semaphore, #tpu.memory_space<semaphore_mem>>) src(%arg11 : memref<128x128xf32, #tpu.memory_space<vmem>>) dst(%dma_wait3A_108 : memref<5120x128xf32, #tpu.memory_space<vmem_shared>>)
          tpu.yield
        }) : () -> ()
      } else {
      }
      %eq3A_73 = arith.constant 1 : i32
      %eq3A_74 = arith.cmpi eq, %select_n3A_69, %eq3A_73 : i32
      %convert_element_type3A_75 = arith.extui %eq3A_74 : i1 to i32
      %cond3A_76 = arith.constant 0 : i32
      %cond3A_77 = arith.cmpi ne, %convert_element_type3A_75, %cond3A_76 : i32
      scf.if %cond3A_77 {
        %add3A_84 = arith.constant 2 : i32
        %add3A_85 = arith.addi %scan3A_59, %add3A_84 : i32
        %lt3A_86 = arith.constant 79 : i32
        %lt3A_87 = arith.cmpi slt, %add3A_85, %lt3A_86 : i32
        %convert_element_type3A_88 = arith.extui %lt3A_87 : i1 to i32
        %cond3A_89 = arith.constant 0 : i32
        %cond3A_90 = arith.cmpi ne, %convert_element_type3A_88, %cond3A_89 : i32
        scf.if %cond3A_90 {
          %add3A_96 = arith.constant 2 : i32
          %add3A_97 = arith.addi %scan3A_59, %add3A_96 : i32
          %dma_start3A_98 = arith.constant 0 : i32
          %dma_start3A_99 = tpu.memref_slice %arg8[%add3A_97, %dma_start3A_98] : memref<79x128xi32, #tpu.memory_space<vmem>> -> memref<1x128xi32, #tpu.memory_space<vmem>>
          %dma_start3A_100 = tpu.memref_squeeze %dma_start3A_99 : memref<1x128xi32, #tpu.memory_space<vmem>> -> memref<128xi32, #tpu.memory_space<vmem>>
          %dma_start3A_101 = arith.constant 0 : i32
          %dma_start3A_102 = arith.constant 0 : i32
          %dma_start3A_103 = tpu.memref_slice %arg2[%dma_start3A_101, %dma_start3A_102] : memref<10000x128xf32, #tpu.memory_space<hbm>> -> memref<10000x128xf32, #tpu.memory_space<hbm>>
          tpu.enqueue_indirect_dma source(%dma_start3A_103 : memref<10000x128xf32, #tpu.memory_space<hbm>>) target(%arg11 : memref<128x128xf32, #tpu.memory_space<vmem>>) offsets(%dma_start3A_100 : memref<128xi32, #tpu.memory_space<vmem>>) semaphore(%arg15 : memref<!tpu.dma_semaphore, #tpu.memory_space<semaphore_mem>>)
        } else {
        }
        %dma_wait3A = arith.constant 0 : i32
        %dma_wait3A_91 = tpu.memref_slice %arg8[%scan3A_59, %dma_wait3A] : memref<79x128xi32, #tpu.memory_space<vmem>> -> memref<1x128xi32, #tpu.memory_space<vmem>>
        %dma_wait3A_92 = tpu.memref_squeeze %dma_wait3A_91 : memref<1x128xi32, #tpu.memory_space<vmem>> -> memref<128xi32, #tpu.memory_space<vmem>>
        %dma_wait3A_93 = arith.constant 0 : i32
        %dma_wait3A_94 = arith.constant 0 : i32
        %dma_wait3A_95 = tpu.memref_slice %arg2[%dma_wait3A_93, %dma_wait3A_94] : memref<10000x128xf32, #tpu.memory_space<hbm>> -> memref<10000x128xf32, #tpu.memory_space<hbm>>
        tpu.wait_indirect_dma semaphore(%arg16 : memref<!tpu.dma_semaphore, #tpu.memory_space<semaphore_mem>>) src(%dma_wait3A_95 : memref<10000x128xf32, #tpu.memory_space<hbm>>) dst(%arg12 : memref<128x128xf32, #tpu.memory_space<vmem>>)
        "tpu.region"() ({
          %run_scoped3A_96 = tpu.sem_alloc : memref<!tpu.dma_semaphore, #tpu.memory_space<semaphore_mem>>
          %dma_start3A_97 = arith.constant 0 : i32
          %dma_start3A_98 = tpu.memref_slice %arg9[%scan3A_59, %dma_start3A_97] : memref<79x128xi32, #tpu.memory_space<vmem>> -> memref<1x128xi32, #tpu.memory_space<vmem>>
          %dma_start3A_99 = tpu.memref_squeeze %dma_start3A_98 : memref<1x128xi32, #tpu.memory_space<vmem>> -> memref<128xi32, #tpu.memory_space<vmem>>
          %dma_start3A_100 = arith.constant 0 : i32
          %dma_start3A_101 = arith.constant 0 : i32
          %dma_start3A_102 = tpu.memref_slice %arg14[%dma_start3A_100, %dma_start3A_101] : memref<5120x128xf32, #tpu.memory_space<vmem_shared>> -> memref<5120x128xf32, #tpu.memory_space<vmem_shared>>
          tpu.enqueue_indirect_dma source(%arg12 : memref<128x128xf32, #tpu.memory_space<vmem>>) target(%dma_start3A_102 : memref<5120x128xf32, #tpu.memory_space<vmem_shared>>) offsets(%dma_start3A_99 : memref<128xi32, #tpu.memory_space<vmem>>) semaphore(%run_scoped3A_96 : memref<!tpu.dma_semaphore, #tpu.memory_space<semaphore_mem>>) {add = true}
          %dma_wait3A_103 = arith.constant 0 : i32
          %dma_wait3A_104 = tpu.memref_slice %arg9[%scan3A_59, %dma_wait3A_103] : memref<79x128xi32, #tpu.memory_space<vmem>> -> memref<1x128xi32, #tpu.memory_space<vmem>>
          %dma_wait3A_105 = tpu.memref_squeeze %dma_wait3A_104 : memref<1x128xi32, #tpu.memory_space<vmem>> -> memref<128xi32, #tpu.memory_space<vmem>>
          %dma_wait3A_106 = arith.constant 0 : i32
          %dma_wait3A_107 = arith.constant 0 : i32
          %dma_wait3A_108 = tpu.memref_slice %arg14[%dma_wait3A_106, %dma_wait3A_107] : memref<5120x128xf32, #tpu.memory_space<vmem_shared>> -> memref<5120x128xf32, #tpu.memory_space<vmem_shared>>
          tpu.wait_indirect_dma semaphore(%run_scoped3A_96 : memref<!tpu.dma_semaphore, #tpu.memory_space<semaphore_mem>>) src(%arg12 : memref<128x128xf32, #tpu.memory_space<vmem>>) dst(%dma_wait3A_108 : memref<5120x128xf32, #tpu.memory_space<vmem_shared>>)
          tpu.yield
        }) : () -> ()
      } else {
      }
      %eq3A_78 = arith.constant 2 : i32
      %eq3A_79 = arith.cmpi eq, %select_n3A_69, %eq3A_78 : i32
      %convert_element_type3A_80 = arith.extui %eq3A_79 : i1 to i32
      %cond3A_81 = arith.constant 0 : i32
      %cond3A_82 = arith.cmpi ne, %convert_element_type3A_80, %cond3A_81 : i32
      scf.if %cond3A_82 {
        %add3A_84 = arith.constant 2 : i32
        %add3A_85 = arith.addi %scan3A_59, %add3A_84 : i32
        %lt3A_86 = arith.constant 79 : i32
        %lt3A_87 = arith.cmpi slt, %add3A_85, %lt3A_86 : i32
        %convert_element_type3A_88 = arith.extui %lt3A_87 : i1 to i32
        %cond3A_89 = arith.constant 0 : i32
        %cond3A_90 = arith.cmpi ne, %convert_element_type3A_88, %cond3A_89 : i32
        scf.if %cond3A_90 {
          %add3A_96 = arith.constant 2 : i32
          %add3A_97 = arith.addi %scan3A_59, %add3A_96 : i32
          %dma_start3A_98 = arith.constant 0 : i32
          %dma_start3A_99 = tpu.memref_slice %arg8[%add3A_97, %dma_start3A_98] : memref<79x128xi32, #tpu.memory_space<vmem>> -> memref<1x128xi32, #tpu.memory_space<vmem>>
          %dma_start3A_100 = tpu.memref_squeeze %dma_start3A_99 : memref<1x128xi32, #tpu.memory_space<vmem>> -> memref<128xi32, #tpu.memory_space<vmem>>
          %dma_start3A_101 = arith.constant 0 : i32
          %dma_start3A_102 = arith.constant 0 : i32
          %dma_start3A_103 = tpu.memref_slice %arg2[%dma_start3A_101, %dma_start3A_102] : memref<10000x128xf32, #tpu.memory_space<hbm>> -> memref<10000x128xf32, #tpu.memory_space<hbm>>
          tpu.enqueue_indirect_dma source(%dma_start3A_103 : memref<10000x128xf32, #tpu.memory_space<hbm>>) target(%arg12 : memref<128x128xf32, #tpu.memory_space<vmem>>) offsets(%dma_start3A_100 : memref<128xi32, #tpu.memory_space<vmem>>) semaphore(%arg16 : memref<!tpu.dma_semaphore, #tpu.memory_space<semaphore_mem>>)
        } else {
        }
        %dma_wait3A = arith.constant 0 : i32
        %dma_wait3A_91 = tpu.memref_slice %arg8[%scan3A_59, %dma_wait3A] : memref<79x128xi32, #tpu.memory_space<vmem>> -> memref<1x128xi32, #tpu.memory_space<vmem>>
        %dma_wait3A_92 = tpu.memref_squeeze %dma_wait3A_91 : memref<1x128xi32, #tpu.memory_space<vmem>> -> memref<128xi32, #tpu.memory_space<vmem>>
        %dma_wait3A_93 = arith.constant 0 : i32
        %dma_wait3A_94 = arith.constant 0 : i32
        %dma_wait3A_95 = tpu.memref_slice %arg2[%dma_wait3A_93, %dma_wait3A_94] : memref<10000x128xf32, #tpu.memory_space<hbm>> -> memref<10000x128xf32, #tpu.memory_space<hbm>>
        tpu.wait_indirect_dma semaphore(%arg17 : memref<!tpu.dma_semaphore, #tpu.memory_space<semaphore_mem>>) src(%dma_wait3A_95 : memref<10000x128xf32, #tpu.memory_space<hbm>>) dst(%arg13 : memref<128x128xf32, #tpu.memory_space<vmem>>)
        "tpu.region"() ({
          %run_scoped3A_96 = tpu.sem_alloc : memref<!tpu.dma_semaphore, #tpu.memory_space<semaphore_mem>>
          %dma_start3A_97 = arith.constant 0 : i32
          %dma_start3A_98 = tpu.memref_slice %arg9[%scan3A_59, %dma_start3A_97] : memref<79x128xi32, #tpu.memory_space<vmem>> -> memref<1x128xi32, #tpu.memory_space<vmem>>
          %dma_start3A_99 = tpu.memref_squeeze %dma_start3A_98 : memref<1x128xi32, #tpu.memory_space<vmem>> -> memref<128xi32, #tpu.memory_space<vmem>>
          %dma_start3A_100 = arith.constant 0 : i32
          %dma_start3A_101 = arith.constant 0 : i32
          %dma_start3A_102 = tpu.memref_slice %arg14[%dma_start3A_100, %dma_start3A_101] : memref<5120x128xf32, #tpu.memory_space<vmem_shared>> -> memref<5120x128xf32, #tpu.memory_space<vmem_shared>>
          tpu.enqueue_indirect_dma source(%arg13 : memref<128x128xf32, #tpu.memory_space<vmem>>) target(%dma_start3A_102 : memref<5120x128xf32, #tpu.memory_space<vmem_shared>>) offsets(%dma_start3A_99 : memref<128xi32, #tpu.memory_space<vmem>>) semaphore(%run_scoped3A_96 : memref<!tpu.dma_semaphore, #tpu.memory_space<semaphore_mem>>) {add = true}
          %dma_wait3A_103 = arith.constant 0 : i32
          %dma_wait3A_104 = tpu.memref_slice %arg9[%scan3A_59, %dma_wait3A_103] : memref<79x128xi32, #tpu.memory_space<vmem>> -> memref<1x128xi32, #tpu.memory_space<vmem>>
          %dma_wait3A_105 = tpu.memref_squeeze %dma_wait3A_104 : memref<1x128xi32, #tpu.memory_space<vmem>> -> memref<128xi32, #tpu.memory_space<vmem>>
          %dma_wait3A_106 = arith.constant 0 : i32
          %dma_wait3A_107 = arith.constant 0 : i32
          %dma_wait3A_108 = tpu.memref_slice %arg14[%dma_wait3A_106, %dma_wait3A_107] : memref<5120x128xf32, #tpu.memory_space<vmem_shared>> -> memref<5120x128xf32, #tpu.memory_space<vmem_shared>>
          tpu.wait_indirect_dma semaphore(%run_scoped3A_96 : memref<!tpu.dma_semaphore, #tpu.memory_space<semaphore_mem>>) src(%arg13 : memref<128x128xf32, #tpu.memory_space<vmem>>) dst(%dma_wait3A_108 : memref<5120x128xf32, #tpu.memory_space<vmem_shared>>)
          tpu.yield
        }) : () -> ()
      } else {
      }
      %scan3A_83 = arith.constant 0 : i32
      scf.yield %scan3A_83 : i32
    }
    %scan3A_21 = arith.constant 79 : i32
    %barrier3A_22 = arith.constant 0 : index
    tpu.barrier barrier_id(%barrier3A_22)
    %mul3A_23 = arith.constant 320 : i32
    %mul3A_24 = arith.muli %arg1, %mul3A_23 : i32
    %min3A = arith.constant 4680 : i32
    %min3A_25 = arith.minsi %mul3A_24, %min3A : i32
    %multiple_of3A = tpu.assume_multiple %min3A_25, 8 : i32
    %run_scoped3A = arith.constant 0 : i32
    "tpu.region"() ({
      %run_scoped3A_59 = tpu.sem_alloc : memref<!tpu.dma_semaphore, #tpu.memory_space<semaphore_mem>>
      %dma_start3A_60 = arith.constant 0 : i32
      %dma_start3A_61 = arith.constant 0 : i32
      %dma_start3A_62 = arith.constant 0 : i32
      %dma_start3A_63 = tpu.memref_slice %arg7[%run_scoped3A, %dma_start3A_60, %dma_start3A_61, %dma_start3A_62] : memref<2x2x5000x128xf32, #tpu.memory_space<hbm>> -> memref<1x2x5000x128xf32, #tpu.memory_space<hbm>>
      %dma_start3A_64 = tpu.memref_squeeze %dma_start3A_63 : memref<1x2x5000x128xf32, #tpu.memory_space<hbm>> -> memref<2x5000x128xf32, #tpu.memory_space<hbm>>
      %dma_start3A_65 = arith.constant 0 : i32
      %dma_start3A_66 = arith.constant 0 : i32
      %dma_start3A_67 = tpu.memref_slice %dma_start3A_64[%arg0, %dma_start3A_65, %dma_start3A_66] : memref<2x5000x128xf32, #tpu.memory_space<hbm>> -> memref<1x5000x128xf32, #tpu.memory_space<hbm>>
      %dma_start3A_68 = tpu.memref_squeeze %dma_start3A_67 : memref<1x5000x128xf32, #tpu.memory_space<hbm>> -> memref<5000x128xf32, #tpu.memory_space<hbm>>
      %dma_start3A_69 = arith.constant 0 : i32
      %dma_start3A_70 = tpu.memref_slice %dma_start3A_68[%multiple_of3A, %dma_start3A_69] : memref<5000x128xf32, #tpu.memory_space<hbm>> -> memref<320x128xf32, #tpu.memory_space<hbm>>
      %dma_start3A_71 = arith.constant 0 : i32
      %dma_start3A_72 = tpu.memref_slice %arg14[%multiple_of3A, %dma_start3A_71] : memref<5120x128xf32, #tpu.memory_space<vmem_shared>> -> memref<320x128xf32, #tpu.memory_space<vmem_shared>>
      tpu.enqueue_dma source(%dma_start3A_72 : memref<320x128xf32, #tpu.memory_space<vmem_shared>>) target(%dma_start3A_70 : memref<320x128xf32, #tpu.memory_space<hbm>>) target_semaphore(%run_scoped3A_59 : memref<!tpu.dma_semaphore, #tpu.memory_space<semaphore_mem>>)
      %dma_wait3A = arith.constant 0 : i32
      %dma_wait3A_73 = arith.constant 0 : i32
      %dma_wait3A_74 = arith.constant 0 : i32
      %dma_wait3A_75 = tpu.memref_slice %arg7[%run_scoped3A, %dma_wait3A, %dma_wait3A_73, %dma_wait3A_74] : memref<2x2x5000x128xf32, #tpu.memory_space<hbm>> -> memref<1x2x5000x128xf32, #tpu.memory_space<hbm>>
      %dma_wait3A_76 = tpu.memref_squeeze %dma_wait3A_75 : memref<1x2x5000x128xf32, #tpu.memory_space<hbm>> -> memref<2x5000x128xf32, #tpu.memory_space<hbm>>
      %dma_wait3A_77 = arith.constant 0 : i32
      %dma_wait3A_78 = arith.constant 0 : i32
      %dma_wait3A_79 = tpu.memref_slice %dma_wait3A_76[%arg0, %dma_wait3A_77, %dma_wait3A_78] : memref<2x5000x128xf32, #tpu.memory_space<hbm>> -> memref<1x5000x128xf32, #tpu.memory_space<hbm>>
      %dma_wait3A_80 = tpu.memref_squeeze %dma_wait3A_79 : memref<1x5000x128xf32, #tpu.memory_space<hbm>> -> memref<5000x128xf32, #tpu.memory_space<hbm>>
      %dma_wait3A_81 = arith.constant 0 : i32
      %dma_wait3A_82 = tpu.memref_slice %dma_wait3A_80[%multiple_of3A, %dma_wait3A_81] : memref<5000x128xf32, #tpu.memory_space<hbm>> -> memref<320x128xf32, #tpu.memory_space<hbm>>
      %dma_wait3A_83 = arith.constant 0 : i32
      %dma_wait3A_84 = tpu.memref_slice %arg14[%multiple_of3A, %dma_wait3A_83] : memref<5120x128xf32, #tpu.memory_space<vmem_shared>> -> memref<320x128xf32, #tpu.memory_space<vmem_shared>>
      tpu.wait_dma2 semaphore(%run_scoped3A_59 : memref<!tpu.dma_semaphore, #tpu.memory_space<semaphore_mem>>) src(%dma_wait3A_84 : memref<320x128xf32, #tpu.memory_space<vmem_shared>>) dst(%dma_wait3A_82 : memref<320x128xf32, #tpu.memory_space<hbm>>)
      tpu.yield
    }) : () -> ()
    %barrier3A_26 = arith.constant 0 : index
    tpu.barrier barrier_id(%barrier3A_26)
    %mul3A_27 = arith.constant 320 : i32
    %mul3A_28 = arith.muli %arg1, %mul3A_27 : i32
    "tpu.region"() ({
      %run_scoped3A_59 = tpu.sem_alloc : memref<!tpu.dma_semaphore, #tpu.memory_space<semaphore_mem>>
      %dma_start3A_60 = arith.constant 0 : i32
      %dma_start3A_61 = tpu.memref_slice %arg14[%mul3A_28, %dma_start3A_60] : memref<5120x128xf32, #tpu.memory_space<vmem_shared>> -> memref<320x128xf32, #tpu.memory_space<vmem_shared>>
      tpu.enqueue_dma source(%arg6 : memref<320x128xf32, #tpu.memory_space<hbm>>) target(%dma_start3A_61 : memref<320x128xf32, #tpu.memory_space<vmem_shared>>) target_semaphore(%run_scoped3A_59 : memref<!tpu.dma_semaphore, #tpu.memory_space<semaphore_mem>>)
      %dma_wait3A = arith.constant 0 : i32
      %dma_wait3A_62 = tpu.memref_slice %arg14[%mul3A_28, %dma_wait3A] : memref<5120x128xf32, #tpu.memory_space<vmem_shared>> -> memref<320x128xf32, #tpu.memory_space<vmem_shared>>
      tpu.wait_dma2 semaphore(%run_scoped3A_59 : memref<!tpu.dma_semaphore, #tpu.memory_space<semaphore_mem>>) src(%arg6 : memref<320x128xf32, #tpu.memory_space<hbm>>) dst(%dma_wait3A_62 : memref<320x128xf32, #tpu.memory_space<vmem_shared>>)
      tpu.yield
    }) : () -> ()
    %barrier3A_29 = arith.constant 0 : index
    tpu.barrier barrier_id(%barrier3A_29)
    %dma_start3A_30 = arith.constant 0 : i32
    %dma_start3A_31 = arith.constant 0 : i32
    %dma_start3A_32 = tpu.memref_slice %arg8[%dma_start3A_30, %dma_start3A_31] : memref<79x128xi32, #tpu.memory_space<vmem>> -> memref<1x128xi32, #tpu.memory_space<vmem>>
    %dma_start3A_33 = tpu.memref_squeeze %dma_start3A_32 : memref<1x128xi32, #tpu.memory_space<vmem>> -> memref<128xi32, #tpu.memory_space<vmem>>
    %dma_start3A_34 = arith.constant 0 : i32
    %dma_start3A_35 = arith.constant 0 : i32
    %dma_start3A_36 = tpu.memref_slice %arg2[%dma_start3A_34, %dma_start3A_35] : memref<10000x128xf32, #tpu.memory_space<hbm>> -> memref<10000x128xf32, #tpu.memory_space<hbm>>
    tpu.enqueue_indirect_dma source(%dma_start3A_36 : memref<10000x128xf32, #tpu.memory_space<hbm>>) target(%arg11 : memref<128x128xf32, #tpu.memory_space<vmem>>) offsets(%dma_start3A_33 : memref<128xi32, #tpu.memory_space<vmem>>) semaphore(%arg15 : memref<!tpu.dma_semaphore, #tpu.memory_space<semaphore_mem>>)
    %dma_start3A_37 = arith.constant 1 : i32
    %dma_start3A_38 = arith.constant 0 : i32
    %dma_start3A_39 = tpu.memref_slice %arg8[%dma_start3A_37, %dma_start3A_38] : memref<79x128xi32, #tpu.memory_space<vmem>> -> memref<1x128xi32, #tpu.memory_space<vmem>>
    %dma_start3A_40 = tpu.memref_squeeze %dma_start3A_39 : memref<1x128xi32, #tpu.memory_space<vmem>> -> memref<128xi32, #tpu.memory_space<vmem>>
    %dma_start3A_41 = arith.constant 0 : i32
    %dma_start3A_42 = arith.constant 0 : i32
    %dma_start3A_43 = tpu.memref_slice %arg2[%dma_start3A_41, %dma_start3A_42] : memref<10000x128xf32, #tpu.memory_space<hbm>> -> memref<10000x128xf32, #tpu.memory_space<hbm>>
    tpu.enqueue_indirect_dma source(%dma_start3A_43 : memref<10000x128xf32, #tpu.memory_space<hbm>>) target(%arg12 : memref<128x128xf32, #tpu.memory_space<vmem>>) offsets(%dma_start3A_40 : memref<128xi32, #tpu.memory_space<vmem>>) semaphore(%arg16 : memref<!tpu.dma_semaphore, #tpu.memory_space<semaphore_mem>>)
    %scan3A_44 = arith.constant 0 : i32
    %scan3A_45 = arith.constant 0 : i32
    %scan3A_46 = arith.constant 79 : i32
    %scan3A_47 = arith.addi %scan3A_45, %scan3A_46 : i32
    %scan3A_48 = arith.constant 1 : i32
    %scan3A_49 = scf.for %scan3A_59 = %scan3A_45 to %scan3A_47 step %scan3A_48 iter_args(%scan3A_60 = %scan3A_44) -> (i32)  : i32 {
      %jit3A = arith.constant 3 : i32
      %eq3A = arith.constant 0 : i32
      %eq3A_61 = arith.cmpi eq, %jit3A, %eq3A : i32
      %jit3A_62 = arith.constant 1 : i32
      %select_n3A = arith.select %eq3A_61, %jit3A_62, %jit3A : i32
      %rem3A = arith.remsi %scan3A_59, %select_n3A : i32
      %ne3A = arith.constant 0 : i32
      %ne3A_63 = arith.cmpi ne, %rem3A, %ne3A : i32
      %lt3A = arith.constant 0 : i32
      %lt3A_64 = arith.cmpi slt, %rem3A, %lt3A : i32
      %lt3A_65 = arith.constant 0 : i32
      %lt3A_66 = arith.cmpi slt, %select_n3A, %lt3A_65 : i32
      %ne3A_67 = arith.xori %lt3A_64, %lt3A_66 : i1
      %and3A = arith.andi %ne3A_67, %ne3A_63 : i1
      %add3A_68 = arith.addi %rem3A, %select_n3A : i32
      %select_n3A_69 = arith.select %and3A, %add3A_68, %rem3A : i32
      %eq3A_70 = arith.constant 0 : i32
      %eq3A_71 = arith.cmpi eq, %select_n3A_69, %eq3A_70 : i32
      %convert_element_type3A = arith.extui %eq3A_71 : i1 to i32
      %cond3A = arith.constant 0 : i32
      %cond3A_72 = arith.cmpi ne, %convert_element_type3A, %cond3A : i32
      scf.if %cond3A_72 {
        %add3A_84 = arith.constant 2 : i32
        %add3A_85 = arith.addi %scan3A_59, %add3A_84 : i32
        %lt3A_86 = arith.constant 79 : i32
        %lt3A_87 = arith.cmpi slt, %add3A_85, %lt3A_86 : i32
        %convert_element_type3A_88 = arith.extui %lt3A_87 : i1 to i32
        %cond3A_89 = arith.constant 0 : i32
        %cond3A_90 = arith.cmpi ne, %convert_element_type3A_88, %cond3A_89 : i32
        scf.if %cond3A_90 {
          %add3A_96 = arith.constant 2 : i32
          %add3A_97 = arith.addi %scan3A_59, %add3A_96 : i32
          %dma_start3A_98 = arith.constant 0 : i32
          %dma_start3A_99 = tpu.memref_slice %arg8[%add3A_97, %dma_start3A_98] : memref<79x128xi32, #tpu.memory_space<vmem>> -> memref<1x128xi32, #tpu.memory_space<vmem>>
          %dma_start3A_100 = tpu.memref_squeeze %dma_start3A_99 : memref<1x128xi32, #tpu.memory_space<vmem>> -> memref<128xi32, #tpu.memory_space<vmem>>
          %dma_start3A_101 = arith.constant 0 : i32
          %dma_start3A_102 = arith.constant 0 : i32
          %dma_start3A_103 = tpu.memref_slice %arg2[%dma_start3A_101, %dma_start3A_102] : memref<10000x128xf32, #tpu.memory_space<hbm>> -> memref<10000x128xf32, #tpu.memory_space<hbm>>
          tpu.enqueue_indirect_dma source(%dma_start3A_103 : memref<10000x128xf32, #tpu.memory_space<hbm>>) target(%arg13 : memref<128x128xf32, #tpu.memory_space<vmem>>) offsets(%dma_start3A_100 : memref<128xi32, #tpu.memory_space<vmem>>) semaphore(%arg17 : memref<!tpu.dma_semaphore, #tpu.memory_space<semaphore_mem>>)
        } else {
        }
        %dma_wait3A = arith.constant 0 : i32
        %dma_wait3A_91 = tpu.memref_slice %arg8[%scan3A_59, %dma_wait3A] : memref<79x128xi32, #tpu.memory_space<vmem>> -> memref<1x128xi32, #tpu.memory_space<vmem>>
        %dma_wait3A_92 = tpu.memref_squeeze %dma_wait3A_91 : memref<1x128xi32, #tpu.memory_space<vmem>> -> memref<128xi32, #tpu.memory_space<vmem>>
        %dma_wait3A_93 = arith.constant 0 : i32
        %dma_wait3A_94 = arith.constant 0 : i32
        %dma_wait3A_95 = tpu.memref_slice %arg2[%dma_wait3A_93, %dma_wait3A_94] : memref<10000x128xf32, #tpu.memory_space<hbm>> -> memref<10000x128xf32, #tpu.memory_space<hbm>>
        tpu.wait_indirect_dma semaphore(%arg15 : memref<!tpu.dma_semaphore, #tpu.memory_space<semaphore_mem>>) src(%dma_wait3A_95 : memref<10000x128xf32, #tpu.memory_space<hbm>>) dst(%arg11 : memref<128x128xf32, #tpu.memory_space<vmem>>)
        "tpu.region"() ({
          %run_scoped3A_96 = tpu.sem_alloc : memref<!tpu.dma_semaphore, #tpu.memory_space<semaphore_mem>>
          %dma_start3A_97 = arith.constant 0 : i32
          %dma_start3A_98 = tpu.memref_slice %arg10[%scan3A_59, %dma_start3A_97] : memref<79x128xi32, #tpu.memory_space<vmem>> -> memref<1x128xi32, #tpu.memory_space<vmem>>
          %dma_start3A_99 = tpu.memref_squeeze %dma_start3A_98 : memref<1x128xi32, #tpu.memory_space<vmem>> -> memref<128xi32, #tpu.memory_space<vmem>>
          %dma_start3A_100 = arith.constant 0 : i32
          %dma_start3A_101 = arith.constant 0 : i32
          %dma_start3A_102 = tpu.memref_slice %arg14[%dma_start3A_100, %dma_start3A_101] : memref<5120x128xf32, #tpu.memory_space<vmem_shared>> -> memref<5120x128xf32, #tpu.memory_space<vmem_shared>>
          tpu.enqueue_indirect_dma source(%arg11 : memref<128x128xf32, #tpu.memory_space<vmem>>) target(%dma_start3A_102 : memref<5120x128xf32, #tpu.memory_space<vmem_shared>>) offsets(%dma_start3A_99 : memref<128xi32, #tpu.memory_space<vmem>>) semaphore(%run_scoped3A_96 : memref<!tpu.dma_semaphore, #tpu.memory_space<semaphore_mem>>) {add = true}
          %dma_wait3A_103 = arith.constant 0 : i32
          %dma_wait3A_104 = tpu.memref_slice %arg10[%scan3A_59, %dma_wait3A_103] : memref<79x128xi32, #tpu.memory_space<vmem>> -> memref<1x128xi32, #tpu.memory_space<vmem>>
          %dma_wait3A_105 = tpu.memref_squeeze %dma_wait3A_104 : memref<1x128xi32, #tpu.memory_space<vmem>> -> memref<128xi32, #tpu.memory_space<vmem>>
          %dma_wait3A_106 = arith.constant 0 : i32
          %dma_wait3A_107 = arith.constant 0 : i32
          %dma_wait3A_108 = tpu.memref_slice %arg14[%dma_wait3A_106, %dma_wait3A_107] : memref<5120x128xf32, #tpu.memory_space<vmem_shared>> -> memref<5120x128xf32, #tpu.memory_space<vmem_shared>>
          tpu.wait_indirect_dma semaphore(%run_scoped3A_96 : memref<!tpu.dma_semaphore, #tpu.memory_space<semaphore_mem>>) src(%arg11 : memref<128x128xf32, #tpu.memory_space<vmem>>) dst(%dma_wait3A_108 : memref<5120x128xf32, #tpu.memory_space<vmem_shared>>)
          tpu.yield
        }) : () -> ()
      } else {
      }
      %eq3A_73 = arith.constant 1 : i32
      %eq3A_74 = arith.cmpi eq, %select_n3A_69, %eq3A_73 : i32
      %convert_element_type3A_75 = arith.extui %eq3A_74 : i1 to i32
      %cond3A_76 = arith.constant 0 : i32
      %cond3A_77 = arith.cmpi ne, %convert_element_type3A_75, %cond3A_76 : i32
      scf.if %cond3A_77 {
        %add3A_84 = arith.constant 2 : i32
        %add3A_85 = arith.addi %scan3A_59, %add3A_84 : i32
        %lt3A_86 = arith.constant 79 : i32
        %lt3A_87 = arith.cmpi slt, %add3A_85, %lt3A_86 : i32
        %convert_element_type3A_88 = arith.extui %lt3A_87 : i1 to i32
        %cond3A_89 = arith.constant 0 : i32
        %cond3A_90 = arith.cmpi ne, %convert_element_type3A_88, %cond3A_89 : i32
        scf.if %cond3A_90 {
          %add3A_96 = arith.constant 2 : i32
          %add3A_97 = arith.addi %scan3A_59, %add3A_96 : i32
          %dma_start3A_98 = arith.constant 0 : i32
          %dma_start3A_99 = tpu.memref_slice %arg8[%add3A_97, %dma_start3A_98] : memref<79x128xi32, #tpu.memory_space<vmem>> -> memref<1x128xi32, #tpu.memory_space<vmem>>
          %dma_start3A_100 = tpu.memref_squeeze %dma_start3A_99 : memref<1x128xi32, #tpu.memory_space<vmem>> -> memref<128xi32, #tpu.memory_space<vmem>>
          %dma_start3A_101 = arith.constant 0 : i32
          %dma_start3A_102 = arith.constant 0 : i32
          %dma_start3A_103 = tpu.memref_slice %arg2[%dma_start3A_101, %dma_start3A_102] : memref<10000x128xf32, #tpu.memory_space<hbm>> -> memref<10000x128xf32, #tpu.memory_space<hbm>>
          tpu.enqueue_indirect_dma source(%dma_start3A_103 : memref<10000x128xf32, #tpu.memory_space<hbm>>) target(%arg11 : memref<128x128xf32, #tpu.memory_space<vmem>>) offsets(%dma_start3A_100 : memref<128xi32, #tpu.memory_space<vmem>>) semaphore(%arg15 : memref<!tpu.dma_semaphore, #tpu.memory_space<semaphore_mem>>)
        } else {
        }
        %dma_wait3A = arith.constant 0 : i32
        %dma_wait3A_91 = tpu.memref_slice %arg8[%scan3A_59, %dma_wait3A] : memref<79x128xi32, #tpu.memory_space<vmem>> -> memref<1x128xi32, #tpu.memory_space<vmem>>
        %dma_wait3A_92 = tpu.memref_squeeze %dma_wait3A_91 : memref<1x128xi32, #tpu.memory_space<vmem>> -> memref<128xi32, #tpu.memory_space<vmem>>
        %dma_wait3A_93 = arith.constant 0 : i32
        %dma_wait3A_94 = arith.constant 0 : i32
        %dma_wait3A_95 = tpu.memref_slice %arg2[%dma_wait3A_93, %dma_wait3A_94] : memref<10000x128xf32, #tpu.memory_space<hbm>> -> memref<10000x128xf32, #tpu.memory_space<hbm>>
        tpu.wait_indirect_dma semaphore(%arg16 : memref<!tpu.dma_semaphore, #tpu.memory_space<semaphore_mem>>) src(%dma_wait3A_95 : memref<10000x128xf32, #tpu.memory_space<hbm>>) dst(%arg12 : memref<128x128xf32, #tpu.memory_space<vmem>>)
        "tpu.region"() ({
          %run_scoped3A_96 = tpu.sem_alloc : memref<!tpu.dma_semaphore, #tpu.memory_space<semaphore_mem>>
          %dma_start3A_97 = arith.constant 0 : i32
          %dma_start3A_98 = tpu.memref_slice %arg10[%scan3A_59, %dma_start3A_97] : memref<79x128xi32, #tpu.memory_space<vmem>> -> memref<1x128xi32, #tpu.memory_space<vmem>>
          %dma_start3A_99 = tpu.memref_squeeze %dma_start3A_98 : memref<1x128xi32, #tpu.memory_space<vmem>> -> memref<128xi32, #tpu.memory_space<vmem>>
          %dma_start3A_100 = arith.constant 0 : i32
          %dma_start3A_101 = arith.constant 0 : i32
          %dma_start3A_102 = tpu.memref_slice %arg14[%dma_start3A_100, %dma_start3A_101] : memref<5120x128xf32, #tpu.memory_space<vmem_shared>> -> memref<5120x128xf32, #tpu.memory_space<vmem_shared>>
          tpu.enqueue_indirect_dma source(%arg12 : memref<128x128xf32, #tpu.memory_space<vmem>>) target(%dma_start3A_102 : memref<5120x128xf32, #tpu.memory_space<vmem_shared>>) offsets(%dma_start3A_99 : memref<128xi32, #tpu.memory_space<vmem>>) semaphore(%run_scoped3A_96 : memref<!tpu.dma_semaphore, #tpu.memory_space<semaphore_mem>>) {add = true}
          %dma_wait3A_103 = arith.constant 0 : i32
          %dma_wait3A_104 = tpu.memref_slice %arg10[%scan3A_59, %dma_wait3A_103] : memref<79x128xi32, #tpu.memory_space<vmem>> -> memref<1x128xi32, #tpu.memory_space<vmem>>
          %dma_wait3A_105 = tpu.memref_squeeze %dma_wait3A_104 : memref<1x128xi32, #tpu.memory_space<vmem>> -> memref<128xi32, #tpu.memory_space<vmem>>
          %dma_wait3A_106 = arith.constant 0 : i32
          %dma_wait3A_107 = arith.constant 0 : i32
          %dma_wait3A_108 = tpu.memref_slice %arg14[%dma_wait3A_106, %dma_wait3A_107] : memref<5120x128xf32, #tpu.memory_space<vmem_shared>> -> memref<5120x128xf32, #tpu.memory_space<vmem_shared>>
          tpu.wait_indirect_dma semaphore(%run_scoped3A_96 : memref<!tpu.dma_semaphore, #tpu.memory_space<semaphore_mem>>) src(%arg12 : memref<128x128xf32, #tpu.memory_space<vmem>>) dst(%dma_wait3A_108 : memref<5120x128xf32, #tpu.memory_space<vmem_shared>>)
          tpu.yield
        }) : () -> ()
      } else {
      }
      %eq3A_78 = arith.constant 2 : i32
      %eq3A_79 = arith.cmpi eq, %select_n3A_69, %eq3A_78 : i32
      %convert_element_type3A_80 = arith.extui %eq3A_79 : i1 to i32
      %cond3A_81 = arith.constant 0 : i32
      %cond3A_82 = arith.cmpi ne, %convert_element_type3A_80, %cond3A_81 : i32
      scf.if %cond3A_82 {
        %add3A_84 = arith.constant 2 : i32
        %add3A_85 = arith.addi %scan3A_59, %add3A_84 : i32
        %lt3A_86 = arith.constant 79 : i32
        %lt3A_87 = arith.cmpi slt, %add3A_85, %lt3A_86 : i32
        %convert_element_type3A_88 = arith.extui %lt3A_87 : i1 to i32
        %cond3A_89 = arith.constant 0 : i32
        %cond3A_90 = arith.cmpi ne, %convert_element_type3A_88, %cond3A_89 : i32
        scf.if %cond3A_90 {
          %add3A_96 = arith.constant 2 : i32
          %add3A_97 = arith.addi %scan3A_59, %add3A_96 : i32
          %dma_start3A_98 = arith.constant 0 : i32
          %dma_start3A_99 = tpu.memref_slice %arg8[%add3A_97, %dma_start3A_98] : memref<79x128xi32, #tpu.memory_space<vmem>> -> memref<1x128xi32, #tpu.memory_space<vmem>>
          %dma_start3A_100 = tpu.memref_squeeze %dma_start3A_99 : memref<1x128xi32, #tpu.memory_space<vmem>> -> memref<128xi32, #tpu.memory_space<vmem>>
          %dma_start3A_101 = arith.constant 0 : i32
          %dma_start3A_102 = arith.constant 0 : i32
          %dma_start3A_103 = tpu.memref_slice %arg2[%dma_start3A_101, %dma_start3A_102] : memref<10000x128xf32, #tpu.memory_space<hbm>> -> memref<10000x128xf32, #tpu.memory_space<hbm>>
          tpu.enqueue_indirect_dma source(%dma_start3A_103 : memref<10000x128xf32, #tpu.memory_space<hbm>>) target(%arg12 : memref<128x128xf32, #tpu.memory_space<vmem>>) offsets(%dma_start3A_100 : memref<128xi32, #tpu.memory_space<vmem>>) semaphore(%arg16 : memref<!tpu.dma_semaphore, #tpu.memory_space<semaphore_mem>>)
        } else {
        }
        %dma_wait3A = arith.constant 0 : i32
        %dma_wait3A_91 = tpu.memref_slice %arg8[%scan3A_59, %dma_wait3A] : memref<79x128xi32, #tpu.memory_space<vmem>> -> memref<1x128xi32, #tpu.memory_space<vmem>>
        %dma_wait3A_92 = tpu.memref_squeeze %dma_wait3A_91 : memref<1x128xi32, #tpu.memory_space<vmem>> -> memref<128xi32, #tpu.memory_space<vmem>>
        %dma_wait3A_93 = arith.constant 0 : i32
        %dma_wait3A_94 = arith.constant 0 : i32
        %dma_wait3A_95 = tpu.memref_slice %arg2[%dma_wait3A_93, %dma_wait3A_94] : memref<10000x128xf32, #tpu.memory_space<hbm>> -> memref<10000x128xf32, #tpu.memory_space<hbm>>
        tpu.wait_indirect_dma semaphore(%arg17 : memref<!tpu.dma_semaphore, #tpu.memory_space<semaphore_mem>>) src(%dma_wait3A_95 : memref<10000x128xf32, #tpu.memory_space<hbm>>) dst(%arg13 : memref<128x128xf32, #tpu.memory_space<vmem>>)
        "tpu.region"() ({
          %run_scoped3A_96 = tpu.sem_alloc : memref<!tpu.dma_semaphore, #tpu.memory_space<semaphore_mem>>
          %dma_start3A_97 = arith.constant 0 : i32
          %dma_start3A_98 = tpu.memref_slice %arg10[%scan3A_59, %dma_start3A_97] : memref<79x128xi32, #tpu.memory_space<vmem>> -> memref<1x128xi32, #tpu.memory_space<vmem>>
          %dma_start3A_99 = tpu.memref_squeeze %dma_start3A_98 : memref<1x128xi32, #tpu.memory_space<vmem>> -> memref<128xi32, #tpu.memory_space<vmem>>
          %dma_start3A_100 = arith.constant 0 : i32
          %dma_start3A_101 = arith.constant 0 : i32
          %dma_start3A_102 = tpu.memref_slice %arg14[%dma_start3A_100, %dma_start3A_101] : memref<5120x128xf32, #tpu.memory_space<vmem_shared>> -> memref<5120x128xf32, #tpu.memory_space<vmem_shared>>
          tpu.enqueue_indirect_dma source(%arg13 : memref<128x128xf32, #tpu.memory_space<vmem>>) target(%dma_start3A_102 : memref<5120x128xf32, #tpu.memory_space<vmem_shared>>) offsets(%dma_start3A_99 : memref<128xi32, #tpu.memory_space<vmem>>) semaphore(%run_scoped3A_96 : memref<!tpu.dma_semaphore, #tpu.memory_space<semaphore_mem>>) {add = true}
          %dma_wait3A_103 = arith.constant 0 : i32
          %dma_wait3A_104 = tpu.memref_slice %arg10[%scan3A_59, %dma_wait3A_103] : memref<79x128xi32, #tpu.memory_space<vmem>> -> memref<1x128xi32, #tpu.memory_space<vmem>>
          %dma_wait3A_105 = tpu.memref_squeeze %dma_wait3A_104 : memref<1x128xi32, #tpu.memory_space<vmem>> -> memref<128xi32, #tpu.memory_space<vmem>>
          %dma_wait3A_106 = arith.constant 0 : i32
          %dma_wait3A_107 = arith.constant 0 : i32
          %dma_wait3A_108 = tpu.memref_slice %arg14[%dma_wait3A_106, %dma_wait3A_107] : memref<5120x128xf32, #tpu.memory_space<vmem_shared>> -> memref<5120x128xf32, #tpu.memory_space<vmem_shared>>
          tpu.wait_indirect_dma semaphore(%run_scoped3A_96 : memref<!tpu.dma_semaphore, #tpu.memory_space<semaphore_mem>>) src(%arg13 : memref<128x128xf32, #tpu.memory_space<vmem>>) dst(%dma_wait3A_108 : memref<5120x128xf32, #tpu.memory_space<vmem_shared>>)
          tpu.yield
        }) : () -> ()
      } else {
      }
      %scan3A_83 = arith.constant 0 : i32
      scf.yield %scan3A_83 : i32
    }
    %scan3A_50 = arith.constant 79 : i32
    %barrier3A_51 = arith.constant 0 : index
    tpu.barrier barrier_id(%barrier3A_51)
    %mul3A_52 = arith.constant 320 : i32
    %mul3A_53 = arith.muli %arg1, %mul3A_52 : i32
    %min3A_54 = arith.constant 4680 : i32
    %min3A_55 = arith.minsi %mul3A_53, %min3A_54 : i32
    %multiple_of3A_56 = tpu.assume_multiple %min3A_55, 8 : i32
    %run_scoped3A_57 = arith.constant 1 : i32
    "tpu.region"() ({
      %run_scoped3A_59 = tpu.sem_alloc : memref<!tpu.dma_semaphore, #tpu.memory_space<semaphore_mem>>
      %dma_start3A_60 = arith.constant 0 : i32
      %dma_start3A_61 = arith.constant 0 : i32
      %dma_start3A_62 = arith.constant 0 : i32
      %dma_start3A_63 = tpu.memref_slice %arg7[%run_scoped3A_57, %dma_start3A_60, %dma_start3A_61, %dma_start3A_62] : memref<2x2x5000x128xf32, #tpu.memory_space<hbm>> -> memref<1x2x5000x128xf32, #tpu.memory_space<hbm>>
      %dma_start3A_64 = tpu.memref_squeeze %dma_start3A_63 : memref<1x2x5000x128xf32, #tpu.memory_space<hbm>> -> memref<2x5000x128xf32, #tpu.memory_space<hbm>>
      %dma_start3A_65 = arith.constant 0 : i32
      %dma_start3A_66 = arith.constant 0 : i32
      %dma_start3A_67 = tpu.memref_slice %dma_start3A_64[%arg0, %dma_start3A_65, %dma_start3A_66] : memref<2x5000x128xf32, #tpu.memory_space<hbm>> -> memref<1x5000x128xf32, #tpu.memory_space<hbm>>
      %dma_start3A_68 = tpu.memref_squeeze %dma_start3A_67 : memref<1x5000x128xf32, #tpu.memory_space<hbm>> -> memref<5000x128xf32, #tpu.memory_space<hbm>>
      %dma_start3A_69 = arith.constant 0 : i32
      %dma_start3A_70 = tpu.memref_slice %dma_start3A_68[%multiple_of3A_56, %dma_start3A_69] : memref<5000x128xf32, #tpu.memory_space<hbm>> -> memref<320x128xf32, #tpu.memory_space<hbm>>
      %dma_start3A_71 = arith.constant 0 : i32
      %dma_start3A_72 = tpu.memref_slice %arg14[%multiple_of3A_56, %dma_start3A_71] : memref<5120x128xf32, #tpu.memory_space<vmem_shared>> -> memref<320x128xf32, #tpu.memory_space<vmem_shared>>
      tpu.enqueue_dma source(%dma_start3A_72 : memref<320x128xf32, #tpu.memory_space<vmem_shared>>) target(%dma_start3A_70 : memref<320x128xf32, #tpu.memory_space<hbm>>) target_semaphore(%run_scoped3A_59 : memref<!tpu.dma_semaphore, #tpu.memory_space<semaphore_mem>>)
      %dma_wait3A = arith.constant 0 : i32
      %dma_wait3A_73 = arith.constant 0 : i32
      %dma_wait3A_74 = arith.constant 0 : i32
      %dma_wait3A_75 = tpu.memref_slice %arg7[%run_scoped3A_57, %dma_wait3A, %dma_wait3A_73, %dma_wait3A_74] : memref<2x2x5000x128xf32, #tpu.memory_space<hbm>> -> memref<1x2x5000x128xf32, #tpu.memory_space<hbm>>
      %dma_wait3A_76 = tpu.memref_squeeze %dma_wait3A_75 : memref<1x2x5000x128xf32, #tpu.memory_space<hbm>> -> memref<2x5000x128xf32, #tpu.memory_space<hbm>>
      %dma_wait3A_77 = arith.constant 0 : i32
      %dma_wait3A_78 = arith.constant 0 : i32
      %dma_wait3A_79 = tpu.memref_slice %dma_wait3A_76[%arg0, %dma_wait3A_77, %dma_wait3A_78] : memref<2x5000x128xf32, #tpu.memory_space<hbm>> -> memref<1x5000x128xf32, #tpu.memory_space<hbm>>
      %dma_wait3A_80 = tpu.memref_squeeze %dma_wait3A_79 : memref<1x5000x128xf32, #tpu.memory_space<hbm>> -> memref<5000x128xf32, #tpu.memory_space<hbm>>
      %dma_wait3A_81 = arith.constant 0 : i32
      %dma_wait3A_82 = tpu.memref_slice %dma_wait3A_80[%multiple_of3A_56, %dma_wait3A_81] : memref<5000x128xf32, #tpu.memory_space<hbm>> -> memref<320x128xf32, #tpu.memory_space<hbm>>
      %dma_wait3A_83 = arith.constant 0 : i32
      %dma_wait3A_84 = tpu.memref_slice %arg14[%multiple_of3A_56, %dma_wait3A_83] : memref<5120x128xf32, #tpu.memory_space<vmem_shared>> -> memref<320x128xf32, #tpu.memory_space<vmem_shared>>
      tpu.wait_dma2 semaphore(%run_scoped3A_59 : memref<!tpu.dma_semaphore, #tpu.memory_space<semaphore_mem>>) src(%dma_wait3A_84 : memref<320x128xf32, #tpu.memory_space<vmem_shared>>) dst(%dma_wait3A_82 : memref<320x128xf32, #tpu.memory_space<hbm>>)
      tpu.yield
    }) : () -> ()
    %barrier3A_58 = arith.constant 0 : index
    tpu.barrier barrier_id(%barrier3A_58)
    return
  }
}

#map = affine_map<(d0, d1) -> (0, 0)>
#map1 = affine_map<(d0, d1) -> (0, 0, 0)>
#map2 = affine_map<(d0, d1) -> (0, 0, 0, 0)>
module attributes {stable_mosaic.version = 14 : i64} {
  func.func @_sc_agg_body(%arg0: i32, %arg1: i32, %arg2: memref<10000x128xf32, #tpu.memory_space<hbm>>, %arg3: memref<32x79x128xi32, #tpu.memory_space<hbm>>, %arg4: memref<32x79x128xi32, #tpu.memory_space<hbm>>, %arg5: memref<32x79x128xi32, #tpu.memory_space<hbm>>, %arg6: memref<320x128xf32, #tpu.memory_space<hbm>>, %arg7: memref<2x2x5000x128xf32, #tpu.memory_space<hbm>>, %arg8: memref<79x128xi32, #tpu.memory_space<vmem>>, %arg9: memref<79x128xi32, #tpu.memory_space<vmem>>, %arg10: memref<79x128xi32, #tpu.memory_space<vmem>>, %arg11: memref<128x128xf32, #tpu.memory_space<vmem>>, %arg12: memref<128x128xf32, #tpu.memory_space<vmem>>, %arg13: memref<128x128xf32, #tpu.memory_space<vmem>>, %arg14: memref<5120x128xf32, #tpu.memory_space<vmem_shared>>, %arg15: memref<!tpu.dma_semaphore, #tpu.memory_space<semaphore_mem>>, %arg16: memref<!tpu.dma_semaphore, #tpu.memory_space<semaphore_mem>>, %arg17: memref<!tpu.dma_semaphore, #tpu.memory_space<semaphore_mem>>) attributes {dimension_semantics = [#tpu.dimension_semantics<core_parallel>, #tpu.dimension_semantics<subcore_parallel>], iteration_bounds = array<i64: 2, 16>, scalar_prefetch = 0 : i64, scratch_operands = 10 : i64, tpu.core_type = #tpu.core_type<sc_vector_subcore>, window_params = [{transform_indices = #map}, {transform_indices = #map1}, {transform_indices = #map1}, {transform_indices = #map1}, {transform_indices = #map}, {transform_indices = #map2}]} {
    %mul3A = arith.constant 16 : i32
    %mul3A_0 = arith.muli %arg0, %mul3A : i32
    %add3A = arith.addi %mul3A_0, %arg1 : i32
    "tpu.region"() ({
      %run_scoped3A_59 = tpu.sem_alloc : memref<!tpu.dma_semaphore, #tpu.memory_space<semaphore_mem>>
      %dma_start3A_60 = arith.constant 0 : i32
      %dma_start3A_61 = arith.constant 0 : i32
      %dma_start3A_62 = tpu.memref_slice %arg3[%add3A, %dma_start3A_60, %dma_start3A_61] : memref<32x79x128xi32, #tpu.memory_space<hbm>> -> memref<1x79x128xi32, #tpu.memory_space<hbm>>
      %dma_start3A_63 = tpu.memref_squeeze %dma_start3A_62 : memref<1x79x128xi32, #tpu.memory_space<hbm>> -> memref<79x128xi32, #tpu.memory_space<hbm>>
      %dma_start3A_64 = arith.constant 0 : i32
      %dma_start3A_65 = arith.constant 0 : i32
      %dma_start3A_66 = tpu.memref_slice %arg3[%add3A, %dma_start3A_64, %dma_start3A_65] : memref<32x79x128xi32, #tpu.memory_space<hbm>> -> memref<1x79x128xi32, #tpu.memory_space<hbm>>
      %dma_start3A_67 = tpu.memref_squeeze %dma_start3A_66 : memref<1x79x128xi32, #tpu.memory_space<hbm>> -> memref<79x128xi32, #tpu.memory_space<hbm>>
      tpu.enqueue_dma source(%dma_start3A_67 : memref<79x128xi32, #tpu.memory_space<hbm>>) target(%arg8 : memref<79x128xi32, #tpu.memory_space<vmem>>) target_semaphore(%run_scoped3A_59 : memref<!tpu.dma_semaphore, #tpu.memory_space<semaphore_mem>>)
      %dma_wait3A = arith.constant 0 : i32
      %dma_wait3A_68 = arith.constant 0 : i32
      %dma_wait3A_69 = tpu.memref_slice %arg3[%add3A, %dma_wait3A, %dma_wait3A_68] : memref<32x79x128xi32, #tpu.memory_space<hbm>> -> memref<1x79x128xi32, #tpu.memory_space<hbm>>
      %dma_wait3A_70 = tpu.memref_squeeze %dma_wait3A_69 : memref<1x79x128xi32, #tpu.memory_space<hbm>> -> memref<79x128xi32, #tpu.memory_space<hbm>>
      %dma_wait3A_71 = arith.constant 0 : i32
      %dma_wait3A_72 = arith.constant 0 : i32
      %dma_wait3A_73 = tpu.memref_slice %arg3[%add3A, %dma_wait3A_71, %dma_wait3A_72] : memref<32x79x128xi32, #tpu.memory_space<hbm>> -> memref<1x79x128xi32, #tpu.memory_space<hbm>>
      %dma_wait3A_74 = tpu.memref_squeeze %dma_wait3A_73 : memref<1x79x128xi32, #tpu.memory_space<hbm>> -> memref<79x128xi32, #tpu.memory_space<hbm>>
      tpu.wait_dma2 semaphore(%run_scoped3A_59 : memref<!tpu.dma_semaphore, #tpu.memory_space<semaphore_mem>>) src(%dma_wait3A_74 : memref<79x128xi32, #tpu.memory_space<hbm>>) dst(%arg8 : memref<79x128xi32, #tpu.memory_space<vmem>>)
      tpu.yield
    }) : () -> ()
    "tpu.region"() ({
      %run_scoped3A_59 = tpu.sem_alloc : memref<!tpu.dma_semaphore, #tpu.memory_space<semaphore_mem>>
      %dma_start3A_60 = arith.constant 0 : i32
      %dma_start3A_61 = arith.constant 0 : i32
      %dma_start3A_62 = tpu.memref_slice %arg4[%add3A, %dma_start3A_60, %dma_start3A_61] : memref<32x79x128xi32, #tpu.memory_space<hbm>> -> memref<1x79x128xi32, #tpu.memory_space<hbm>>
      %dma_start3A_63 = tpu.memref_squeeze %dma_start3A_62 : memref<1x79x128xi32, #tpu.memory_space<hbm>> -> memref<79x128xi32, #tpu.memory_space<hbm>>
      %dma_start3A_64 = arith.constant 0 : i32
      %dma_start3A_65 = arith.constant 0 : i32
      %dma_start3A_66 = tpu.memref_slice %arg4[%add3A, %dma_start3A_64, %dma_start3A_65] : memref<32x79x128xi32, #tpu.memory_space<hbm>> -> memref<1x79x128xi32, #tpu.memory_space<hbm>>
      %dma_start3A_67 = tpu.memref_squeeze %dma_start3A_66 : memref<1x79x128xi32, #tpu.memory_space<hbm>> -> memref<79x128xi32, #tpu.memory_space<hbm>>
      tpu.enqueue_dma source(%dma_start3A_67 : memref<79x128xi32, #tpu.memory_space<hbm>>) target(%arg9 : memref<79x128xi32, #tpu.memory_space<vmem>>) target_semaphore(%run_scoped3A_59 : memref<!tpu.dma_semaphore, #tpu.memory_space<semaphore_mem>>)
      %dma_wait3A = arith.constant 0 : i32
      %dma_wait3A_68 = arith.constant 0 : i32
      %dma_wait3A_69 = tpu.memref_slice %arg4[%add3A, %dma_wait3A, %dma_wait3A_68] : memref<32x79x128xi32, #tpu.memory_space<hbm>> -> memref<1x79x128xi32, #tpu.memory_space<hbm>>
      %dma_wait3A_70 = tpu.memref_squeeze %dma_wait3A_69 : memref<1x79x128xi32, #tpu.memory_space<hbm>> -> memref<79x128xi32, #tpu.memory_space<hbm>>
      %dma_wait3A_71 = arith.constant 0 : i32
      %dma_wait3A_72 = arith.constant 0 : i32
      %dma_wait3A_73 = tpu.memref_slice %arg4[%add3A, %dma_wait3A_71, %dma_wait3A_72] : memref<32x79x128xi32, #tpu.memory_space<hbm>> -> memref<1x79x128xi32, #tpu.memory_space<hbm>>
      %dma_wait3A_74 = tpu.memref_squeeze %dma_wait3A_73 : memref<1x79x128xi32, #tpu.memory_space<hbm>> -> memref<79x128xi32, #tpu.memory_space<hbm>>
      tpu.wait_dma2 semaphore(%run_scoped3A_59 : memref<!tpu.dma_semaphore, #tpu.memory_space<semaphore_mem>>) src(%dma_wait3A_74 : memref<79x128xi32, #tpu.memory_space<hbm>>) dst(%arg9 : memref<79x128xi32, #tpu.memory_space<vmem>>)
      tpu.yield
    }) : () -> ()
    "tpu.region"() ({
      %run_scoped3A_59 = tpu.sem_alloc : memref<!tpu.dma_semaphore, #tpu.memory_space<semaphore_mem>>
      %dma_start3A_60 = arith.constant 0 : i32
      %dma_start3A_61 = arith.constant 0 : i32
      %dma_start3A_62 = tpu.memref_slice %arg5[%add3A, %dma_start3A_60, %dma_start3A_61] : memref<32x79x128xi32, #tpu.memory_space<hbm>> -> memref<1x79x128xi32, #tpu.memory_space<hbm>>
      %dma_start3A_63 = tpu.memref_squeeze %dma_start3A_62 : memref<1x79x128xi32, #tpu.memory_space<hbm>> -> memref<79x128xi32, #tpu.memory_space<hbm>>
      %dma_start3A_64 = arith.constant 0 : i32
      %dma_start3A_65 = arith.constant 0 : i32
      %dma_start3A_66 = tpu.memref_slice %arg5[%add3A, %dma_start3A_64, %dma_start3A_65] : memref<32x79x128xi32, #tpu.memory_space<hbm>> -> memref<1x79x128xi32, #tpu.memory_space<hbm>>
      %dma_start3A_67 = tpu.memref_squeeze %dma_start3A_66 : memref<1x79x128xi32, #tpu.memory_space<hbm>> -> memref<79x128xi32, #tpu.memory_space<hbm>>
      tpu.enqueue_dma source(%dma_start3A_67 : memref<79x128xi32, #tpu.memory_space<hbm>>) target(%arg10 : memref<79x128xi32, #tpu.memory_space<vmem>>) target_semaphore(%run_scoped3A_59 : memref<!tpu.dma_semaphore, #tpu.memory_space<semaphore_mem>>)
      %dma_wait3A = arith.constant 0 : i32
      %dma_wait3A_68 = arith.constant 0 : i32
      %dma_wait3A_69 = tpu.memref_slice %arg5[%add3A, %dma_wait3A, %dma_wait3A_68] : memref<32x79x128xi32, #tpu.memory_space<hbm>> -> memref<1x79x128xi32, #tpu.memory_space<hbm>>
      %dma_wait3A_70 = tpu.memref_squeeze %dma_wait3A_69 : memref<1x79x128xi32, #tpu.memory_space<hbm>> -> memref<79x128xi32, #tpu.memory_space<hbm>>
      %dma_wait3A_71 = arith.constant 0 : i32
      %dma_wait3A_72 = arith.constant 0 : i32
      %dma_wait3A_73 = tpu.memref_slice %arg5[%add3A, %dma_wait3A_71, %dma_wait3A_72] : memref<32x79x128xi32, #tpu.memory_space<hbm>> -> memref<1x79x128xi32, #tpu.memory_space<hbm>>
      %dma_wait3A_74 = tpu.memref_squeeze %dma_wait3A_73 : memref<1x79x128xi32, #tpu.memory_space<hbm>> -> memref<79x128xi32, #tpu.memory_space<hbm>>
      tpu.wait_dma2 semaphore(%run_scoped3A_59 : memref<!tpu.dma_semaphore, #tpu.memory_space<semaphore_mem>>) src(%dma_wait3A_74 : memref<79x128xi32, #tpu.memory_space<hbm>>) dst(%arg10 : memref<79x128xi32, #tpu.memory_space<vmem>>)
      tpu.yield
    }) : () -> ()
    %mul3A_1 = arith.constant 320 : i32
    %mul3A_2 = arith.muli %arg1, %mul3A_1 : i32
    "tpu.region"() ({
      %run_scoped3A_59 = tpu.sem_alloc : memref<!tpu.dma_semaphore, #tpu.memory_space<semaphore_mem>>
      %dma_start3A_60 = arith.constant 0 : i32
      %dma_start3A_61 = tpu.memref_slice %arg14[%mul3A_2, %dma_start3A_60] : memref<5120x128xf32, #tpu.memory_space<vmem_shared>> -> memref<320x128xf32, #tpu.memory_space<vmem_shared>>
      tpu.enqueue_dma source(%arg6 : memref<320x128xf32, #tpu.memory_space<hbm>>) target(%dma_start3A_61 : memref<320x128xf32, #tpu.memory_space<vmem_shared>>) target_semaphore(%run_scoped3A_59 : memref<!tpu.dma_semaphore, #tpu.memory_space<semaphore_mem>>)
      %dma_wait3A = arith.constant 0 : i32
      %dma_wait3A_62 = tpu.memref_slice %arg14[%mul3A_2, %dma_wait3A] : memref<5120x128xf32, #tpu.memory_space<vmem_shared>> -> memref<320x128xf32, #tpu.memory_space<vmem_shared>>
      tpu.wait_dma2 semaphore(%run_scoped3A_59 : memref<!tpu.dma_semaphore, #tpu.memory_space<semaphore_mem>>) src(%arg6 : memref<320x128xf32, #tpu.memory_space<hbm>>) dst(%dma_wait3A_62 : memref<320x128xf32, #tpu.memory_space<vmem_shared>>)
      tpu.yield
    }) : () -> ()
    %barrier3A = arith.constant 0 : index
    tpu.barrier barrier_id(%barrier3A)
    %dma_start3A = arith.constant 0 : i32
    %dma_start3A_3 = arith.constant 0 : i32
    %dma_start3A_4 = tpu.memref_slice %arg8[%dma_start3A, %dma_start3A_3] : memref<79x128xi32, #tpu.memory_space<vmem>> -> memref<1x128xi32, #tpu.memory_space<vmem>>
    %dma_start3A_5 = tpu.memref_squeeze %dma_start3A_4 : memref<1x128xi32, #tpu.memory_space<vmem>> -> memref<128xi32, #tpu.memory_space<vmem>>
    %dma_start3A_6 = arith.constant 0 : i32
    %dma_start3A_7 = arith.constant 0 : i32
    %dma_start3A_8 = tpu.memref_slice %arg2[%dma_start3A_6, %dma_start3A_7] : memref<10000x128xf32, #tpu.memory_space<hbm>> -> memref<10000x128xf32, #tpu.memory_space<hbm>>
    tpu.enqueue_indirect_dma source(%dma_start3A_8 : memref<10000x128xf32, #tpu.memory_space<hbm>>) target(%arg11 : memref<128x128xf32, #tpu.memory_space<vmem>>) offsets(%dma_start3A_5 : memref<128xi32, #tpu.memory_space<vmem>>) semaphore(%arg15 : memref<!tpu.dma_semaphore, #tpu.memory_space<semaphore_mem>>)
    %dma_start3A_9 = arith.constant 1 : i32
    %dma_start3A_10 = arith.constant 0 : i32
    %dma_start3A_11 = tpu.memref_slice %arg8[%dma_start3A_9, %dma_start3A_10] : memref<79x128xi32, #tpu.memory_space<vmem>> -> memref<1x128xi32, #tpu.memory_space<vmem>>
    %dma_start3A_12 = tpu.memref_squeeze %dma_start3A_11 : memref<1x128xi32, #tpu.memory_space<vmem>> -> memref<128xi32, #tpu.memory_space<vmem>>
    %dma_start3A_13 = arith.constant 0 : i32
    %dma_start3A_14 = arith.constant 0 : i32
    %dma_start3A_15 = tpu.memref_slice %arg2[%dma_start3A_13, %dma_start3A_14] : memref<10000x128xf32, #tpu.memory_space<hbm>> -> memref<10000x128xf32, #tpu.memory_space<hbm>>
    tpu.enqueue_indirect_dma source(%dma_start3A_15 : memref<10000x128xf32, #tpu.memory_space<hbm>>) target(%arg12 : memref<128x128xf32, #tpu.memory_space<vmem>>) offsets(%dma_start3A_12 : memref<128xi32, #tpu.memory_space<vmem>>) semaphore(%arg16 : memref<!tpu.dma_semaphore, #tpu.memory_space<semaphore_mem>>)
    %scan3A = arith.constant 0 : i32
    %scan3A_16 = arith.constant 0 : i32
    %scan3A_17 = arith.constant 79 : i32
    %scan3A_18 = arith.addi %scan3A_16, %scan3A_17 : i32
    %scan3A_19 = arith.constant 1 : i32
    %scan3A_20 = scf.for %scan3A_59 = %scan3A_16 to %scan3A_18 step %scan3A_19 iter_args(%scan3A_60 = %scan3A) -> (i32)  : i32 {
      %jit3A = arith.constant 3 : i32
      %eq3A = arith.constant 0 : i32
      %eq3A_61 = arith.cmpi eq, %jit3A, %eq3A : i32
      %jit3A_62 = arith.constant 1 : i32
      %select_n3A = arith.select %eq3A_61, %jit3A_62, %jit3A : i32
      %rem3A = arith.remsi %scan3A_59, %select_n3A : i32
      %ne3A = arith.constant 0 : i32
      %ne3A_63 = arith.cmpi ne, %rem3A, %ne3A : i32
      %lt3A = arith.constant 0 : i32
      %lt3A_64 = arith.cmpi slt, %rem3A, %lt3A : i32
      %lt3A_65 = arith.constant 0 : i32
      %lt3A_66 = arith.cmpi slt, %select_n3A, %lt3A_65 : i32
      %ne3A_67 = arith.xori %lt3A_64, %lt3A_66 : i1
      %and3A = arith.andi %ne3A_67, %ne3A_63 : i1
      %add3A_68 = arith.addi %rem3A, %select_n3A : i32
      %select_n3A_69 = arith.select %and3A, %add3A_68, %rem3A : i32
      %eq3A_70 = arith.constant 0 : i32
      %eq3A_71 = arith.cmpi eq, %select_n3A_69, %eq3A_70 : i32
      %convert_element_type3A = arith.extui %eq3A_71 : i1 to i32
      %cond3A = arith.constant 0 : i32
      %cond3A_72 = arith.cmpi ne, %convert_element_type3A, %cond3A : i32
      scf.if %cond3A_72 {
        %add3A_84 = arith.constant 2 : i32
        %add3A_85 = arith.addi %scan3A_59, %add3A_84 : i32
        %lt3A_86 = arith.constant 79 : i32
        %lt3A_87 = arith.cmpi slt, %add3A_85, %lt3A_86 : i32
        %convert_element_type3A_88 = arith.extui %lt3A_87 : i1 to i32
        %cond3A_89 = arith.constant 0 : i32
        %cond3A_90 = arith.cmpi ne, %convert_element_type3A_88, %cond3A_89 : i32
        scf.if %cond3A_90 {
          %add3A_96 = arith.constant 2 : i32
          %add3A_97 = arith.addi %scan3A_59, %add3A_96 : i32
          %dma_start3A_98 = arith.constant 0 : i32
          %dma_start3A_99 = tpu.memref_slice %arg8[%add3A_97, %dma_start3A_98] : memref<79x128xi32, #tpu.memory_space<vmem>> -> memref<1x128xi32, #tpu.memory_space<vmem>>
          %dma_start3A_100 = tpu.memref_squeeze %dma_start3A_99 : memref<1x128xi32, #tpu.memory_space<vmem>> -> memref<128xi32, #tpu.memory_space<vmem>>
          %dma_start3A_101 = arith.constant 0 : i32
          %dma_start3A_102 = arith.constant 0 : i32
          %dma_start3A_103 = tpu.memref_slice %arg2[%dma_start3A_101, %dma_start3A_102] : memref<10000x128xf32, #tpu.memory_space<hbm>> -> memref<10000x128xf32, #tpu.memory_space<hbm>>
          tpu.enqueue_indirect_dma source(%dma_start3A_103 : memref<10000x128xf32, #tpu.memory_space<hbm>>) target(%arg13 : memref<128x128xf32, #tpu.memory_space<vmem>>) offsets(%dma_start3A_100 : memref<128xi32, #tpu.memory_space<vmem>>) semaphore(%arg17 : memref<!tpu.dma_semaphore, #tpu.memory_space<semaphore_mem>>)
        } else {
        }
        %dma_wait3A = arith.constant 0 : i32
        %dma_wait3A_91 = tpu.memref_slice %arg8[%scan3A_59, %dma_wait3A] : memref<79x128xi32, #tpu.memory_space<vmem>> -> memref<1x128xi32, #tpu.memory_space<vmem>>
        %dma_wait3A_92 = tpu.memref_squeeze %dma_wait3A_91 : memref<1x128xi32, #tpu.memory_space<vmem>> -> memref<128xi32, #tpu.memory_space<vmem>>
        %dma_wait3A_93 = arith.constant 0 : i32
        %dma_wait3A_94 = arith.constant 0 : i32
        %dma_wait3A_95 = tpu.memref_slice %arg2[%dma_wait3A_93, %dma_wait3A_94] : memref<10000x128xf32, #tpu.memory_space<hbm>> -> memref<10000x128xf32, #tpu.memory_space<hbm>>
        tpu.wait_indirect_dma semaphore(%arg15 : memref<!tpu.dma_semaphore, #tpu.memory_space<semaphore_mem>>) src(%dma_wait3A_95 : memref<10000x128xf32, #tpu.memory_space<hbm>>) dst(%arg11 : memref<128x128xf32, #tpu.memory_space<vmem>>)
        "tpu.region"() ({
          %run_scoped3A_96 = tpu.sem_alloc : memref<!tpu.dma_semaphore, #tpu.memory_space<semaphore_mem>>
          %dma_start3A_97 = arith.constant 0 : i32
          %dma_start3A_98 = tpu.memref_slice %arg9[%scan3A_59, %dma_start3A_97] : memref<79x128xi32, #tpu.memory_space<vmem>> -> memref<1x128xi32, #tpu.memory_space<vmem>>
          %dma_start3A_99 = tpu.memref_squeeze %dma_start3A_98 : memref<1x128xi32, #tpu.memory_space<vmem>> -> memref<128xi32, #tpu.memory_space<vmem>>
          %dma_start3A_100 = arith.constant 0 : i32
          %dma_start3A_101 = arith.constant 0 : i32
          %dma_start3A_102 = tpu.memref_slice %arg14[%dma_start3A_100, %dma_start3A_101] : memref<5120x128xf32, #tpu.memory_space<vmem_shared>> -> memref<5120x128xf32, #tpu.memory_space<vmem_shared>>
          tpu.enqueue_indirect_dma source(%arg11 : memref<128x128xf32, #tpu.memory_space<vmem>>) target(%dma_start3A_102 : memref<5120x128xf32, #tpu.memory_space<vmem_shared>>) offsets(%dma_start3A_99 : memref<128xi32, #tpu.memory_space<vmem>>) semaphore(%run_scoped3A_96 : memref<!tpu.dma_semaphore, #tpu.memory_space<semaphore_mem>>) {add = true}
          %dma_wait3A_103 = arith.constant 0 : i32
          %dma_wait3A_104 = tpu.memref_slice %arg9[%scan3A_59, %dma_wait3A_103] : memref<79x128xi32, #tpu.memory_space<vmem>> -> memref<1x128xi32, #tpu.memory_space<vmem>>
          %dma_wait3A_105 = tpu.memref_squeeze %dma_wait3A_104 : memref<1x128xi32, #tpu.memory_space<vmem>> -> memref<128xi32, #tpu.memory_space<vmem>>
          %dma_wait3A_106 = arith.constant 0 : i32
          %dma_wait3A_107 = arith.constant 0 : i32
          %dma_wait3A_108 = tpu.memref_slice %arg14[%dma_wait3A_106, %dma_wait3A_107] : memref<5120x128xf32, #tpu.memory_space<vmem_shared>> -> memref<5120x128xf32, #tpu.memory_space<vmem_shared>>
          tpu.wait_indirect_dma semaphore(%run_scoped3A_96 : memref<!tpu.dma_semaphore, #tpu.memory_space<semaphore_mem>>) src(%arg11 : memref<128x128xf32, #tpu.memory_space<vmem>>) dst(%dma_wait3A_108 : memref<5120x128xf32, #tpu.memory_space<vmem_shared>>)
          tpu.yield
        }) : () -> ()
      } else {
      }
      %eq3A_73 = arith.constant 1 : i32
      %eq3A_74 = arith.cmpi eq, %select_n3A_69, %eq3A_73 : i32
      %convert_element_type3A_75 = arith.extui %eq3A_74 : i1 to i32
      %cond3A_76 = arith.constant 0 : i32
      %cond3A_77 = arith.cmpi ne, %convert_element_type3A_75, %cond3A_76 : i32
      scf.if %cond3A_77 {
        %add3A_84 = arith.constant 2 : i32
        %add3A_85 = arith.addi %scan3A_59, %add3A_84 : i32
        %lt3A_86 = arith.constant 79 : i32
        %lt3A_87 = arith.cmpi slt, %add3A_85, %lt3A_86 : i32
        %convert_element_type3A_88 = arith.extui %lt3A_87 : i1 to i32
        %cond3A_89 = arith.constant 0 : i32
        %cond3A_90 = arith.cmpi ne, %convert_element_type3A_88, %cond3A_89 : i32
        scf.if %cond3A_90 {
          %add3A_96 = arith.constant 2 : i32
          %add3A_97 = arith.addi %scan3A_59, %add3A_96 : i32
          %dma_start3A_98 = arith.constant 0 : i32
          %dma_start3A_99 = tpu.memref_slice %arg8[%add3A_97, %dma_start3A_98] : memref<79x128xi32, #tpu.memory_space<vmem>> -> memref<1x128xi32, #tpu.memory_space<vmem>>
          %dma_start3A_100 = tpu.memref_squeeze %dma_start3A_99 : memref<1x128xi32, #tpu.memory_space<vmem>> -> memref<128xi32, #tpu.memory_space<vmem>>
          %dma_start3A_101 = arith.constant 0 : i32
          %dma_start3A_102 = arith.constant 0 : i32
          %dma_start3A_103 = tpu.memref_slice %arg2[%dma_start3A_101, %dma_start3A_102] : memref<10000x128xf32, #tpu.memory_space<hbm>> -> memref<10000x128xf32, #tpu.memory_space<hbm>>
          tpu.enqueue_indirect_dma source(%dma_start3A_103 : memref<10000x128xf32, #tpu.memory_space<hbm>>) target(%arg11 : memref<128x128xf32, #tpu.memory_space<vmem>>) offsets(%dma_start3A_100 : memref<128xi32, #tpu.memory_space<vmem>>) semaphore(%arg15 : memref<!tpu.dma_semaphore, #tpu.memory_space<semaphore_mem>>)
        } else {
        }
        %dma_wait3A = arith.constant 0 : i32
        %dma_wait3A_91 = tpu.memref_slice %arg8[%scan3A_59, %dma_wait3A] : memref<79x128xi32, #tpu.memory_space<vmem>> -> memref<1x128xi32, #tpu.memory_space<vmem>>
        %dma_wait3A_92 = tpu.memref_squeeze %dma_wait3A_91 : memref<1x128xi32, #tpu.memory_space<vmem>> -> memref<128xi32, #tpu.memory_space<vmem>>
        %dma_wait3A_93 = arith.constant 0 : i32
        %dma_wait3A_94 = arith.constant 0 : i32
        %dma_wait3A_95 = tpu.memref_slice %arg2[%dma_wait3A_93, %dma_wait3A_94] : memref<10000x128xf32, #tpu.memory_space<hbm>> -> memref<10000x128xf32, #tpu.memory_space<hbm>>
        tpu.wait_indirect_dma semaphore(%arg16 : memref<!tpu.dma_semaphore, #tpu.memory_space<semaphore_mem>>) src(%dma_wait3A_95 : memref<10000x128xf32, #tpu.memory_space<hbm>>) dst(%arg12 : memref<128x128xf32, #tpu.memory_space<vmem>>)
        "tpu.region"() ({
          %run_scoped3A_96 = tpu.sem_alloc : memref<!tpu.dma_semaphore, #tpu.memory_space<semaphore_mem>>
          %dma_start3A_97 = arith.constant 0 : i32
          %dma_start3A_98 = tpu.memref_slice %arg9[%scan3A_59, %dma_start3A_97] : memref<79x128xi32, #tpu.memory_space<vmem>> -> memref<1x128xi32, #tpu.memory_space<vmem>>
          %dma_start3A_99 = tpu.memref_squeeze %dma_start3A_98 : memref<1x128xi32, #tpu.memory_space<vmem>> -> memref<128xi32, #tpu.memory_space<vmem>>
          %dma_start3A_100 = arith.constant 0 : i32
          %dma_start3A_101 = arith.constant 0 : i32
          %dma_start3A_102 = tpu.memref_slice %arg14[%dma_start3A_100, %dma_start3A_101] : memref<5120x128xf32, #tpu.memory_space<vmem_shared>> -> memref<5120x128xf32, #tpu.memory_space<vmem_shared>>
          tpu.enqueue_indirect_dma source(%arg12 : memref<128x128xf32, #tpu.memory_space<vmem>>) target(%dma_start3A_102 : memref<5120x128xf32, #tpu.memory_space<vmem_shared>>) offsets(%dma_start3A_99 : memref<128xi32, #tpu.memory_space<vmem>>) semaphore(%run_scoped3A_96 : memref<!tpu.dma_semaphore, #tpu.memory_space<semaphore_mem>>) {add = true}
          %dma_wait3A_103 = arith.constant 0 : i32
          %dma_wait3A_104 = tpu.memref_slice %arg9[%scan3A_59, %dma_wait3A_103] : memref<79x128xi32, #tpu.memory_space<vmem>> -> memref<1x128xi32, #tpu.memory_space<vmem>>
          %dma_wait3A_105 = tpu.memref_squeeze %dma_wait3A_104 : memref<1x128xi32, #tpu.memory_space<vmem>> -> memref<128xi32, #tpu.memory_space<vmem>>
          %dma_wait3A_106 = arith.constant 0 : i32
          %dma_wait3A_107 = arith.constant 0 : i32
          %dma_wait3A_108 = tpu.memref_slice %arg14[%dma_wait3A_106, %dma_wait3A_107] : memref<5120x128xf32, #tpu.memory_space<vmem_shared>> -> memref<5120x128xf32, #tpu.memory_space<vmem_shared>>
          tpu.wait_indirect_dma semaphore(%run_scoped3A_96 : memref<!tpu.dma_semaphore, #tpu.memory_space<semaphore_mem>>) src(%arg12 : memref<128x128xf32, #tpu.memory_space<vmem>>) dst(%dma_wait3A_108 : memref<5120x128xf32, #tpu.memory_space<vmem_shared>>)
          tpu.yield
        }) : () -> ()
      } else {
      }
      %eq3A_78 = arith.constant 2 : i32
      %eq3A_79 = arith.cmpi eq, %select_n3A_69, %eq3A_78 : i32
      %convert_element_type3A_80 = arith.extui %eq3A_79 : i1 to i32
      %cond3A_81 = arith.constant 0 : i32
      %cond3A_82 = arith.cmpi ne, %convert_element_type3A_80, %cond3A_81 : i32
      scf.if %cond3A_82 {
        %add3A_84 = arith.constant 2 : i32
        %add3A_85 = arith.addi %scan3A_59, %add3A_84 : i32
        %lt3A_86 = arith.constant 79 : i32
        %lt3A_87 = arith.cmpi slt, %add3A_85, %lt3A_86 : i32
        %convert_element_type3A_88 = arith.extui %lt3A_87 : i1 to i32
        %cond3A_89 = arith.constant 0 : i32
        %cond3A_90 = arith.cmpi ne, %convert_element_type3A_88, %cond3A_89 : i32
        scf.if %cond3A_90 {
          %add3A_96 = arith.constant 2 : i32
          %add3A_97 = arith.addi %scan3A_59, %add3A_96 : i32
          %dma_start3A_98 = arith.constant 0 : i32
          %dma_start3A_99 = tpu.memref_slice %arg8[%add3A_97, %dma_start3A_98] : memref<79x128xi32, #tpu.memory_space<vmem>> -> memref<1x128xi32, #tpu.memory_space<vmem>>
          %dma_start3A_100 = tpu.memref_squeeze %dma_start3A_99 : memref<1x128xi32, #tpu.memory_space<vmem>> -> memref<128xi32, #tpu.memory_space<vmem>>
          %dma_start3A_101 = arith.constant 0 : i32
          %dma_start3A_102 = arith.constant 0 : i32
          %dma_start3A_103 = tpu.memref_slice %arg2[%dma_start3A_101, %dma_start3A_102] : memref<10000x128xf32, #tpu.memory_space<hbm>> -> memref<10000x128xf32, #tpu.memory_space<hbm>>
          tpu.enqueue_indirect_dma source(%dma_start3A_103 : memref<10000x128xf32, #tpu.memory_space<hbm>>) target(%arg12 : memref<128x128xf32, #tpu.memory_space<vmem>>) offsets(%dma_start3A_100 : memref<128xi32, #tpu.memory_space<vmem>>) semaphore(%arg16 : memref<!tpu.dma_semaphore, #tpu.memory_space<semaphore_mem>>)
        } else {
        }
        %dma_wait3A = arith.constant 0 : i32
        %dma_wait3A_91 = tpu.memref_slice %arg8[%scan3A_59, %dma_wait3A] : memref<79x128xi32, #tpu.memory_space<vmem>> -> memref<1x128xi32, #tpu.memory_space<vmem>>
        %dma_wait3A_92 = tpu.memref_squeeze %dma_wait3A_91 : memref<1x128xi32, #tpu.memory_space<vmem>> -> memref<128xi32, #tpu.memory_space<vmem>>
        %dma_wait3A_93 = arith.constant 0 : i32
        %dma_wait3A_94 = arith.constant 0 : i32
        %dma_wait3A_95 = tpu.memref_slice %arg2[%dma_wait3A_93, %dma_wait3A_94] : memref<10000x128xf32, #tpu.memory_space<hbm>> -> memref<10000x128xf32, #tpu.memory_space<hbm>>
        tpu.wait_indirect_dma semaphore(%arg17 : memref<!tpu.dma_semaphore, #tpu.memory_space<semaphore_mem>>) src(%dma_wait3A_95 : memref<10000x128xf32, #tpu.memory_space<hbm>>) dst(%arg13 : memref<128x128xf32, #tpu.memory_space<vmem>>)
        "tpu.region"() ({
          %run_scoped3A_96 = tpu.sem_alloc : memref<!tpu.dma_semaphore, #tpu.memory_space<semaphore_mem>>
          %dma_start3A_97 = arith.constant 0 : i32
          %dma_start3A_98 = tpu.memref_slice %arg9[%scan3A_59, %dma_start3A_97] : memref<79x128xi32, #tpu.memory_space<vmem>> -> memref<1x128xi32, #tpu.memory_space<vmem>>
          %dma_start3A_99 = tpu.memref_squeeze %dma_start3A_98 : memref<1x128xi32, #tpu.memory_space<vmem>> -> memref<128xi32, #tpu.memory_space<vmem>>
          %dma_start3A_100 = arith.constant 0 : i32
          %dma_start3A_101 = arith.constant 0 : i32
          %dma_start3A_102 = tpu.memref_slice %arg14[%dma_start3A_100, %dma_start3A_101] : memref<5120x128xf32, #tpu.memory_space<vmem_shared>> -> memref<5120x128xf32, #tpu.memory_space<vmem_shared>>
          tpu.enqueue_indirect_dma source(%arg13 : memref<128x128xf32, #tpu.memory_space<vmem>>) target(%dma_start3A_102 : memref<5120x128xf32, #tpu.memory_space<vmem_shared>>) offsets(%dma_start3A_99 : memref<128xi32, #tpu.memory_space<vmem>>) semaphore(%run_scoped3A_96 : memref<!tpu.dma_semaphore, #tpu.memory_space<semaphore_mem>>) {add = true}
          %dma_wait3A_103 = arith.constant 0 : i32
          %dma_wait3A_104 = tpu.memref_slice %arg9[%scan3A_59, %dma_wait3A_103] : memref<79x128xi32, #tpu.memory_space<vmem>> -> memref<1x128xi32, #tpu.memory_space<vmem>>
          %dma_wait3A_105 = tpu.memref_squeeze %dma_wait3A_104 : memref<1x128xi32, #tpu.memory_space<vmem>> -> memref<128xi32, #tpu.memory_space<vmem>>
          %dma_wait3A_106 = arith.constant 0 : i32
          %dma_wait3A_107 = arith.constant 0 : i32
          %dma_wait3A_108 = tpu.memref_slice %arg14[%dma_wait3A_106, %dma_wait3A_107] : memref<5120x128xf32, #tpu.memory_space<vmem_shared>> -> memref<5120x128xf32, #tpu.memory_space<vmem_shared>>
          tpu.wait_indirect_dma semaphore(%run_scoped3A_96 : memref<!tpu.dma_semaphore, #tpu.memory_space<semaphore_mem>>) src(%arg13 : memref<128x128xf32, #tpu.memory_space<vmem>>) dst(%dma_wait3A_108 : memref<5120x128xf32, #tpu.memory_space<vmem_shared>>)
          tpu.yield
        }) : () -> ()
      } else {
      }
      %scan3A_83 = arith.constant 0 : i32
      scf.yield %scan3A_83 : i32
    }
    %scan3A_21 = arith.constant 79 : i32
    %barrier3A_22 = arith.constant 0 : index
    tpu.barrier barrier_id(%barrier3A_22)
    %mul3A_23 = arith.constant 320 : i32
    %mul3A_24 = arith.muli %arg1, %mul3A_23 : i32
    %min3A = arith.constant 4680 : i32
    %min3A_25 = arith.minsi %mul3A_24, %min3A : i32
    %multiple_of3A = tpu.assume_multiple %min3A_25, 8 : i32
    %run_scoped3A = arith.constant 0 : i32
    "tpu.region"() ({
      %run_scoped3A_59 = tpu.sem_alloc : memref<!tpu.dma_semaphore, #tpu.memory_space<semaphore_mem>>
      %dma_start3A_60 = arith.constant 0 : i32
      %dma_start3A_61 = arith.constant 0 : i32
      %dma_start3A_62 = arith.constant 0 : i32
      %dma_start3A_63 = tpu.memref_slice %arg7[%run_scoped3A, %dma_start3A_60, %dma_start3A_61, %dma_start3A_62] : memref<2x2x5000x128xf32, #tpu.memory_space<hbm>> -> memref<1x2x5000x128xf32, #tpu.memory_space<hbm>>
      %dma_start3A_64 = tpu.memref_squeeze %dma_start3A_63 : memref<1x2x5000x128xf32, #tpu.memory_space<hbm>> -> memref<2x5000x128xf32, #tpu.memory_space<hbm>>
      %dma_start3A_65 = arith.constant 0 : i32
      %dma_start3A_66 = arith.constant 0 : i32
      %dma_start3A_67 = tpu.memref_slice %dma_start3A_64[%arg0, %dma_start3A_65, %dma_start3A_66] : memref<2x5000x128xf32, #tpu.memory_space<hbm>> -> memref<1x5000x128xf32, #tpu.memory_space<hbm>>
      %dma_start3A_68 = tpu.memref_squeeze %dma_start3A_67 : memref<1x5000x128xf32, #tpu.memory_space<hbm>> -> memref<5000x128xf32, #tpu.memory_space<hbm>>
      %dma_start3A_69 = arith.constant 0 : i32
      %dma_start3A_70 = tpu.memref_slice %dma_start3A_68[%multiple_of3A, %dma_start3A_69] : memref<5000x128xf32, #tpu.memory_space<hbm>> -> memref<320x128xf32, #tpu.memory_space<hbm>>
      %dma_start3A_71 = arith.constant 0 : i32
      %dma_start3A_72 = tpu.memref_slice %arg14[%multiple_of3A, %dma_start3A_71] : memref<5120x128xf32, #tpu.memory_space<vmem_shared>> -> memref<320x128xf32, #tpu.memory_space<vmem_shared>>
      tpu.enqueue_dma source(%dma_start3A_72 : memref<320x128xf32, #tpu.memory_space<vmem_shared>>) target(%dma_start3A_70 : memref<320x128xf32, #tpu.memory_space<hbm>>) target_semaphore(%run_scoped3A_59 : memref<!tpu.dma_semaphore, #tpu.memory_space<semaphore_mem>>)
      %dma_wait3A = arith.constant 0 : i32
      %dma_wait3A_73 = arith.constant 0 : i32
      %dma_wait3A_74 = arith.constant 0 : i32
      %dma_wait3A_75 = tpu.memref_slice %arg7[%run_scoped3A, %dma_wait3A, %dma_wait3A_73, %dma_wait3A_74] : memref<2x2x5000x128xf32, #tpu.memory_space<hbm>> -> memref<1x2x5000x128xf32, #tpu.memory_space<hbm>>
      %dma_wait3A_76 = tpu.memref_squeeze %dma_wait3A_75 : memref<1x2x5000x128xf32, #tpu.memory_space<hbm>> -> memref<2x5000x128xf32, #tpu.memory_space<hbm>>
      %dma_wait3A_77 = arith.constant 0 : i32
      %dma_wait3A_78 = arith.constant 0 : i32
      %dma_wait3A_79 = tpu.memref_slice %dma_wait3A_76[%arg0, %dma_wait3A_77, %dma_wait3A_78] : memref<2x5000x128xf32, #tpu.memory_space<hbm>> -> memref<1x5000x128xf32, #tpu.memory_space<hbm>>
      %dma_wait3A_80 = tpu.memref_squeeze %dma_wait3A_79 : memref<1x5000x128xf32, #tpu.memory_space<hbm>> -> memref<5000x128xf32, #tpu.memory_space<hbm>>
      %dma_wait3A_81 = arith.constant 0 : i32
      %dma_wait3A_82 = tpu.memref_slice %dma_wait3A_80[%multiple_of3A, %dma_wait3A_81] : memref<5000x128xf32, #tpu.memory_space<hbm>> -> memref<320x128xf32, #tpu.memory_space<hbm>>
      %dma_wait3A_83 = arith.constant 0 : i32
      %dma_wait3A_84 = tpu.memref_slice %arg14[%multiple_of3A, %dma_wait3A_83] : memref<5120x128xf32, #tpu.memory_space<vmem_shared>> -> memref<320x128xf32, #tpu.memory_space<vmem_shared>>
      tpu.wait_dma2 semaphore(%run_scoped3A_59 : memref<!tpu.dma_semaphore, #tpu.memory_space<semaphore_mem>>) src(%dma_wait3A_84 : memref<320x128xf32, #tpu.memory_space<vmem_shared>>) dst(%dma_wait3A_82 : memref<320x128xf32, #tpu.memory_space<hbm>>)
      tpu.yield
    }) : () -> ()
    %barrier3A_26 = arith.constant 0 : index
    tpu.barrier barrier_id(%barrier3A_26)
    %mul3A_27 = arith.constant 320 : i32
    %mul3A_28 = arith.muli %arg1, %mul3A_27 : i32
    "tpu.region"() ({
      %run_scoped3A_59 = tpu.sem_alloc : memref<!tpu.dma_semaphore, #tpu.memory_space<semaphore_mem>>
      %dma_start3A_60 = arith.constant 0 : i32
      %dma_start3A_61 = tpu.memref_slice %arg14[%mul3A_28, %dma_start3A_60] : memref<5120x128xf32, #tpu.memory_space<vmem_shared>> -> memref<320x128xf32, #tpu.memory_space<vmem_shared>>
      tpu.enqueue_dma source(%arg6 : memref<320x128xf32, #tpu.memory_space<hbm>>) target(%dma_start3A_61 : memref<320x128xf32, #tpu.memory_space<vmem_shared>>) target_semaphore(%run_scoped3A_59 : memref<!tpu.dma_semaphore, #tpu.memory_space<semaphore_mem>>)
      %dma_wait3A = arith.constant 0 : i32
      %dma_wait3A_62 = tpu.memref_slice %arg14[%mul3A_28, %dma_wait3A] : memref<5120x128xf32, #tpu.memory_space<vmem_shared>> -> memref<320x128xf32, #tpu.memory_space<vmem_shared>>
      tpu.wait_dma2 semaphore(%run_scoped3A_59 : memref<!tpu.dma_semaphore, #tpu.memory_space<semaphore_mem>>) src(%arg6 : memref<320x128xf32, #tpu.memory_space<hbm>>) dst(%dma_wait3A_62 : memref<320x128xf32, #tpu.memory_space<vmem_shared>>)
      tpu.yield
    }) : () -> ()
    %barrier3A_29 = arith.constant 0 : index
    tpu.barrier barrier_id(%barrier3A_29)
    %dma_start3A_30 = arith.constant 0 : i32
    %dma_start3A_31 = arith.constant 0 : i32
    %dma_start3A_32 = tpu.memref_slice %arg8[%dma_start3A_30, %dma_start3A_31] : memref<79x128xi32, #tpu.memory_space<vmem>> -> memref<1x128xi32, #tpu.memory_space<vmem>>
    %dma_start3A_33 = tpu.memref_squeeze %dma_start3A_32 : memref<1x128xi32, #tpu.memory_space<vmem>> -> memref<128xi32, #tpu.memory_space<vmem>>
    %dma_start3A_34 = arith.constant 0 : i32
    %dma_start3A_35 = arith.constant 0 : i32
    %dma_start3A_36 = tpu.memref_slice %arg2[%dma_start3A_34, %dma_start3A_35] : memref<10000x128xf32, #tpu.memory_space<hbm>> -> memref<10000x128xf32, #tpu.memory_space<hbm>>
    tpu.enqueue_indirect_dma source(%dma_start3A_36 : memref<10000x128xf32, #tpu.memory_space<hbm>>) target(%arg11 : memref<128x128xf32, #tpu.memory_space<vmem>>) offsets(%dma_start3A_33 : memref<128xi32, #tpu.memory_space<vmem>>) semaphore(%arg15 : memref<!tpu.dma_semaphore, #tpu.memory_space<semaphore_mem>>)
    %dma_start3A_37 = arith.constant 1 : i32
    %dma_start3A_38 = arith.constant 0 : i32
    %dma_start3A_39 = tpu.memref_slice %arg8[%dma_start3A_37, %dma_start3A_38] : memref<79x128xi32, #tpu.memory_space<vmem>> -> memref<1x128xi32, #tpu.memory_space<vmem>>
    %dma_start3A_40 = tpu.memref_squeeze %dma_start3A_39 : memref<1x128xi32, #tpu.memory_space<vmem>> -> memref<128xi32, #tpu.memory_space<vmem>>
    %dma_start3A_41 = arith.constant 0 : i32
    %dma_start3A_42 = arith.constant 0 : i32
    %dma_start3A_43 = tpu.memref_slice %arg2[%dma_start3A_41, %dma_start3A_42] : memref<10000x128xf32, #tpu.memory_space<hbm>> -> memref<10000x128xf32, #tpu.memory_space<hbm>>
    tpu.enqueue_indirect_dma source(%dma_start3A_43 : memref<10000x128xf32, #tpu.memory_space<hbm>>) target(%arg12 : memref<128x128xf32, #tpu.memory_space<vmem>>) offsets(%dma_start3A_40 : memref<128xi32, #tpu.memory_space<vmem>>) semaphore(%arg16 : memref<!tpu.dma_semaphore, #tpu.memory_space<semaphore_mem>>)
    %scan3A_44 = arith.constant 0 : i32
    %scan3A_45 = arith.constant 0 : i32
    %scan3A_46 = arith.constant 79 : i32
    %scan3A_47 = arith.addi %scan3A_45, %scan3A_46 : i32
    %scan3A_48 = arith.constant 1 : i32
    %scan3A_49 = scf.for %scan3A_59 = %scan3A_45 to %scan3A_47 step %scan3A_48 iter_args(%scan3A_60 = %scan3A_44) -> (i32)  : i32 {
      %jit3A = arith.constant 3 : i32
      %eq3A = arith.constant 0 : i32
      %eq3A_61 = arith.cmpi eq, %jit3A, %eq3A : i32
      %jit3A_62 = arith.constant 1 : i32
      %select_n3A = arith.select %eq3A_61, %jit3A_62, %jit3A : i32
      %rem3A = arith.remsi %scan3A_59, %select_n3A : i32
      %ne3A = arith.constant 0 : i32
      %ne3A_63 = arith.cmpi ne, %rem3A, %ne3A : i32
      %lt3A = arith.constant 0 : i32
      %lt3A_64 = arith.cmpi slt, %rem3A, %lt3A : i32
      %lt3A_65 = arith.constant 0 : i32
      %lt3A_66 = arith.cmpi slt, %select_n3A, %lt3A_65 : i32
      %ne3A_67 = arith.xori %lt3A_64, %lt3A_66 : i1
      %and3A = arith.andi %ne3A_67, %ne3A_63 : i1
      %add3A_68 = arith.addi %rem3A, %select_n3A : i32
      %select_n3A_69 = arith.select %and3A, %add3A_68, %rem3A : i32
      %eq3A_70 = arith.constant 0 : i32
      %eq3A_71 = arith.cmpi eq, %select_n3A_69, %eq3A_70 : i32
      %convert_element_type3A = arith.extui %eq3A_71 : i1 to i32
      %cond3A = arith.constant 0 : i32
      %cond3A_72 = arith.cmpi ne, %convert_element_type3A, %cond3A : i32
      scf.if %cond3A_72 {
        %add3A_84 = arith.constant 2 : i32
        %add3A_85 = arith.addi %scan3A_59, %add3A_84 : i32
        %lt3A_86 = arith.constant 79 : i32
        %lt3A_87 = arith.cmpi slt, %add3A_85, %lt3A_86 : i32
        %convert_element_type3A_88 = arith.extui %lt3A_87 : i1 to i32
        %cond3A_89 = arith.constant 0 : i32
        %cond3A_90 = arith.cmpi ne, %convert_element_type3A_88, %cond3A_89 : i32
        scf.if %cond3A_90 {
          %add3A_96 = arith.constant 2 : i32
          %add3A_97 = arith.addi %scan3A_59, %add3A_96 : i32
          %dma_start3A_98 = arith.constant 0 : i32
          %dma_start3A_99 = tpu.memref_slice %arg8[%add3A_97, %dma_start3A_98] : memref<79x128xi32, #tpu.memory_space<vmem>> -> memref<1x128xi32, #tpu.memory_space<vmem>>
          %dma_start3A_100 = tpu.memref_squeeze %dma_start3A_99 : memref<1x128xi32, #tpu.memory_space<vmem>> -> memref<128xi32, #tpu.memory_space<vmem>>
          %dma_start3A_101 = arith.constant 0 : i32
          %dma_start3A_102 = arith.constant 0 : i32
          %dma_start3A_103 = tpu.memref_slice %arg2[%dma_start3A_101, %dma_start3A_102] : memref<10000x128xf32, #tpu.memory_space<hbm>> -> memref<10000x128xf32, #tpu.memory_space<hbm>>
          tpu.enqueue_indirect_dma source(%dma_start3A_103 : memref<10000x128xf32, #tpu.memory_space<hbm>>) target(%arg13 : memref<128x128xf32, #tpu.memory_space<vmem>>) offsets(%dma_start3A_100 : memref<128xi32, #tpu.memory_space<vmem>>) semaphore(%arg17 : memref<!tpu.dma_semaphore, #tpu.memory_space<semaphore_mem>>)
        } else {
        }
        %dma_wait3A = arith.constant 0 : i32
        %dma_wait3A_91 = tpu.memref_slice %arg8[%scan3A_59, %dma_wait3A] : memref<79x128xi32, #tpu.memory_space<vmem>> -> memref<1x128xi32, #tpu.memory_space<vmem>>
        %dma_wait3A_92 = tpu.memref_squeeze %dma_wait3A_91 : memref<1x128xi32, #tpu.memory_space<vmem>> -> memref<128xi32, #tpu.memory_space<vmem>>
        %dma_wait3A_93 = arith.constant 0 : i32
        %dma_wait3A_94 = arith.constant 0 : i32
        %dma_wait3A_95 = tpu.memref_slice %arg2[%dma_wait3A_93, %dma_wait3A_94] : memref<10000x128xf32, #tpu.memory_space<hbm>> -> memref<10000x128xf32, #tpu.memory_space<hbm>>
        tpu.wait_indirect_dma semaphore(%arg15 : memref<!tpu.dma_semaphore, #tpu.memory_space<semaphore_mem>>) src(%dma_wait3A_95 : memref<10000x128xf32, #tpu.memory_space<hbm>>) dst(%arg11 : memref<128x128xf32, #tpu.memory_space<vmem>>)
        "tpu.region"() ({
          %run_scoped3A_96 = tpu.sem_alloc : memref<!tpu.dma_semaphore, #tpu.memory_space<semaphore_mem>>
          %dma_start3A_97 = arith.constant 0 : i32
          %dma_start3A_98 = tpu.memref_slice %arg10[%scan3A_59, %dma_start3A_97] : memref<79x128xi32, #tpu.memory_space<vmem>> -> memref<1x128xi32, #tpu.memory_space<vmem>>
          %dma_start3A_99 = tpu.memref_squeeze %dma_start3A_98 : memref<1x128xi32, #tpu.memory_space<vmem>> -> memref<128xi32, #tpu.memory_space<vmem>>
          %dma_start3A_100 = arith.constant 0 : i32
          %dma_start3A_101 = arith.constant 0 : i32
          %dma_start3A_102 = tpu.memref_slice %arg14[%dma_start3A_100, %dma_start3A_101] : memref<5120x128xf32, #tpu.memory_space<vmem_shared>> -> memref<5120x128xf32, #tpu.memory_space<vmem_shared>>
          tpu.enqueue_indirect_dma source(%arg11 : memref<128x128xf32, #tpu.memory_space<vmem>>) target(%dma_start3A_102 : memref<5120x128xf32, #tpu.memory_space<vmem_shared>>) offsets(%dma_start3A_99 : memref<128xi32, #tpu.memory_space<vmem>>) semaphore(%run_scoped3A_96 : memref<!tpu.dma_semaphore, #tpu.memory_space<semaphore_mem>>) {add = true}
          %dma_wait3A_103 = arith.constant 0 : i32
          %dma_wait3A_104 = tpu.memref_slice %arg10[%scan3A_59, %dma_wait3A_103] : memref<79x128xi32, #tpu.memory_space<vmem>> -> memref<1x128xi32, #tpu.memory_space<vmem>>
          %dma_wait3A_105 = tpu.memref_squeeze %dma_wait3A_104 : memref<1x128xi32, #tpu.memory_space<vmem>> -> memref<128xi32, #tpu.memory_space<vmem>>
          %dma_wait3A_106 = arith.constant 0 : i32
          %dma_wait3A_107 = arith.constant 0 : i32
          %dma_wait3A_108 = tpu.memref_slice %arg14[%dma_wait3A_106, %dma_wait3A_107] : memref<5120x128xf32, #tpu.memory_space<vmem_shared>> -> memref<5120x128xf32, #tpu.memory_space<vmem_shared>>
          tpu.wait_indirect_dma semaphore(%run_scoped3A_96 : memref<!tpu.dma_semaphore, #tpu.memory_space<semaphore_mem>>) src(%arg11 : memref<128x128xf32, #tpu.memory_space<vmem>>) dst(%dma_wait3A_108 : memref<5120x128xf32, #tpu.memory_space<vmem_shared>>)
          tpu.yield
        }) : () -> ()
      } else {
      }
      %eq3A_73 = arith.constant 1 : i32
      %eq3A_74 = arith.cmpi eq, %select_n3A_69, %eq3A_73 : i32
      %convert_element_type3A_75 = arith.extui %eq3A_74 : i1 to i32
      %cond3A_76 = arith.constant 0 : i32
      %cond3A_77 = arith.cmpi ne, %convert_element_type3A_75, %cond3A_76 : i32
      scf.if %cond3A_77 {
        %add3A_84 = arith.constant 2 : i32
        %add3A_85 = arith.addi %scan3A_59, %add3A_84 : i32
        %lt3A_86 = arith.constant 79 : i32
        %lt3A_87 = arith.cmpi slt, %add3A_85, %lt3A_86 : i32
        %convert_element_type3A_88 = arith.extui %lt3A_87 : i1 to i32
        %cond3A_89 = arith.constant 0 : i32
        %cond3A_90 = arith.cmpi ne, %convert_element_type3A_88, %cond3A_89 : i32
        scf.if %cond3A_90 {
          %add3A_96 = arith.constant 2 : i32
          %add3A_97 = arith.addi %scan3A_59, %add3A_96 : i32
          %dma_start3A_98 = arith.constant 0 : i32
          %dma_start3A_99 = tpu.memref_slice %arg8[%add3A_97, %dma_start3A_98] : memref<79x128xi32, #tpu.memory_space<vmem>> -> memref<1x128xi32, #tpu.memory_space<vmem>>
          %dma_start3A_100 = tpu.memref_squeeze %dma_start3A_99 : memref<1x128xi32, #tpu.memory_space<vmem>> -> memref<128xi32, #tpu.memory_space<vmem>>
          %dma_start3A_101 = arith.constant 0 : i32
          %dma_start3A_102 = arith.constant 0 : i32
          %dma_start3A_103 = tpu.memref_slice %arg2[%dma_start3A_101, %dma_start3A_102] : memref<10000x128xf32, #tpu.memory_space<hbm>> -> memref<10000x128xf32, #tpu.memory_space<hbm>>
          tpu.enqueue_indirect_dma source(%dma_start3A_103 : memref<10000x128xf32, #tpu.memory_space<hbm>>) target(%arg11 : memref<128x128xf32, #tpu.memory_space<vmem>>) offsets(%dma_start3A_100 : memref<128xi32, #tpu.memory_space<vmem>>) semaphore(%arg15 : memref<!tpu.dma_semaphore, #tpu.memory_space<semaphore_mem>>)
        } else {
        }
        %dma_wait3A = arith.constant 0 : i32
        %dma_wait3A_91 = tpu.memref_slice %arg8[%scan3A_59, %dma_wait3A] : memref<79x128xi32, #tpu.memory_space<vmem>> -> memref<1x128xi32, #tpu.memory_space<vmem>>
        %dma_wait3A_92 = tpu.memref_squeeze %dma_wait3A_91 : memref<1x128xi32, #tpu.memory_space<vmem>> -> memref<128xi32, #tpu.memory_space<vmem>>
        %dma_wait3A_93 = arith.constant 0 : i32
        %dma_wait3A_94 = arith.constant 0 : i32
        %dma_wait3A_95 = tpu.memref_slice %arg2[%dma_wait3A_93, %dma_wait3A_94] : memref<10000x128xf32, #tpu.memory_space<hbm>> -> memref<10000x128xf32, #tpu.memory_space<hbm>>
        tpu.wait_indirect_dma semaphore(%arg16 : memref<!tpu.dma_semaphore, #tpu.memory_space<semaphore_mem>>) src(%dma_wait3A_95 : memref<10000x128xf32, #tpu.memory_space<hbm>>) dst(%arg12 : memref<128x128xf32, #tpu.memory_space<vmem>>)
        "tpu.region"() ({
          %run_scoped3A_96 = tpu.sem_alloc : memref<!tpu.dma_semaphore, #tpu.memory_space<semaphore_mem>>
          %dma_start3A_97 = arith.constant 0 : i32
          %dma_start3A_98 = tpu.memref_slice %arg10[%scan3A_59, %dma_start3A_97] : memref<79x128xi32, #tpu.memory_space<vmem>> -> memref<1x128xi32, #tpu.memory_space<vmem>>
          %dma_start3A_99 = tpu.memref_squeeze %dma_start3A_98 : memref<1x128xi32, #tpu.memory_space<vmem>> -> memref<128xi32, #tpu.memory_space<vmem>>
          %dma_start3A_100 = arith.constant 0 : i32
          %dma_start3A_101 = arith.constant 0 : i32
          %dma_start3A_102 = tpu.memref_slice %arg14[%dma_start3A_100, %dma_start3A_101] : memref<5120x128xf32, #tpu.memory_space<vmem_shared>> -> memref<5120x128xf32, #tpu.memory_space<vmem_shared>>
          tpu.enqueue_indirect_dma source(%arg12 : memref<128x128xf32, #tpu.memory_space<vmem>>) target(%dma_start3A_102 : memref<5120x128xf32, #tpu.memory_space<vmem_shared>>) offsets(%dma_start3A_99 : memref<128xi32, #tpu.memory_space<vmem>>) semaphore(%run_scoped3A_96 : memref<!tpu.dma_semaphore, #tpu.memory_space<semaphore_mem>>) {add = true}
          %dma_wait3A_103 = arith.constant 0 : i32
          %dma_wait3A_104 = tpu.memref_slice %arg10[%scan3A_59, %dma_wait3A_103] : memref<79x128xi32, #tpu.memory_space<vmem>> -> memref<1x128xi32, #tpu.memory_space<vmem>>
          %dma_wait3A_105 = tpu.memref_squeeze %dma_wait3A_104 : memref<1x128xi32, #tpu.memory_space<vmem>> -> memref<128xi32, #tpu.memory_space<vmem>>
          %dma_wait3A_106 = arith.constant 0 : i32
          %dma_wait3A_107 = arith.constant 0 : i32
          %dma_wait3A_108 = tpu.memref_slice %arg14[%dma_wait3A_106, %dma_wait3A_107] : memref<5120x128xf32, #tpu.memory_space<vmem_shared>> -> memref<5120x128xf32, #tpu.memory_space<vmem_shared>>
          tpu.wait_indirect_dma semaphore(%run_scoped3A_96 : memref<!tpu.dma_semaphore, #tpu.memory_space<semaphore_mem>>) src(%arg12 : memref<128x128xf32, #tpu.memory_space<vmem>>) dst(%dma_wait3A_108 : memref<5120x128xf32, #tpu.memory_space<vmem_shared>>)
          tpu.yield
        }) : () -> ()
      } else {
      }
      %eq3A_78 = arith.constant 2 : i32
      %eq3A_79 = arith.cmpi eq, %select_n3A_69, %eq3A_78 : i32
      %convert_element_type3A_80 = arith.extui %eq3A_79 : i1 to i32
      %cond3A_81 = arith.constant 0 : i32
      %cond3A_82 = arith.cmpi ne, %convert_element_type3A_80, %cond3A_81 : i32
      scf.if %cond3A_82 {
        %add3A_84 = arith.constant 2 : i32
        %add3A_85 = arith.addi %scan3A_59, %add3A_84 : i32
        %lt3A_86 = arith.constant 79 : i32
        %lt3A_87 = arith.cmpi slt, %add3A_85, %lt3A_86 : i32
        %convert_element_type3A_88 = arith.extui %lt3A_87 : i1 to i32
        %cond3A_89 = arith.constant 0 : i32
        %cond3A_90 = arith.cmpi ne, %convert_element_type3A_88, %cond3A_89 : i32
        scf.if %cond3A_90 {
          %add3A_96 = arith.constant 2 : i32
          %add3A_97 = arith.addi %scan3A_59, %add3A_96 : i32
          %dma_start3A_98 = arith.constant 0 : i32
          %dma_start3A_99 = tpu.memref_slice %arg8[%add3A_97, %dma_start3A_98] : memref<79x128xi32, #tpu.memory_space<vmem>> -> memref<1x128xi32, #tpu.memory_space<vmem>>
          %dma_start3A_100 = tpu.memref_squeeze %dma_start3A_99 : memref<1x128xi32, #tpu.memory_space<vmem>> -> memref<128xi32, #tpu.memory_space<vmem>>
          %dma_start3A_101 = arith.constant 0 : i32
          %dma_start3A_102 = arith.constant 0 : i32
          %dma_start3A_103 = tpu.memref_slice %arg2[%dma_start3A_101, %dma_start3A_102] : memref<10000x128xf32, #tpu.memory_space<hbm>> -> memref<10000x128xf32, #tpu.memory_space<hbm>>
          tpu.enqueue_indirect_dma source(%dma_start3A_103 : memref<10000x128xf32, #tpu.memory_space<hbm>>) target(%arg12 : memref<128x128xf32, #tpu.memory_space<vmem>>) offsets(%dma_start3A_100 : memref<128xi32, #tpu.memory_space<vmem>>) semaphore(%arg16 : memref<!tpu.dma_semaphore, #tpu.memory_space<semaphore_mem>>)
        } else {
        }
        %dma_wait3A = arith.constant 0 : i32
        %dma_wait3A_91 = tpu.memref_slice %arg8[%scan3A_59, %dma_wait3A] : memref<79x128xi32, #tpu.memory_space<vmem>> -> memref<1x128xi32, #tpu.memory_space<vmem>>
        %dma_wait3A_92 = tpu.memref_squeeze %dma_wait3A_91 : memref<1x128xi32, #tpu.memory_space<vmem>> -> memref<128xi32, #tpu.memory_space<vmem>>
        %dma_wait3A_93 = arith.constant 0 : i32
        %dma_wait3A_94 = arith.constant 0 : i32
        %dma_wait3A_95 = tpu.memref_slice %arg2[%dma_wait3A_93, %dma_wait3A_94] : memref<10000x128xf32, #tpu.memory_space<hbm>> -> memref<10000x128xf32, #tpu.memory_space<hbm>>
        tpu.wait_indirect_dma semaphore(%arg17 : memref<!tpu.dma_semaphore, #tpu.memory_space<semaphore_mem>>) src(%dma_wait3A_95 : memref<10000x128xf32, #tpu.memory_space<hbm>>) dst(%arg13 : memref<128x128xf32, #tpu.memory_space<vmem>>)
        "tpu.region"() ({
          %run_scoped3A_96 = tpu.sem_alloc : memref<!tpu.dma_semaphore, #tpu.memory_space<semaphore_mem>>
          %dma_start3A_97 = arith.constant 0 : i32
          %dma_start3A_98 = tpu.memref_slice %arg10[%scan3A_59, %dma_start3A_97] : memref<79x128xi32, #tpu.memory_space<vmem>> -> memref<1x128xi32, #tpu.memory_space<vmem>>
          %dma_start3A_99 = tpu.memref_squeeze %dma_start3A_98 : memref<1x128xi32, #tpu.memory_space<vmem>> -> memref<128xi32, #tpu.memory_space<vmem>>
          %dma_start3A_100 = arith.constant 0 : i32
          %dma_start3A_101 = arith.constant 0 : i32
          %dma_start3A_102 = tpu.memref_slice %arg14[%dma_start3A_100, %dma_start3A_101] : memref<5120x128xf32, #tpu.memory_space<vmem_shared>> -> memref<5120x128xf32, #tpu.memory_space<vmem_shared>>
          tpu.enqueue_indirect_dma source(%arg13 : memref<128x128xf32, #tpu.memory_space<vmem>>) target(%dma_start3A_102 : memref<5120x128xf32, #tpu.memory_space<vmem_shared>>) offsets(%dma_start3A_99 : memref<128xi32, #tpu.memory_space<vmem>>) semaphore(%run_scoped3A_96 : memref<!tpu.dma_semaphore, #tpu.memory_space<semaphore_mem>>) {add = true}
          %dma_wait3A_103 = arith.constant 0 : i32
          %dma_wait3A_104 = tpu.memref_slice %arg10[%scan3A_59, %dma_wait3A_103] : memref<79x128xi32, #tpu.memory_space<vmem>> -> memref<1x128xi32, #tpu.memory_space<vmem>>
          %dma_wait3A_105 = tpu.memref_squeeze %dma_wait3A_104 : memref<1x128xi32, #tpu.memory_space<vmem>> -> memref<128xi32, #tpu.memory_space<vmem>>
          %dma_wait3A_106 = arith.constant 0 : i32
          %dma_wait3A_107 = arith.constant 0 : i32
          %dma_wait3A_108 = tpu.memref_slice %arg14[%dma_wait3A_106, %dma_wait3A_107] : memref<5120x128xf32, #tpu.memory_space<vmem_shared>> -> memref<5120x128xf32, #tpu.memory_space<vmem_shared>>
          tpu.wait_indirect_dma semaphore(%run_scoped3A_96 : memref<!tpu.dma_semaphore, #tpu.memory_space<semaphore_mem>>) src(%arg13 : memref<128x128xf32, #tpu.memory_space<vmem>>) dst(%dma_wait3A_108 : memref<5120x128xf32, #tpu.memory_space<vmem_shared>>)
          tpu.yield
        }) : () -> ()
      } else {
      }
      %scan3A_83 = arith.constant 0 : i32
      scf.yield %scan3A_83 : i32
    }
    %scan3A_50 = arith.constant 79 : i32
    %barrier3A_51 = arith.constant 0 : index
    tpu.barrier barrier_id(%barrier3A_51)
    %mul3A_52 = arith.constant 320 : i32
    %mul3A_53 = arith.muli %arg1, %mul3A_52 : i32
    %min3A_54 = arith.constant 4680 : i32
    %min3A_55 = arith.minsi %mul3A_53, %min3A_54 : i32
    %multiple_of3A_56 = tpu.assume_multiple %min3A_55, 8 : i32
    %run_scoped3A_57 = arith.constant 1 : i32
    "tpu.region"() ({
      %run_scoped3A_59 = tpu.sem_alloc : memref<!tpu.dma_semaphore, #tpu.memory_space<semaphore_mem>>
      %dma_start3A_60 = arith.constant 0 : i32
      %dma_start3A_61 = arith.constant 0 : i32
      %dma_start3A_62 = arith.constant 0 : i32
      %dma_start3A_63 = tpu.memref_slice %arg7[%run_scoped3A_57, %dma_start3A_60, %dma_start3A_61, %dma_start3A_62] : memref<2x2x5000x128xf32, #tpu.memory_space<hbm>> -> memref<1x2x5000x128xf32, #tpu.memory_space<hbm>>
      %dma_start3A_64 = tpu.memref_squeeze %dma_start3A_63 : memref<1x2x5000x128xf32, #tpu.memory_space<hbm>> -> memref<2x5000x128xf32, #tpu.memory_space<hbm>>
      %dma_start3A_65 = arith.constant 0 : i32
      %dma_start3A_66 = arith.constant 0 : i32
      %dma_start3A_67 = tpu.memref_slice %dma_start3A_64[%arg0, %dma_start3A_65, %dma_start3A_66] : memref<2x5000x128xf32, #tpu.memory_space<hbm>> -> memref<1x5000x128xf32, #tpu.memory_space<hbm>>
      %dma_start3A_68 = tpu.memref_squeeze %dma_start3A_67 : memref<1x5000x128xf32, #tpu.memory_space<hbm>> -> memref<5000x128xf32, #tpu.memory_space<hbm>>
      %dma_start3A_69 = arith.constant 0 : i32
      %dma_start3A_70 = tpu.memref_slice %dma_start3A_68[%multiple_of3A_56, %dma_start3A_69] : memref<5000x128xf32, #tpu.memory_space<hbm>> -> memref<320x128xf32, #tpu.memory_space<hbm>>
      %dma_start3A_71 = arith.constant 0 : i32
      %dma_start3A_72 = tpu.memref_slice %arg14[%multiple_of3A_56, %dma_start3A_71] : memref<5120x128xf32, #tpu.memory_space<vmem_shared>> -> memref<320x128xf32, #tpu.memory_space<vmem_shared>>
      tpu.enqueue_dma source(%dma_start3A_72 : memref<320x128xf32, #tpu.memory_space<vmem_shared>>) target(%dma_start3A_70 : memref<320x128xf32, #tpu.memory_space<hbm>>) target_semaphore(%run_scoped3A_59 : memref<!tpu.dma_semaphore, #tpu.memory_space<semaphore_mem>>)
      %dma_wait3A = arith.constant 0 : i32
      %dma_wait3A_73 = arith.constant 0 : i32
      %dma_wait3A_74 = arith.constant 0 : i32
      %dma_wait3A_75 = tpu.memref_slice %arg7[%run_scoped3A_57, %dma_wait3A, %dma_wait3A_73, %dma_wait3A_74] : memref<2x2x5000x128xf32, #tpu.memory_space<hbm>> -> memref<1x2x5000x128xf32, #tpu.memory_space<hbm>>
      %dma_wait3A_76 = tpu.memref_squeeze %dma_wait3A_75 : memref<1x2x5000x128xf32, #tpu.memory_space<hbm>> -> memref<2x5000x128xf32, #tpu.memory_space<hbm>>
      %dma_wait3A_77 = arith.constant 0 : i32
      %dma_wait3A_78 = arith.constant 0 : i32
      %dma_wait3A_79 = tpu.memref_slice %dma_wait3A_76[%arg0, %dma_wait3A_77, %dma_wait3A_78] : memref<2x5000x128xf32, #tpu.memory_space<hbm>> -> memref<1x5000x128xf32, #tpu.memory_space<hbm>>
      %dma_wait3A_80 = tpu.memref_squeeze %dma_wait3A_79 : memref<1x5000x128xf32, #tpu.memory_space<hbm>> -> memref<5000x128xf32, #tpu.memory_space<hbm>>
      %dma_wait3A_81 = arith.constant 0 : i32
      %dma_wait3A_82 = tpu.memref_slice %dma_wait3A_80[%multiple_of3A_56, %dma_wait3A_81] : memref<5000x128xf32, #tpu.memory_space<hbm>> -> memref<320x128xf32, #tpu.memory_space<hbm>>
      %dma_wait3A_83 = arith.constant 0 : i32
      %dma_wait3A_84 = tpu.memref_slice %arg14[%multiple_of3A_56, %dma_wait3A_83] : memref<5120x128xf32, #tpu.memory_space<vmem_shared>> -> memref<320x128xf32, #tpu.memory_space<vmem_shared>>
      tpu.wait_dma2 semaphore(%run_scoped3A_59 : memref<!tpu.dma_semaphore, #tpu.memory_space<semaphore_mem>>) src(%dma_wait3A_84 : memref<320x128xf32, #tpu.memory_space<vmem_shared>>) dst(%dma_wait3A_82 : memref<320x128xf32, #tpu.memory_space<hbm>>)
      tpu.yield
    }) : () -> ()
    %barrier3A_58 = arith.constant 0 : index
    tpu.barrier barrier_id(%barrier3A_58)
    return
  }
}

module attributes {stable_mosaic.version = 14 : i64} {
  func.func @_tc_body(%arg0: i32, %arg1: memref<1x2x1000x128xf32, #tpu.memory_space<vmem>>, %arg2: memref<1x2x1000x128xf32, #tpu.memory_space<vmem>>, %arg3: memref<128x128xf32, #tpu.memory_space<vmem>>, %arg4: memref<1x128xf32, #tpu.memory_space<vmem>>, %arg5: memref<1000x128xf32, #tpu.memory_space<vmem>>) attributes {dimension_semantics = [#tpu.dimension_semantics<arbitrary>], iteration_bounds = array<i64: 10>, scalar_prefetch = 0 : i64, scratch_operands = 0 : i64, tpu.core_type = #tpu.core_type<tc>, window_params = [{transform_indices = @transform_0, window_bounds = array<i64: 1, 2, 1000, 128>}, {transform_indices = @transform_1, window_bounds = array<i64: 1, 2, 1000, 128>}, {pipeline_mode = #tpu.pipeline_mode<synchronous>, transform_indices = @transform_2, window_bounds = array<i64: 128, 128>}, {pipeline_mode = #tpu.pipeline_mode<synchronous>, transform_indices = @transform_3, window_bounds = array<i64: 1, 128>}, {transform_indices = @transform_4, window_bounds = array<i64: 1000, 128>}]} {
    %get3A = arith.constant 0 : index
    %get3A_0 = arith.constant 0 : index
    %get3A_1 = arith.constant 0 : index
    %get3A_2 = arith.constant 0 : index
    %get3A_3 = vector.load %arg1[%get3A, %get3A_0, %get3A_1, %get3A_2] : memref<1x2x1000x128xf32, #tpu.memory_space<vmem>>, vector<1x1x1000x128xf32>
    %get3A_4 = vector.shape_cast %get3A_3 : vector<1x1x1000x128xf32> to vector<1000x128xf32>
    %get3A_5 = arith.constant 0 : index
    %get3A_6 = arith.constant 1 : index
    %get3A_7 = arith.constant 0 : index
    %get3A_8 = arith.constant 0 : index
    %get3A_9 = vector.load %arg1[%get3A_5, %get3A_6, %get3A_7, %get3A_8] : memref<1x2x1000x128xf32, #tpu.memory_space<vmem>>, vector<1x1x1000x128xf32>
    %get3A_10 = vector.shape_cast %get3A_9 : vector<1x1x1000x128xf32> to vector<1000x128xf32>
    %add3A = arith.addf %get3A_4, %get3A_10 : vector<1000x128xf32>
    %get3A_11 = arith.constant 0 : index
    %get3A_12 = arith.constant 0 : index
    %get3A_13 = arith.constant 0 : index
    %get3A_14 = arith.constant 0 : index
    %get3A_15 = vector.load %arg2[%get3A_11, %get3A_12, %get3A_13, %get3A_14] : memref<1x2x1000x128xf32, #tpu.memory_space<vmem>>, vector<1x1x1000x1xf32>
    %get3A_16 = vector.shape_cast %get3A_15 : vector<1x1x1000x1xf32> to vector<1000x1xf32>
    %get3A_17 = arith.constant 0 : index
    %get3A_18 = arith.constant 1 : index
    %get3A_19 = arith.constant 0 : index
    %get3A_20 = arith.constant 0 : index
    %get3A_21 = vector.load %arg2[%get3A_17, %get3A_18, %get3A_19, %get3A_20] : memref<1x2x1000x128xf32, #tpu.memory_space<vmem>>, vector<1x1x1000x1xf32>
    %get3A_22 = vector.shape_cast %get3A_21 : vector<1x1x1000x1xf32> to vector<1000x1xf32>
    %add3A_23 = arith.addf %get3A_16, %get3A_22 : vector<1000x1xf32>
    %max3A = arith.constant 1.000000e+00 : f32
    %max3A_24 = vector.broadcast %max3A : f32 to vector<1000x1xf32>
    %max3A_25 = arith.maximumf %add3A_23, %max3A_24 : vector<1000x1xf32>
    %div3A = arith.constant 1.000000e+00 : f32
    %div3A_26 = vector.broadcast %div3A : f32 to vector<1000x1xf32>
    %div3A_27 = arith.divf %div3A_26, %max3A_25 : vector<1000x1xf32>
    %mul3A = vector.broadcast %div3A_27 : vector<1000x1xf32> to vector<1000x128xf32>
    %mul3A_28 = arith.mulf %add3A, %mul3A : vector<1000x128xf32>
    %get3A_29 = arith.constant 0 : index
    %get3A_30 = arith.constant 0 : index
    %get3A_31 = vector.load %arg3[%get3A_29, %get3A_30] : memref<128x128xf32, #tpu.memory_space<vmem>>, vector<128x128xf32>
    %dot_general3A = arith.constant dense<0.000000e+00> : vector<1000x128xf32>
    %dot_general3A_32 = tpu.matmul %mul3A_28, %get3A_31, %dot_general3A {dimension_numbers = #tpu.dot_dimension_numbers<[1], [0], [0], [1], [0, 0, 1, 1], [], []>, transpose_lhs_hint = false} : vector<1000x128xf32>, vector<128x128xf32>, vector<1000x128xf32> -> vector<1000x128xf32>
    %get3A_33 = arith.constant 0 : index
    %get3A_34 = arith.constant 0 : index
    %get3A_35 = vector.load %arg4[%get3A_33, %get3A_34] : memref<1x128xf32, #tpu.memory_space<vmem>>, vector<1x128xf32>
    %add3A_36 = vector.broadcast %get3A_35 : vector<1x128xf32> to vector<1000x128xf32>
    %add3A_37 = arith.addf %dot_general3A_32, %add3A_36 : vector<1000x128xf32>
    %max3A_38 = arith.constant 0.000000e+00 : f32
    %max3A_39 = vector.broadcast %max3A_38 : f32 to vector<1000x128xf32>
    %max3A_40 = arith.maximumf %add3A_37, %max3A_39 : vector<1000x128xf32>
    %swap3A = arith.constant 0 : index
    %swap3A_41 = arith.constant 0 : index
    %swap3A_42 = vector.load %arg5[%swap3A, %swap3A_41] : memref<1000x128xf32, #tpu.memory_space<vmem>>, vector<1000x128xf32>
    tpu.vector_store %arg5[%swap3A, %swap3A_41], %max3A_40 {strides = array<i32>} : memref<1000x128xf32, #tpu.memory_space<vmem>>, vector<1000x128xf32>,
    return
  }
  func.func @transform_0(%arg0: i32) -> (i32, i32, i32, i32) {
    %jit3A = arith.constant 5 : i32
    %div3A = arith.divsi %arg0, %jit3A : i32
    %sign3A = arith.constant 0 : i32
    %sign3A_0 = arith.cmpi sgt, %arg0, %sign3A : i32
    %sign3A_1 = arith.extui %sign3A_0 : i1 to i32
    %sign3A_2 = arith.constant 0 : i32
    %sign3A_3 = arith.cmpi slt, %arg0, %sign3A_2 : i32
    %sign3A_4 = arith.extui %sign3A_3 : i1 to i32
    %sign3A_5 = arith.subi %sign3A_1, %sign3A_4 : i32
    %sign3A_6 = arith.constant 0 : i32
    %sign3A_7 = arith.cmpi sgt, %jit3A, %sign3A_6 : i32
    %sign3A_8 = arith.extui %sign3A_7 : i1 to i32
    %sign3A_9 = arith.constant 0 : i32
    %sign3A_10 = arith.cmpi slt, %jit3A, %sign3A_9 : i32
    %sign3A_11 = arith.extui %sign3A_10 : i1 to i32
    %sign3A_12 = arith.subi %sign3A_8, %sign3A_11 : i32
    %ne3A = arith.cmpi ne, %sign3A_5, %sign3A_12 : i32
    %rem3A = arith.remsi %arg0, %jit3A : i32
    %ne3A_13 = arith.constant 0 : i32
    %ne3A_14 = arith.cmpi ne, %rem3A, %ne3A_13 : i32
    %and3A = arith.andi %ne3A, %ne3A_14 : i1
    %sub3A = arith.constant 1 : i32
    %sub3A_15 = arith.subi %div3A, %sub3A : i32
    %select_n3A = arith.select %and3A, %sub3A_15, %div3A : i32
    %jit3A_16 = arith.constant 5 : i32
    %eq3A = arith.constant 0 : i32
    %eq3A_17 = arith.cmpi eq, %jit3A_16, %eq3A : i32
    %jit3A_18 = arith.constant 1 : i32
    %select_n3A_19 = arith.select %eq3A_17, %jit3A_18, %jit3A_16 : i32
    %rem3A_20 = arith.remsi %arg0, %select_n3A_19 : i32
    %ne3A_21 = arith.constant 0 : i32
    %ne3A_22 = arith.cmpi ne, %rem3A_20, %ne3A_21 : i32
    %lt3A = arith.constant 0 : i32
    %lt3A_23 = arith.cmpi slt, %rem3A_20, %lt3A : i32
    %lt3A_24 = arith.constant 0 : i32
    %lt3A_25 = arith.cmpi slt, %select_n3A_19, %lt3A_24 : i32
    %ne3A_26 = arith.xori %lt3A_23, %lt3A_25 : i1
    %and3A_27 = arith.andi %ne3A_26, %ne3A_22 : i1
    %add3A = arith.addi %rem3A_20, %select_n3A_19 : i32
    %select_n3A_28 = arith.select %and3A_27, %add3A, %rem3A_20 : i32
    %c0_i32 = arith.constant 0 : i32
    %c0_i32_29 = arith.constant 0 : i32
    %c0_i32_30 = arith.constant 0 : i32
    return %select_n3A, %c0_i32, %select_n3A_28, %c0_i32_29 : i32, i32, i32, i32
  }
  func.func @transform_1(%arg0: i32) -> (i32, i32, i32, i32) {
    %jit3A = arith.constant 5 : i32
    %div3A = arith.divsi %arg0, %jit3A : i32
    %sign3A = arith.constant 0 : i32
    %sign3A_0 = arith.cmpi sgt, %arg0, %sign3A : i32
    %sign3A_1 = arith.extui %sign3A_0 : i1 to i32
    %sign3A_2 = arith.constant 0 : i32
    %sign3A_3 = arith.cmpi slt, %arg0, %sign3A_2 : i32
    %sign3A_4 = arith.extui %sign3A_3 : i1 to i32
    %sign3A_5 = arith.subi %sign3A_1, %sign3A_4 : i32
    %sign3A_6 = arith.constant 0 : i32
    %sign3A_7 = arith.cmpi sgt, %jit3A, %sign3A_6 : i32
    %sign3A_8 = arith.extui %sign3A_7 : i1 to i32
    %sign3A_9 = arith.constant 0 : i32
    %sign3A_10 = arith.cmpi slt, %jit3A, %sign3A_9 : i32
    %sign3A_11 = arith.extui %sign3A_10 : i1 to i32
    %sign3A_12 = arith.subi %sign3A_8, %sign3A_11 : i32
    %ne3A = arith.cmpi ne, %sign3A_5, %sign3A_12 : i32
    %rem3A = arith.remsi %arg0, %jit3A : i32
    %ne3A_13 = arith.constant 0 : i32
    %ne3A_14 = arith.cmpi ne, %rem3A, %ne3A_13 : i32
    %and3A = arith.andi %ne3A, %ne3A_14 : i1
    %sub3A = arith.constant 1 : i32
    %sub3A_15 = arith.subi %div3A, %sub3A : i32
    %select_n3A = arith.select %and3A, %sub3A_15, %div3A : i32
    %jit3A_16 = arith.constant 5 : i32
    %eq3A = arith.constant 0 : i32
    %eq3A_17 = arith.cmpi eq, %jit3A_16, %eq3A : i32
    %jit3A_18 = arith.constant 1 : i32
    %select_n3A_19 = arith.select %eq3A_17, %jit3A_18, %jit3A_16 : i32
    %rem3A_20 = arith.remsi %arg0, %select_n3A_19 : i32
    %ne3A_21 = arith.constant 0 : i32
    %ne3A_22 = arith.cmpi ne, %rem3A_20, %ne3A_21 : i32
    %lt3A = arith.constant 0 : i32
    %lt3A_23 = arith.cmpi slt, %rem3A_20, %lt3A : i32
    %lt3A_24 = arith.constant 0 : i32
    %lt3A_25 = arith.cmpi slt, %select_n3A_19, %lt3A_24 : i32
    %ne3A_26 = arith.xori %lt3A_23, %lt3A_25 : i1
    %and3A_27 = arith.andi %ne3A_26, %ne3A_22 : i1
    %add3A = arith.addi %rem3A_20, %select_n3A_19 : i32
    %select_n3A_28 = arith.select %and3A_27, %add3A, %rem3A_20 : i32
    %c0_i32 = arith.constant 0 : i32
    %c0_i32_29 = arith.constant 0 : i32
    %c0_i32_30 = arith.constant 0 : i32
    return %select_n3A, %c0_i32, %select_n3A_28, %c0_i32_29 : i32, i32, i32, i32
  }
  func.func @transform_2(%arg0: i32) -> (i32, i32) {
    %c0_i32 = arith.constant 0 : i32
    %c0_i32_0 = arith.constant 0 : i32
    %c0_i32_1 = arith.constant 0 : i32
    return %c0_i32, %c0_i32_0 : i32, i32
  }
  func.func @transform_3(%arg0: i32) -> (i32, i32) {
    %c0_i32 = arith.constant 0 : i32
    %c0_i32_0 = arith.constant 0 : i32
    %c0_i32_1 = arith.constant 0 : i32
    return %c0_i32, %c0_i32_0 : i32, i32
  }
  func.func @transform_4(%arg0: i32) -> (i32, i32) {
    %c0_i32 = arith.constant 0 : i32
    %c0_i32_0 = arith.constant 0 : i32
    return %arg0, %c0_i32 : i32, i32
  }
}

module attributes {stable_mosaic.version = 14 : i64} {
  func.func @_tc_body(%arg0: i32, %arg1: memref<1x2x1000x128xf32, #tpu.memory_space<vmem>>, %arg2: memref<1x2x1000x128xf32, #tpu.memory_space<vmem>>, %arg3: memref<128x128xf32, #tpu.memory_space<vmem>>, %arg4: memref<1x128xf32, #tpu.memory_space<vmem>>, %arg5: memref<1000x128xf32, #tpu.memory_space<vmem>>) attributes {dimension_semantics = [#tpu.dimension_semantics<arbitrary>], iteration_bounds = array<i64: 10>, scalar_prefetch = 0 : i64, scratch_operands = 0 : i64, tpu.core_type = #tpu.core_type<tc>, window_params = [{transform_indices = @transform_0, window_bounds = array<i64: 1, 2, 1000, 128>}, {transform_indices = @transform_1, window_bounds = array<i64: 1, 2, 1000, 128>}, {pipeline_mode = #tpu.pipeline_mode<synchronous>, transform_indices = @transform_2, window_bounds = array<i64: 128, 128>}, {pipeline_mode = #tpu.pipeline_mode<synchronous>, transform_indices = @transform_3, window_bounds = array<i64: 1, 128>}, {transform_indices = @transform_4, window_bounds = array<i64: 1000, 128>}]} {
    %get3A = arith.constant 0 : index
    %get3A_0 = arith.constant 0 : index
    %get3A_1 = arith.constant 0 : index
    %get3A_2 = arith.constant 0 : index
    %get3A_3 = vector.load %arg1[%get3A, %get3A_0, %get3A_1, %get3A_2] : memref<1x2x1000x128xf32, #tpu.memory_space<vmem>>, vector<1x1x1000x128xf32>
    %get3A_4 = vector.shape_cast %get3A_3 : vector<1x1x1000x128xf32> to vector<1000x128xf32>
    %get3A_5 = arith.constant 0 : index
    %get3A_6 = arith.constant 1 : index
    %get3A_7 = arith.constant 0 : index
    %get3A_8 = arith.constant 0 : index
    %get3A_9 = vector.load %arg1[%get3A_5, %get3A_6, %get3A_7, %get3A_8] : memref<1x2x1000x128xf32, #tpu.memory_space<vmem>>, vector<1x1x1000x128xf32>
    %get3A_10 = vector.shape_cast %get3A_9 : vector<1x1x1000x128xf32> to vector<1000x128xf32>
    %add3A = arith.addf %get3A_4, %get3A_10 : vector<1000x128xf32>
    %get3A_11 = arith.constant 0 : index
    %get3A_12 = arith.constant 0 : index
    %get3A_13 = arith.constant 0 : index
    %get3A_14 = arith.constant 0 : index
    %get3A_15 = vector.load %arg2[%get3A_11, %get3A_12, %get3A_13, %get3A_14] : memref<1x2x1000x128xf32, #tpu.memory_space<vmem>>, vector<1x1x1000x1xf32>
    %get3A_16 = vector.shape_cast %get3A_15 : vector<1x1x1000x1xf32> to vector<1000x1xf32>
    %get3A_17 = arith.constant 0 : index
    %get3A_18 = arith.constant 1 : index
    %get3A_19 = arith.constant 0 : index
    %get3A_20 = arith.constant 0 : index
    %get3A_21 = vector.load %arg2[%get3A_17, %get3A_18, %get3A_19, %get3A_20] : memref<1x2x1000x128xf32, #tpu.memory_space<vmem>>, vector<1x1x1000x1xf32>
    %get3A_22 = vector.shape_cast %get3A_21 : vector<1x1x1000x1xf32> to vector<1000x1xf32>
    %add3A_23 = arith.addf %get3A_16, %get3A_22 : vector<1000x1xf32>
    %max3A = arith.constant 1.000000e+00 : f32
    %max3A_24 = vector.broadcast %max3A : f32 to vector<1000x1xf32>
    %max3A_25 = arith.maximumf %add3A_23, %max3A_24 : vector<1000x1xf32>
    %div3A = arith.constant 1.000000e+00 : f32
    %div3A_26 = vector.broadcast %div3A : f32 to vector<1000x1xf32>
    %div3A_27 = arith.divf %div3A_26, %max3A_25 : vector<1000x1xf32>
    %mul3A = vector.broadcast %div3A_27 : vector<1000x1xf32> to vector<1000x128xf32>
    %mul3A_28 = arith.mulf %add3A, %mul3A : vector<1000x128xf32>
    %get3A_29 = arith.constant 0 : index
    %get3A_30 = arith.constant 0 : index
    %get3A_31 = vector.load %arg3[%get3A_29, %get3A_30] : memref<128x128xf32, #tpu.memory_space<vmem>>, vector<128x128xf32>
    %dot_general3A = arith.constant dense<0.000000e+00> : vector<1000x128xf32>
    %dot_general3A_32 = tpu.matmul %mul3A_28, %get3A_31, %dot_general3A {dimension_numbers = #tpu.dot_dimension_numbers<[1], [0], [0], [1], [0, 0, 1, 1], [], []>, transpose_lhs_hint = false} : vector<1000x128xf32>, vector<128x128xf32>, vector<1000x128xf32> -> vector<1000x128xf32>
    %get3A_33 = arith.constant 0 : index
    %get3A_34 = arith.constant 0 : index
    %get3A_35 = vector.load %arg4[%get3A_33, %get3A_34] : memref<1x128xf32, #tpu.memory_space<vmem>>, vector<1x128xf32>
    %add3A_36 = vector.broadcast %get3A_35 : vector<1x128xf32> to vector<1000x128xf32>
    %add3A_37 = arith.addf %dot_general3A_32, %add3A_36 : vector<1000x128xf32>
    %swap3A = arith.constant 0 : index
    %swap3A_38 = arith.constant 0 : index
    %swap3A_39 = vector.load %arg5[%swap3A, %swap3A_38] : memref<1000x128xf32, #tpu.memory_space<vmem>>, vector<1000x128xf32>
    tpu.vector_store %arg5[%swap3A, %swap3A_38], %add3A_37 {strides = array<i32>} : memref<1000x128xf32, #tpu.memory_space<vmem>>, vector<1000x128xf32>,
    return
  }
  func.func @transform_0(%arg0: i32) -> (i32, i32, i32, i32) {
    %jit3A = arith.constant 5 : i32
    %div3A = arith.divsi %arg0, %jit3A : i32
    %sign3A = arith.constant 0 : i32
    %sign3A_0 = arith.cmpi sgt, %arg0, %sign3A : i32
    %sign3A_1 = arith.extui %sign3A_0 : i1 to i32
    %sign3A_2 = arith.constant 0 : i32
    %sign3A_3 = arith.cmpi slt, %arg0, %sign3A_2 : i32
    %sign3A_4 = arith.extui %sign3A_3 : i1 to i32
    %sign3A_5 = arith.subi %sign3A_1, %sign3A_4 : i32
    %sign3A_6 = arith.constant 0 : i32
    %sign3A_7 = arith.cmpi sgt, %jit3A, %sign3A_6 : i32
    %sign3A_8 = arith.extui %sign3A_7 : i1 to i32
    %sign3A_9 = arith.constant 0 : i32
    %sign3A_10 = arith.cmpi slt, %jit3A, %sign3A_9 : i32
    %sign3A_11 = arith.extui %sign3A_10 : i1 to i32
    %sign3A_12 = arith.subi %sign3A_8, %sign3A_11 : i32
    %ne3A = arith.cmpi ne, %sign3A_5, %sign3A_12 : i32
    %rem3A = arith.remsi %arg0, %jit3A : i32
    %ne3A_13 = arith.constant 0 : i32
    %ne3A_14 = arith.cmpi ne, %rem3A, %ne3A_13 : i32
    %and3A = arith.andi %ne3A, %ne3A_14 : i1
    %sub3A = arith.constant 1 : i32
    %sub3A_15 = arith.subi %div3A, %sub3A : i32
    %select_n3A = arith.select %and3A, %sub3A_15, %div3A : i32
    %jit3A_16 = arith.constant 5 : i32
    %eq3A = arith.constant 0 : i32
    %eq3A_17 = arith.cmpi eq, %jit3A_16, %eq3A : i32
    %jit3A_18 = arith.constant 1 : i32
    %select_n3A_19 = arith.select %eq3A_17, %jit3A_18, %jit3A_16 : i32
    %rem3A_20 = arith.remsi %arg0, %select_n3A_19 : i32
    %ne3A_21 = arith.constant 0 : i32
    %ne3A_22 = arith.cmpi ne, %rem3A_20, %ne3A_21 : i32
    %lt3A = arith.constant 0 : i32
    %lt3A_23 = arith.cmpi slt, %rem3A_20, %lt3A : i32
    %lt3A_24 = arith.constant 0 : i32
    %lt3A_25 = arith.cmpi slt, %select_n3A_19, %lt3A_24 : i32
    %ne3A_26 = arith.xori %lt3A_23, %lt3A_25 : i1
    %and3A_27 = arith.andi %ne3A_26, %ne3A_22 : i1
    %add3A = arith.addi %rem3A_20, %select_n3A_19 : i32
    %select_n3A_28 = arith.select %and3A_27, %add3A, %rem3A_20 : i32
    %c0_i32 = arith.constant 0 : i32
    %c0_i32_29 = arith.constant 0 : i32
    %c0_i32_30 = arith.constant 0 : i32
    return %select_n3A, %c0_i32, %select_n3A_28, %c0_i32_29 : i32, i32, i32, i32
  }
  func.func @transform_1(%arg0: i32) -> (i32, i32, i32, i32) {
    %jit3A = arith.constant 5 : i32
    %div3A = arith.divsi %arg0, %jit3A : i32
    %sign3A = arith.constant 0 : i32
    %sign3A_0 = arith.cmpi sgt, %arg0, %sign3A : i32
    %sign3A_1 = arith.extui %sign3A_0 : i1 to i32
    %sign3A_2 = arith.constant 0 : i32
    %sign3A_3 = arith.cmpi slt, %arg0, %sign3A_2 : i32
    %sign3A_4 = arith.extui %sign3A_3 : i1 to i32
    %sign3A_5 = arith.subi %sign3A_1, %sign3A_4 : i32
    %sign3A_6 = arith.constant 0 : i32
    %sign3A_7 = arith.cmpi sgt, %jit3A, %sign3A_6 : i32
    %sign3A_8 = arith.extui %sign3A_7 : i1 to i32
    %sign3A_9 = arith.constant 0 : i32
    %sign3A_10 = arith.cmpi slt, %jit3A, %sign3A_9 : i32
    %sign3A_11 = arith.extui %sign3A_10 : i1 to i32
    %sign3A_12 = arith.subi %sign3A_8, %sign3A_11 : i32
    %ne3A = arith.cmpi ne, %sign3A_5, %sign3A_12 : i32
    %rem3A = arith.remsi %arg0, %jit3A : i32
    %ne3A_13 = arith.constant 0 : i32
    %ne3A_14 = arith.cmpi ne, %rem3A, %ne3A_13 : i32
    %and3A = arith.andi %ne3A, %ne3A_14 : i1
    %sub3A = arith.constant 1 : i32
    %sub3A_15 = arith.subi %div3A, %sub3A : i32
    %select_n3A = arith.select %and3A, %sub3A_15, %div3A : i32
    %jit3A_16 = arith.constant 5 : i32
    %eq3A = arith.constant 0 : i32
    %eq3A_17 = arith.cmpi eq, %jit3A_16, %eq3A : i32
    %jit3A_18 = arith.constant 1 : i32
    %select_n3A_19 = arith.select %eq3A_17, %jit3A_18, %jit3A_16 : i32
    %rem3A_20 = arith.remsi %arg0, %select_n3A_19 : i32
    %ne3A_21 = arith.constant 0 : i32
    %ne3A_22 = arith.cmpi ne, %rem3A_20, %ne3A_21 : i32
    %lt3A = arith.constant 0 : i32
    %lt3A_23 = arith.cmpi slt, %rem3A_20, %lt3A : i32
    %lt3A_24 = arith.constant 0 : i32
    %lt3A_25 = arith.cmpi slt, %select_n3A_19, %lt3A_24 : i32
    %ne3A_26 = arith.xori %lt3A_23, %lt3A_25 : i1
    %and3A_27 = arith.andi %ne3A_26, %ne3A_22 : i1
    %add3A = arith.addi %rem3A_20, %select_n3A_19 : i32
    %select_n3A_28 = arith.select %and3A_27, %add3A, %rem3A_20 : i32
    %c0_i32 = arith.constant 0 : i32
    %c0_i32_29 = arith.constant 0 : i32
    %c0_i32_30 = arith.constant 0 : i32
    return %select_n3A, %c0_i32, %select_n3A_28, %c0_i32_29 : i32, i32, i32, i32
  }
  func.func @transform_2(%arg0: i32) -> (i32, i32) {
    %c0_i32 = arith.constant 0 : i32
    %c0_i32_0 = arith.constant 0 : i32
    %c0_i32_1 = arith.constant 0 : i32
    return %c0_i32, %c0_i32_0 : i32, i32
  }
  func.func @transform_3(%arg0: i32) -> (i32, i32) {
    %c0_i32 = arith.constant 0 : i32
    %c0_i32_0 = arith.constant 0 : i32
    %c0_i32_1 = arith.constant 0 : i32
    return %c0_i32, %c0_i32_0 : i32, i32
  }
  func.func @transform_4(%arg0: i32) -> (i32, i32) {
    %c0_i32 = arith.constant 0 : i32
    %c0_i32_0 = arith.constant 0 : i32
    return %arg0, %c0_i32 : i32, i32
  }
}

</mosaic_0001>

<sc_bundles>
// kernel: kernel.10.cloned.1.call-start
scs
__scs_entry_jumppad:
0x0: {  	(pc) =	sbr.rel $0x88, $3  }
0x1: {  	(tag) =	ssettag $0x0;
	lr =	simm.s32 $0x1  }
0x2: {  	[smem:$0x3F9B] =	sst lr;
	_ =	strace $0xD0000000  }
0x3: {  	_ = 	snop  }
0x4: {  	_ = 	snop  }
0x5: {  	_ = 	snop  }
0x6: {  	_ = 	snop  }
0x7: {  	_ = 	snop  }
__scs_overlays_trampoline_lowered:
0x8: {  	[smem:$0x3FAA] =	sst s0  }
0x9: {  	[smem:$0x3FAB] =	sst s1  }
0xa: {  	[smem:$0x3FAC] =	sst s2  }
0xb: {  	[smem:$0x3FAD] =	sst s3  }
0xc: {  	[smem:$0x3FAE] =	sst s4  }
0xd: {  	[smem:$0x3FAF] =	sst s5  }
0xe: {  	[smem:$0x3FB0] =	sst s6  }
0xf: {  	[smem:$0x3FB1] =	sst s7  }
0x10: {  	[smem:$0x3FB2] =	sst s8  }
0x11: {  	[smem:$0x3FB3] =	sst s9;
	s0 =	simm.s32 @!p0 $0x0  }
0x12: {  	s1 =	sld [smem:$0x3F99];
	s0 =	simm.s32 @p0 $0x1  }
0x13: {  	[smem:$0x3FB4] =	sst s0;
	s0 =	simm.s32 @!p1 $0x0  }
0x14: {  	s2 =	sld [smem:$0x3F98];
	s0 =	simm.s32 @p1 $0x1  }
0x15: {  	[smem:$0x3FB5] =	sst s0;
	s0 =	simm.s32 @!p2 $0x0  }
0x16: {  	s3 =	sld [smem:$0x3FDB];
	s0 =	simm.s32 @p2 $0x1  }
0x17: {  	s4 =	simm.s32 $0x1BF5;
	[smem:$0x3FB7] =	sst s0  }
0x18: {  	s0 =	sld [smem:$0x3F9A];
	_ =	swait.ge [sflag:s4], $0x0  }
0x19: {  	s7 =	sld [smem:$0x3F9B]  }
0x1a: {  	s8 =	sadd.s32 $0xFFFFE003, lr  }
0x1b: {  	s9 =	sadd.s32 $0xFFFFFEF7, lr;
	s5 =	simm.s32 $0xFFFFFFFF;
	p2 =	slt.u32 s8, $0xFFFFF086  }
0x1c: {  	p1 =	slt.u32 s9, $0xF7A;
	s5 =	simm.s32 @!p2 $0x0  }
0x1d: {  	s5 =	simm.s32 @p1 $0x1;
	p0 =	seq.s32 s7, s2  }
0x1e: {  	s7 =	smul.u32 @!p0 $0xF7A, s2;
	p2 =	seq.s32 @!p0 s5, $0x0  }
0x1f: {  	s9 =	smul.u32 $0xF7A, s1;
	s8 =	simm.s32 @!p0 $0x1BF5;
	p2 =	por !p2, p0  }
0x20: {  	[sflag:s8] =	ssyncset.s32 @!p0 $0xFFFFF086;
	s6 =	sadd.s32 @!p0 s3, s7;
	s7 =	simm.s32 @!p0 $0x108  }
0x21: {  	s3 =	sadd.s32 s3, s9;
	s6 =	sadd.s32 @!p0 $0x88, s6;
	s7 =	simm.s32 @p2 $0x1082  }
0x22: {  	[simem:s7], [sflag:s8] =	dma.local @!p0 [hbm:s6], $0xF7A  }
0x23: {  	s9 =	sor.u32 $0xD0000000, s2;
	s6 =	simm.s32 $0x108;
	_ =	swait.ge @!p0 [sflag:s8], $0x0  }
0x24: {  	s3 =	sadd.s32 $0x88, s3;
	s6 =	simm.s32 @!p1 $0x1082;
	[sflag:s4] =	ssyncset.s32 $0xFFFFF086  }
0x25: {  	[simem:s6], [sflag:s4] =	dma.local [hbm:s3], $0xF7A  }
0x26: {  	[smem:$0x3F9B] =	sst s1;
	(tag) =	ssettag s2;
	_ =	strace s9  }
0x27: {  	s1 =	sld [smem:$0x3FAB]  }
0x28: {  	s2 =	sld [smem:$0x3FAC]  }
0x29: {  	s4 =	sld [smem:$0x3FAE]  }
0x2a: {  	p0 =	seq.s32 s5, $0x0;
	s5 =	sld [smem:$0x3FAF]  }
0x2b: {  	s6 =	sld [smem:$0x3FB0]  }
0x2c: {  	s7 =	sld [smem:$0x3FB1]  }
0x2d: {  	s3 =	simm.s32 $0x108;
	s8 =	sld [smem:$0x3FB2]  }
0x2e: {  	s3 =	simm.s32 @!p0 $0x1082;
	s9 =	sld [smem:$0x3FB3]  }
0x2f: {  	lr =	sadd.s32 s0, s3;
	s0 =	sld [smem:$0x3FAA]  }
0x30: {  	s3 =	sld [smem:$0x3FAD]  }
0x31: {  	[smem:$0x3FB6] =	sst s10  }
0x32: {  	s10 =	sld [smem:$0x3FB4];
	_ =	sdelay $0x3  }
0x33: {  	p0 =	seq.s32 s10, $0x1;
	s10 =	sld [smem:$0x3FB6];
	_ =	sdelay $0x3  }
0x34: {  	[smem:$0x3FB6] =	sst s10  }
0x35: {  	s10 =	sld [smem:$0x3FB5];
	_ =	sdelay $0x3  }
0x36: {  	p1 =	seq.s32 s10, $0x1;
	s10 =	sld [smem:$0x3FB6];
	_ =	sdelay $0x3  }
0x37: {  	[smem:$0x3FB6] =	sst s10  }
0x38: {  	s10 =	sld [smem:$0x3FB7]  }
0x39: {  	_ = 	snop;
	(pc) =	sbr.ind lr, $3  }
0x3a: {  	_ = 	snop  }
0x3b: {  	_ = 	snop  }
0x3c: {  	p2 =	seq.s32 s10, $0x1;
	s10 =	sld [smem:$0x3FB6]  }
0x3d: {  	_ =	shalt  }
0x3e: {  	_ =	shalt  }
0x3f: {  	_ =	shalt  }
0x40: {  	_ =	shalt  }
0x41: {  	_ =	shalt  }
0x42: {  	_ =	shalt  }
0x43: {  	_ =	shalt  }
0x44: {  	_ =	shalt  }
0x45: {  	_ =	shalt  }
0x46: {  	_ =	shalt  }
0x47: {  	_ =	shalt  }
0x48: {  	_ =	shalt  }
0x49: {  	_ =	shalt  }
0x4a: {  	_ =	shalt  }
0x4b: {  	_ =	shalt  }
0x4c: {  	_ =	shalt  }
0x4d: {  	_ =	shalt  }
0x4e: {  	_ =	shalt  }
0x4f: {  	_ =	shalt  }
0x50: {  	_ =	shalt  }
0x51: {  	_ =	shalt  }
0x52: {  	_ =	shalt  }
0x53: {  	_ =	shalt  }
0x54: {  	_ =	shalt  }
0x55: {  	_ =	shalt  }
0x56: {  	_ =	shalt  }
0x57: {  	_ =	shalt  }
0x58: {  	_ =	shalt  }
0x59: {  	_ =	shalt  }
0x5a: {  	_ =	shalt  }
0x5b: {  	_ =	shalt  }
0x5c: {  	_ =	shalt  }
0x5d: {  	_ =	shalt  }
0x5e: {  	_ =	shalt  }
0x5f: {  	_ =	shalt  }
0x60: {  	_ =	shalt  }
0x61: {  	_ =	shalt  }
0x62: {  	_ =	shalt  }
0x63: {  	_ =	shalt  }
0x64: {  	_ =	shalt  }
0x65: {  	_ =	shalt  }
0x66: {  	_ =	shalt  }
0x67: {  	_ =	shalt  }
0x68: {  	_ =	shalt  }
0x69: {  	_ =	shalt  }
0x6a: {  	_ =	shalt  }
0x6b: {  	_ =	shalt  }
0x6c: {  	_ =	shalt  }
0x6d: {  	_ =	shalt  }
0x6e: {  	_ =	shalt  }
0x6f: {  	_ =	shalt  }
0x70: {  	_ =	shalt  }
0x71: {  	_ =	shalt  }
0x72: {  	_ =	shalt  }
0x73: {  	_ =	shalt  }
0x74: {  	_ =	shalt  }
0x75: {  	_ =	shalt  }
0x76: {  	_ =	shalt  }
0x77: {  	_ =	shalt  }
0x78: {  	_ =	shalt  }
0x79: {  	_ =	shalt  }
0x7a: {  	_ =	shalt  }
0x7b: {  	_ =	shalt  }
0x7c: {  	_ =	shalt  }
0x7d: {  	_ =	shalt  }
0x7e: {  	_ =	shalt  }
0x7f: {  	_ =	shalt  }
0x80: {  	_ =	shalt  }
0x81: {  	_ =	shalt  }
0x82: {  	_ =	shalt  }
0x83: {  	_ =	shalt  }
0x84: {  	_ =	shalt  }
0x85: {  	_ =	shalt  }
0x86: {  	_ =	shalt  }
0x87: {  	_ =	shalt  }
.Lfunc_end0:
.L_simem_size_0:
called_computation.1_lowered:
.L_overlay_start_0:
0x88: {  	s2 =	sld [smem:$0x3FD9]  }
0x89: {  	s3 =	sld [smem:$0x3FFE];
	_ =	sdelay $0x1  }
0x8a: {  	s1 =	srdreg.scid  }
0x8b: {  	s0 =	sand.u32 $0x1, s1  }
0x8c: {  	s17 =	sshll.u32 s0, $0xA;
	s2 =	sadd.s32 s3, s2  }
0x8d: {  	s2 =	sadd.s32 s2, s17  }
0x8e: {  	[smem:$0x3FC2] =	sst s2  }
0x8f: {  	_ = 	snop  }
0x90: {  	s18 =	sld [smem:$0x3FC9];
	(tm) =	ssettm $0x1  }
0x91: {  	s19 =	sld [smem:$0x3FFB];
	_ =	sdelay $0x3  }
0x92: {  	_ =	strace s19  }
0x93: {  	s2 =	sld [smem:$0x3FFC];
	_ =	sdelay $0x3  }
0x94: {  	_ =	strace s2  }
0x95: {  	s2 =	sld [smem:$0x3FFD];
	_ =	sdelay $0x3  }
0x96: {  	_ =	strace s2  }
0x97: {  	_ =	strace $0x8FFFFFFF  }
0x98: {  	s20 =	sld [smem:$0x3FDB];
	_ =	sdelay $0x1  }
0x99: {  	s4 =	simm.s32 $_scs_section_size  }
0x9a: {  	s5 =	simm.s32 $_size__tile_overlayer_lowered;
	s6 =	simm.s32 $_tile_overlayer_lowered  }
0x9b: {  	s7 =	simm.s32 $0x1BFF;
	s21 =	sshll.u32 s6, $0x1;
	s4 =	sadd.s32 s4, s20  }
0x9c: {  	s22 =	simm.s32 $0x0;
	s5 =	sshll.u32 s5, $0x1;
	s6 =	sadd.s32 s21, s4  }
0x9d: {  	[timem:s22], [sflag:s7] =	dma.local [hbm:s6], s5  }
0x9e: {  	_ =	swait.ge [sflag:s7], s5  }
0x9f: {  	s5 =	ssub.s32 $0x0, s5;
	[sflag:s7] =	ssyncset.done $0x0  }
0xa0: {  	[sflag:s7] =	ssyncadd.s32 s5;
	_ =	sdelay $0x1  }
0xa1: {  	s23 =	simm.s32 $0x1B8B  }
0xa2: {  	_ =	swait.ge [sflag:s23], $0x1  }
0xa3: {  	[sflag:s23] =	ssyncset.done $0x0  }
0xa4: {  	[sflag:s23] =	ssyncadd.s32 $0xFFFFFFFF  }
0xa5: {  	s5 =	sld [smem:$0x0]  }
0xa6: {  	s6 =	sand.u32 $0xFFFFFFFE, s1  }
0xa7: {  	p0 =	sne.s32 s1, s6  }
0xa8: {  	s6 =	sshll.u32 @p0 s6, $0xE  }
0xa9: {  	s6 =	sadd.s32 @p0 $0x11B8D, s6;
	s7 =	sshll.u32 @p0 s5, $0x11  }
0xaa: {  	s6 =	sor.u32 @p0 s7, s6  }
0xab: {  	[sflag:s6] =	ssyncadd.remote.s32 @p0 $0x1;
	_ =	sdelay $0x1  }
0xac: {  	s6 =	simm.s32 @p0 $0x1B8D  }
0xad: {  	_ =	swait.eq @p0 [sflag:s6], $0x1  }
0xae: {  	[sflag:s6] =	ssyncadd.s32 @p0 $0xFFFFFFFF  }
0xaf: {  	s7 =	sshll.u32 @!p0 s1, $0xE  }
0xb0: {  	s7 =	sor.u32 @!p0 $0x4000, s7;
	s6 =	simm.s32 @!p0 $0x1B8D  }
0xb1: {  	s5 =	sshll.u32 @!p0 s5, $0x11;
	s7 =	sadd.s32 @!p0 $0x11B8D, s7;
	_ =	swait.eq @!p0 [sflag:s6], $0x1  }
0xb2: {  	s5 =	sor.u32 @!p0 s5, s7;
	[sflag:s6] =	ssyncadd.s32 @!p0 $0xFFFFFFFF  }
0xb3: {  	s25 =	simm.s32 $0x1B8E;
	s24 =	sld [smem:$0x3FFE];
	[sflag:s5] =	ssyncadd.remote.s32 @!p0 $0x1  }
0xb4: {  	s26 =	simm.s32 $execute0_lowered;
	[smem:$0x3FD2] =	sst s25  }
0xb5: {  	s6 =	sshll.u32 s26, $0x1;
	_ =	strace $0x80000049;
	[dreg:$0x1] =	wrdreg $0xFFFFFFFF  }
0xb6: {  	s28 =	simm.s32 $_size_execute0_lowered;
	s4 =	sadd.s32 s4, s6;
	[dreg:$0x0] =	wrdreg $0x0  }
0xb7: {  	s6 =	sshll.u32 s28, $0x1;
	[dreg:$0x2] =	wrdreg s4  }
0xb8: {  	[dreg:$0x3] =	wrdreg s6  }
0xb9: {  	[dreg:$0x4] =	wrdreg $0xC0  }
0xba: {  	_ =	task [dreg:s22], $0x5FFFF  }
0xbb: {  	[dreg:$0x1] =	wrdreg $0xFFFFFFFF  }
0xbc: {  	[dreg:$0x0] =	wrdreg $0x60  }
0xbd: {  	[dreg:$0x2] =	wrdreg s18  }
0xbe: {  	[dreg:$0x3] =	wrdreg s24  }
0xbf: {  	[dreg:$0x4] =	wrdreg $0x138000  }
0xc0: {  	[dreg:$0x5] =	wrdreg $0xA  }
0xc1: {  	_ =	task.clear_ibuf [dreg:s22], $0x6FFFF;
	_ =	strace $0x90000049  }
0xc2: {  	s29 =	simm.s32 $0xA;
	_ =	strace $0x8000004B  }
0xc3: {  	_ =	swait.ge [sflag:s29], $0x1  }
0xc4: {  	[sflag:s29] =	ssyncadd.s32 $0xFFFFFFFF  }
0xc5: {  	_ =	strace $0x9000004B  }
0xc6: {  	_ =	sfence  }
0xc7: {  	s30 =	sld [smem:$0x0];
	_ =	sdelay $0x2  }
0xc8: {  	s31 =	sshll.u32 s1, $0xD;
	s1 =	sshrl.u32 s1, $0x2  }
0xc9: {  	s4 =	sand.u32 $0x4000, s31;
	s1 =	sadd.s32 s1, s30  }
0xca: {  	s0 =	sor.u32 s4, s0;
	s1 =	sshll.u32 s1, $0x11  }
0xcb: {  	s0 =	sor.u32 s1, s0  }
0xcc: {  	s0 =	sadd.s32 $0x8F2B, s0  }
0xcd: {  	[sflag:s0] =	ssyncadd.remote.s32 $0x1  }
0xce: {  	_ =	sfence.sel $0xFFFF  }
0xcf: {  	[dreg:$0x0] =	wrdreg $0xFFFFFFFF;
	(pc) =	sbr.abs _section_cstart, $3  }
0xd0: {  	[dreg:$0x1] =	wrdreg $0xFFFFFFFF  }
0xd1: {  	_ =	task.clear_ibuf [dreg:s22], $0x2FFFF;
	_ =	strace $0x9FFFFFFF  }
0xd2: {  	(tm) =	ssettm $0x7FFFFFFF  }
0xd3: {  	_ =	shalt  }
tec
execute0_lowered:
.L_overlay_start_1:
0x0: {  	(tag) =	ssettag $0x1  }
0x1: {  	s0 =	rddreg [dreg:$0x0]  }
0x2: {  	s1 =	srdreg.scid;
	s10 =	rddreg [dreg:$0x1]  }
0x3: {  	s3 =	rddreg [dreg:$0x2];
	s2 =	stileid.u32;
	s4 =	simm.s32 $0x0  }
0x4: {  	s16 =	simm.s32 $0x7800;
	s17 =	simm.s32 $0xB800;
	s18 =	simm.s32 $0x3  }
0x5: {  	s23 =	simm.s32 $0x1;
	s5 =	sand.u32 $0x1, s1;
	s1 =	rddreg [dreg:$0x3]  }
0x6: {  	s24 =	simm.s32 $0x0;
	[smem:$0x7FF] =	sst s4;
	s9 =	smul.u32 $0x140, s2  }
0x7: {  	s11 =	smul.u32 $0x28000, s2;
	s22 =	sadd.s32 $0x96700, s10;
	s31 =	sshll.u32 s2, $0x6  }
0x8: {  	s6 =	sshll.u32 s5, $0x4;
	_ =	strace $0x8000004A;
	s19 =	smul.u32 $0x13880, s5  }
0x9: {  	s30 =	ssub.s32 $0x2, s5;
	s5 =	sadd.s32 $0x16000, s10;
	s6 =	sor.u32 s2, s6  }
0xa: {  	s7 =	sshrl.u32 s30, $0x1;
	s11 =	sshrl.u32 s11, $0x2;
	s14 =	smin.u32 s9, $0x1248  }
0xb: {  	s6 =	smul.u32 $0x500, s6;
	s12 =	sadd.s32 s19, s10;
	s13 =	ssub.s32 s30, s7  }
0xc: {  	s15 =	sadd.s32 s11, s3;
	s9 =	sshll.u32 s14, $0x7;
	s21 =	sshll.u32 s14, $0x4  }
0xd: {  	s11 =	simm.s32 $0x4;
	s22 =	sadd.s32 s19, s22;
	s19 =	simm.s32 $0xF800  }
.Ltmp0:
0xe: {  	s20 =	sadd.s32 $0x6F600, s12;
	s9 =	sadd.s32 s9, s3;
	(pc) =	sbr.rel .LBB2_1-.Ltmp0, $4  }
0xf: {  	s12 =	simm.s32 $0x5000;
	s14 =	sshrl.u32 s15, $0x3;
	s15 =	simm.s32 $0x80  }
0x10: {  	s8 =	sadd.s32 s6, s10;
	s10 =	smax.u32 s13, $0x1;
	s13 =	sor.u32 $0x1C04, s31  }
0x11: {  	s20 =	sadd.s32 s21, s20;
	s21 =	sadd.s32 s21, s22;
	s22 =	simm.s32 $0x2  }
0x12: {  	s6 =	sadd.s32 $0x65600, s8;
	s7 =	sadd.s32 $0xC000, s8;
	s8 =	sadd.s32 $0x2000, s8  }
.LBB2_15:
0x13: {  	[bflag:$0x0] =	sbarrier.arrive $0xFFFF;
	s24 =	sadd.s32 $0x1, s24  }
0x14: {  	[hbm:s21], [sflag:s13] =	dma.local [spmem:s25], $0x1400  }
0x15: {  	p0 =	sne.s32 s24, s10  }
.Ltmp1:
0x16: {  	_ =	swait.ge [sflag:s11], $0x1400;
	(pc) =	sbr.rel @!p0 .LBB2_16-.Ltmp1, $3  }
0x17: {  	[sflag:s11] =	ssyncset.done $0x0  }
0x18: {  	[sflag:s11] =	ssyncadd.s32 $0xFFFFEC00  }
0x19: {  	[bflag:$0x0] =	sbarrier.arrive $0xFFFF;
	_ =	sdelay $0x1  }
.LBB2_1:
0x1a: {  	[tilespmem:s4], [sflag:$0x4] =	stream.linear.gather [hbm4b:s6+s4], $0x2780, $0x38;
	[tilespmem:$0x1D800] =	vst v63  }
0x1b: {  	_ =	swait.ge [sflag:s11], $0x2780  }
0x1c: {  	[sflag:s11] =	ssyncset.done $0x0  }
0x1d: {  	s25 =	simm.s32 $0x2800;
	[sflag:s11] =	ssyncadd.s32 $0xFFFFD880  }
0x1e: {  	[tilespmem:s25], [sflag:$0x4] =	stream.linear.gather [hbm4b:s7+s4], $0x2780, $0x38;
	[tilespmem:$0x1D800] =	vst v63  }
0x1f: {  	_ =	swait.ge [sflag:s11], $0x2780  }
0x20: {  	[sflag:s11] =	ssyncset.done $0x0  }
0x21: {  	[sflag:s11] =	ssyncadd.s32 $0xFFFFD880  }
0x22: {  	[tilespmem:s12], [sflag:$0x4] =	stream.linear.gather [hbm4b:s8+s4], $0x2780, $0x38;
	[tilespmem:$0x1D800] =	vst v63  }
0x23: {  	_ =	swait.ge [sflag:s11], $0x2780  }
0x24: {  	[sflag:s11] =	ssyncset.done $0x0  }
0x25: {  	[sflag:s11] =	ssyncadd.s32 $0xFFFFD880  }
0x26: {  	[spmem:s14], [sflag:s13] =	dma.local [hbm:s5], $0x1400  }
0x27: {  	_ =	swait.ge [sflag:s11], $0x1400  }
0x28: {  	[sflag:s11] =	ssyncset.done $0x0  }
.Ltmp2:
0x29: {  	[sflag:s11] =	ssyncadd.s32 $0xFFFFEC00;
	(pc) =	sbr.rel .LBB2_2-.Ltmp2, $4  }
0x2a: {  	[bflag:$0x0] =	sbarrier.arrive $0xFFFF  }
0x2b: {  	[tilespmem:s16], [sflag:$0x1] =	stream.indirect.gather [hbm4b:s0+s15], $0x80, s4, s15, $0xb8;
	[tilespmem:$0x1D800] =	vst v63  }
0x2c: {  	s26 =	simm.s32 $0x100;
	s28 =	simm.s32 $0x0  }
0x2d: {  	[tilespmem:s17], [sflag:$0x2] =	stream.indirect.gather [hbm4b:s0+s15], $0x80, s15, s15, $0xb8;
	[tilespmem:$0x1D800] =	vst v63  }
.LBB2_6:
0x2e: {  	p0 =	sgt.u32 s28, $0x4C  }
0x2f: {  	s29 =	simm.s32 @!p0 $0x80;
	s30 =	simm.s32 @!p0 $0xB800  }
0x30: {  	[tilespmem:s30], [sflag:$0x2] =	stream.indirect.gather @!p0 [hbm4b:s0+s29], $0x80, s26, s29, $0xb8;
	[tilespmem:$0x1D800] =	vst v63  }
0x31: {  	_ =	swait.ge [sflag:s18], $0x4000  }
0x32: {  	[sflag:s18] =	ssyncset.done $0x0  }
0x33: {  	s29 =	simm.s32 $0x4;
	[sflag:s18] =	ssyncadd.s32 $0xFFFFC000  }
0x34: {  	[spmem:s3] =	stream.indirect.scatter.add.f32 [tilespmem:s19], [sflag:$0x4], $0x80, s25, s15, $0xb8;
	[tilespmem:$0x1D800] =	vst v63  }
.LBB2_7:
0x35: {  	s28 =	sadd.s32 $0x1, s28  }
0x36: {  	p0 =	sne.s32 s28, $0x4F  }
.Ltmp3:
0x37: {  	_ = 	snop;
	(pc) =	sbr.rel @!p0 .LBB2_8-.Ltmp3, $4  }
0x38: {  	_ = 	snop  }
0x39: {  	_ =	swait.ge [sflag:s29], $0x4000  }
0x3a: {  	[sflag:s29] =	ssyncset.done $0x0  }
0x3b: {  	s26 =	sadd.s32 $0x80, s26;
	s25 =	sadd.s32 $0x80, s25;
	[sflag:s29] =	ssyncadd.s32 $0xFFFFC000  }
.LBB2_2:
0x3c: {  	s29 =	smul.u32 $0xAB, s28;
	_ =	sdelay $0x1  }
0x3d: {  	s29 =	sshrl.u32 s29, $0x9  }
0x3e: {  	s29 =	sand.u32 $0x7F, s29  }
0x3f: {  	s29 =	smul.u32 $0x3, s29;
	_ =	sdelay $0x1  }
0x40: {  	s29 =	ssub.s32 s28, s29  }
0x41: {  	s29 =	sand.u32 $0xFF, s29  }
0x42: {  	p0 =	seq.s32 s29, $0x2  }
.Ltmp4:
0x43: {  	_ = 	snop;
	(pc) =	sbr.rel @p0 .LBB2_6-.Ltmp4, $1  }
0x44: {  	_ =	sdelay $0x3  }
0x45: {  	p0 =	seq.s32 s29, $0x1  }
.Ltmp5:
0x46: {  	_ = 	snop;
	(pc) =	sbr.rel @!p0 .LBB2_4-.Ltmp5, $1  }
0x47: {  	_ =	sdelay $0x3  }
0x48: {  	p0 =	sgt.u32 s28, $0x4C  }
0x49: {  	s29 =	simm.s32 @!p0 $0x80;
	s30 =	simm.s32 @!p0 $0x7800  }
0x4a: {  	[tilespmem:s30], [sflag:$0x1] =	stream.indirect.gather @!p0 [hbm4b:s0+s29], $0x80, s26, s29, $0xb8;
	[tilespmem:$0x1D800] =	vst v63  }
.Ltmp6:
0x4b: {  	_ = 	snop;
	(pc) =	sbr.rel .LBB2_7-.Ltmp6, $4  }
0x4c: {  	_ =	swait.ge [sflag:s22], $0x4000  }
0x4d: {  	[sflag:s22] =	ssyncset.done $0x0  }
0x4e: {  	s29 =	simm.s32 $0x5;
	[sflag:s22] =	ssyncadd.s32 $0xFFFFC000  }
0x4f: {  	[spmem:s3] =	stream.indirect.scatter.add.f32 [tilespmem:s17], [sflag:$0x5], $0x80, s25, s15, $0xb8;
	[tilespmem:$0x1D800] =	vst v63  }
.LBB2_4:
0x50: {  	p0 =	sgt.u32 s28, $0x4C  }
0x51: {  	s29 =	simm.s32 @!p0 $0x80;
	s30 =	simm.s32 @!p0 $0xF800  }
0x52: {  	[tilespmem:s30], [sflag:$0x3] =	stream.indirect.gather @!p0 [hbm4b:s0+s29], $0x80, s26, s29, $0xb8;
	[tilespmem:$0x1D800] =	vst v63  }
.Ltmp7:
0x53: {  	_ = 	snop;
	(pc) =	sbr.rel .LBB2_7-.Ltmp7, $4  }
0x54: {  	_ =	swait.ge [sflag:s23], $0x4000  }
0x55: {  	[sflag:s23] =	ssyncset.done $0x0  }
0x56: {  	s29 =	simm.s32 $0x5;
	[sflag:s23] =	ssyncadd.s32 $0xFFFFC000  }
0x57: {  	[spmem:s3] =	stream.indirect.scatter.add.f32 [tilespmem:s16], [sflag:$0x5], $0x80, s25, s15, $0xb8;
	[tilespmem:$0x1D800] =	vst v63  }
.LBB2_8:
0x58: {  	[bflag:$0x0] =	sbarrier.arrive $0xFFFF;
	s25 =	sshrl.u32 s9, $0x3  }
0x59: {  	[hbm:s20], [sflag:s13] =	dma.local [spmem:s25], $0x1400  }
0x5a: {  	_ =	swait.ge [sflag:s11], $0x1400  }
0x5b: {  	[sflag:s11] =	ssyncset.done $0x0  }
0x5c: {  	[sflag:s11] =	ssyncadd.s32 $0xFFFFEC00  }
0x5d: {  	[bflag:$0x0] =	sbarrier.arrive $0xFFFF  }
0x5e: {  	[spmem:s14], [sflag:s13] =	dma.local [hbm:s5], $0x1400  }
0x5f: {  	_ =	swait.ge [sflag:s11], $0x1400  }
0x60: {  	[sflag:s11] =	ssyncset.done $0x0  }
.Ltmp8:
0x61: {  	[sflag:s11] =	ssyncadd.s32 $0xFFFFEC00;
	(pc) =	sbr.rel .LBB2_9-.Ltmp8, $4  }
0x62: {  	s26 =	simm.s32 $0x0;
	[bflag:$0x0] =	sbarrier.arrive $0xFFFF  }
0x63: {  	[tilespmem:s16], [sflag:$0x1] =	stream.indirect.gather [hbm4b:s0+s15], $0x80, s26, s15, $0xb8;
	[tilespmem:$0x1D800] =	vst v63  }
0x64: {  	s28 =	simm.s32 $0x100;
	s29 =	simm.s32 $0x5000  }
0x65: {  	[tilespmem:s17], [sflag:$0x2] =	stream.indirect.gather [hbm4b:s0+s15], $0x80, s15, s15, $0xb8;
	[tilespmem:$0x1D800] =	vst v63  }
.LBB2_13:
0x66: {  	p0 =	sgt.u32 s26, $0x4C  }
0x67: {  	s30 =	simm.s32 @!p0 $0x80;
	s31 =	simm.s32 @!p0 $0xB800  }
0x68: {  	[tilespmem:s31], [sflag:$0x2] =	stream.indirect.gather @!p0 [hbm4b:s0+s30], $0x80, s28, s30, $0xb8;
	[tilespmem:$0x1D800] =	vst v63  }
0x69: {  	_ =	swait.ge [sflag:s18], $0x4000  }
0x6a: {  	[sflag:s18] =	ssyncset.done $0x0  }
0x6b: {  	s30 =	simm.s32 $0x4;
	[sflag:s18] =	ssyncadd.s32 $0xFFFFC000  }
0x6c: {  	[spmem:s3] =	stream.indirect.scatter.add.f32 [tilespmem:s19], [sflag:$0x4], $0x80, s29, s15, $0xb8;
	[tilespmem:$0x1D800] =	vst v63  }
.LBB2_14:
0x6d: {  	s26 =	sadd.s32 $0x1, s26  }
0x6e: {  	p0 =	sne.s32 s26, $0x4F  }
.Ltmp9:
0x6f: {  	_ = 	snop;
	(pc) =	sbr.rel @!p0 .LBB2_15-.Ltmp9, $4  }
0x70: {  	_ = 	snop  }
0x71: {  	_ =	swait.ge [sflag:s30], $0x4000  }
0x72: {  	[sflag:s30] =	ssyncset.done $0x0  }
0x73: {  	s28 =	sadd.s32 $0x80, s28;
	s29 =	sadd.s32 $0x80, s29;
	[sflag:s30] =	ssyncadd.s32 $0xFFFFC000  }
.LBB2_9:
0x74: {  	s30 =	smul.u32 $0xAB, s26;
	_ =	sdelay $0x1  }
0x75: {  	s30 =	sshrl.u32 s30, $0x9  }
0x76: {  	s30 =	sand.u32 $0x7F, s30  }
0x77: {  	s30 =	smul.u32 $0x3, s30;
	_ =	sdelay $0x1  }
0x78: {  	s30 =	ssub.s32 s26, s30  }
0x79: {  	s30 =	sand.u32 $0xFF, s30  }
0x7a: {  	p0 =	seq.s32 s30, $0x2  }
.Ltmp10:
0x7b: {  	_ = 	snop;
	(pc) =	sbr.rel @p0 .LBB2_13-.Ltmp10, $1  }
0x7c: {  	_ =	sdelay $0x3  }
0x7d: {  	p0 =	seq.s32 s30, $0x1  }
.Ltmp11:
0x7e: {  	_ = 	snop;
	(pc) =	sbr.rel @!p0 .LBB2_11-.Ltmp11, $1  }
0x7f: {  	_ =	sdelay $0x3  }
0x80: {  	p0 =	sgt.u32 s26, $0x4C  }
0x81: {  	s30 =	simm.s32 @!p0 $0x80;
	s31 =	simm.s32 @!p0 $0x7800  }
0x82: {  	[tilespmem:s31], [sflag:$0x1] =	stream.indirect.gather @!p0 [hbm4b:s0+s30], $0x80, s28, s30, $0xb8;
	[tilespmem:$0x1D800] =	vst v63  }
.Ltmp12:
0x83: {  	_ = 	snop;
	(pc) =	sbr.rel .LBB2_14-.Ltmp12, $4  }
0x84: {  	_ =	swait.ge [sflag:s22], $0x4000  }
0x85: {  	[sflag:s22] =	ssyncset.done $0x0  }
0x86: {  	s30 =	simm.s32 $0x5;
	[sflag:s22] =	ssyncadd.s32 $0xFFFFC000  }
0x87: {  	[spmem:s3] =	stream.indirect.scatter.add.f32 [tilespmem:s17], [sflag:$0x5], $0x80, s29, s15, $0xb8;
	[tilespmem:$0x1D800] =	vst v63  }
.LBB2_11:
0x88: {  	p0 =	sgt.u32 s26, $0x4C  }
0x89: {  	s30 =	simm.s32 @!p0 $0x80;
	s31 =	simm.s32 @!p0 $0xF800  }
0x8a: {  	[tilespmem:s31], [sflag:$0x3] =	stream.indirect.gather @!p0 [hbm4b:s0+s30], $0x80, s28, s30, $0xb8;
	[tilespmem:$0x1D800] =	vst v63  }
.Ltmp13:
0x8b: {  	_ = 	snop;
	(pc) =	sbr.rel .LBB2_14-.Ltmp13, $4  }
0x8c: {  	_ =	swait.ge [sflag:s23], $0x4000  }
0x8d: {  	[sflag:s23] =	ssyncset.done $0x0  }
0x8e: {  	s30 =	simm.s32 $0x5;
	[sflag:s23] =	ssyncadd.s32 $0xFFFFC000  }
0x8f: {  	[spmem:s3] =	stream.indirect.scatter.add.f32 [tilespmem:s16], [sflag:$0x5], $0x80, s29, s15, $0xb8;
	[tilespmem:$0x1D800] =	vst v63  }
.LBB2_16:
0x90: {  	_ =	sfence.sel $0x180000  }
0x91: {  	[bflag:$0x0] =	sbarrier.arrive $0xFFFF  }
0x92: {  	p0 =	sne.s32 s2, $0x0;
	_ =	strace $0x9000004A  }
0x93: {  	s0 =	sadd.s32 @!p0 $0x100000, s1;
	[bflag:$0x2] =	sbarrier.arrive $0xFFFF  }
0x94: {  	[sflag:s0] =	ssyncadd.tile.s32 @!p0 $0x1;
	_ =	shalt  }
.Lfunc_end2:
_tile_overlayer_lowered:
.L_overlay_start_2:
0x95: {  	(tag) =	ssettag $0x2  }
0x96: {  	s0 =	rddreg [dreg:$0x0];
	s2 =	stileid.u32  }
0x97: {  	s1 =	rddreg [dreg:$0x1];
	p0 =	sne.s32 s2, $0x0  }
0x98: {  	s3 =	rddreg [dreg:$0x2];
	[bflag:$0x3] =	sbarrier.arrive $0xFFFF;
	s2 =	simm.s32 @!p0 $0x1C04  }
0x99: {  	[timem:s3], [sflag:s2] =	dma.local @!p0 [hbm:s0], s1  }
0x9a: {  	s0 =	simm.s32 @!p0 $0x4  }
0x9b: {  	_ =	swait.ge @!p0 [sflag:s0], s1  }
0x9c: {  	s1 =	ssub.s32 @!p0 $0x0, s1;
	[sflag:s0] =	ssyncset.done @!p0 $0x0  }
0x9d: {  	[sflag:s0] =	ssyncadd.s32 @!p0 s1  }
0x9e: {  	[bflag:$0x3] =	sbarrier.arrive $0xFFFF  }
0x9f: {  	_ =	shalt  }

// kernel: kernel.13.cloned.1.call-start
scs
__scs_entry_jumppad:
0x0: {  	(pc) =	sbr.rel $0x88, $3  }
0x1: {  	(tag) =	ssettag $0x0;
	lr =	simm.s32 $0x1  }
0x2: {  	[smem:$0x3F9B] =	sst lr;
	_ =	strace $0xD0000000  }
0x3: {  	_ = 	snop  }
0x4: {  	_ = 	snop  }
0x5: {  	_ = 	snop  }
0x6: {  	_ = 	snop  }
0x7: {  	_ = 	snop  }
__scs_overlays_trampoline_lowered:
0x8: {  	[smem:$0x3FAA] =	sst s0  }
0x9: {  	[smem:$0x3FAB] =	sst s1  }
0xa: {  	[smem:$0x3FAC] =	sst s2  }
0xb: {  	[smem:$0x3FAD] =	sst s3  }
0xc: {  	[smem:$0x3FAE] =	sst s4  }
0xd: {  	[smem:$0x3FAF] =	sst s5  }
0xe: {  	[smem:$0x3FB0] =	sst s6  }
0xf: {  	[smem:$0x3FB1] =	sst s7  }
0x10: {  	[smem:$0x3FB2] =	sst s8  }
0x11: {  	[smem:$0x3FB3] =	sst s9;
	s0 =	simm.s32 @!p0 $0x0  }
0x12: {  	s1 =	sld [smem:$0x3F99];
	s0 =	simm.s32 @p0 $0x1  }
0x13: {  	[smem:$0x3FB4] =	sst s0;
	s0 =	simm.s32 @!p1 $0x0  }
0x14: {  	s2 =	sld [smem:$0x3F98];
	s0 =	simm.s32 @p1 $0x1  }
0x15: {  	[smem:$0x3FB5] =	sst s0;
	s0 =	simm.s32 @!p2 $0x0  }
0x16: {  	s3 =	sld [smem:$0x3FDB];
	s0 =	simm.s32 @p2 $0x1  }
0x17: {  	s4 =	simm.s32 $0x1BF5;
	[smem:$0x3FB7] =	sst s0  }
0x18: {  	s0 =	sld [smem:$0x3F9A];
	_ =	swait.ge [sflag:s4], $0x0  }
0x19: {  	s7 =	sld [smem:$0x3F9B]  }
0x1a: {  	s8 =	sadd.s32 $0xFFFFE003, lr  }
0x1b: {  	s9 =	sadd.s32 $0xFFFFFEF7, lr;
	s5 =	simm.s32 $0xFFFFFFFF;
	p2 =	slt.u32 s8, $0xFFFFF086  }
0x1c: {  	p1 =	slt.u32 s9, $0xF7A;
	s5 =	simm.s32 @!p2 $0x0  }
0x1d: {  	s5 =	simm.s32 @p1 $0x1;
	p0 =	seq.s32 s7, s2  }
0x1e: {  	s7 =	smul.u32 @!p0 $0xF7A, s2;
	p2 =	seq.s32 @!p0 s5, $0x0  }
0x1f: {  	s9 =	smul.u32 $0xF7A, s1;
	s8 =	simm.s32 @!p0 $0x1BF5;
	p2 =	por !p2, p0  }
0x20: {  	[sflag:s8] =	ssyncset.s32 @!p0 $0xFFFFF086;
	s6 =	sadd.s32 @!p0 s3, s7;
	s7 =	simm.s32 @!p0 $0x108  }
0x21: {  	s3 =	sadd.s32 s3, s9;
	s6 =	sadd.s32 @!p0 $0x88, s6;
	s7 =	simm.s32 @p2 $0x1082  }
0x22: {  	[simem:s7], [sflag:s8] =	dma.local @!p0 [hbm:s6], $0xF7A  }
0x23: {  	s9 =	sor.u32 $0xD0000000, s2;
	s6 =	simm.s32 $0x108;
	_ =	swait.ge @!p0 [sflag:s8], $0x0  }
0x24: {  	s3 =	sadd.s32 $0x88, s3;
	s6 =	simm.s32 @!p1 $0x1082;
	[sflag:s4] =	ssyncset.s32 $0xFFFFF086  }
0x25: {  	[simem:s6], [sflag:s4] =	dma.local [hbm:s3], $0xF7A  }
0x26: {  	[smem:$0x3F9B] =	sst s1;
	(tag) =	ssettag s2;
	_ =	strace s9  }
0x27: {  	s1 =	sld [smem:$0x3FAB]  }
0x28: {  	s2 =	sld [smem:$0x3FAC]  }
0x29: {  	s4 =	sld [smem:$0x3FAE]  }
0x2a: {  	p0 =	seq.s32 s5, $0x0;
	s5 =	sld [smem:$0x3FAF]  }
0x2b: {  	s6 =	sld [smem:$0x3FB0]  }
0x2c: {  	s7 =	sld [smem:$0x3FB1]  }
0x2d: {  	s3 =	simm.s32 $0x108;
	s8 =	sld [smem:$0x3FB2]  }
0x2e: {  	s3 =	simm.s32 @!p0 $0x1082;
	s9 =	sld [smem:$0x3FB3]  }
0x2f: {  	lr =	sadd.s32 s0, s3;
	s0 =	sld [smem:$0x3FAA]  }
0x30: {  	s3 =	sld [smem:$0x3FAD]  }
0x31: {  	[smem:$0x3FB6] =	sst s10  }
0x32: {  	s10 =	sld [smem:$0x3FB4];
	_ =	sdelay $0x3  }
0x33: {  	p0 =	seq.s32 s10, $0x1;
	s10 =	sld [smem:$0x3FB6];
	_ =	sdelay $0x3  }
0x34: {  	[smem:$0x3FB6] =	sst s10  }
0x35: {  	s10 =	sld [smem:$0x3FB5];
	_ =	sdelay $0x3  }
0x36: {  	p1 =	seq.s32 s10, $0x1;
	s10 =	sld [smem:$0x3FB6];
	_ =	sdelay $0x3  }
0x37: {  	[smem:$0x3FB6] =	sst s10  }
0x38: {  	s10 =	sld [smem:$0x3FB7]  }
0x39: {  	_ = 	snop;
	(pc) =	sbr.ind lr, $3  }
0x3a: {  	_ = 	snop  }
0x3b: {  	_ = 	snop  }
0x3c: {  	p2 =	seq.s32 s10, $0x1;
	s10 =	sld [smem:$0x3FB6]  }
0x3d: {  	_ =	shalt  }
0x3e: {  	_ =	shalt  }
0x3f: {  	_ =	shalt  }
0x40: {  	_ =	shalt  }
0x41: {  	_ =	shalt  }
0x42: {  	_ =	shalt  }
0x43: {  	_ =	shalt  }
0x44: {  	_ =	shalt  }
0x45: {  	_ =	shalt  }
0x46: {  	_ =	shalt  }
0x47: {  	_ =	shalt  }
0x48: {  	_ =	shalt  }
0x49: {  	_ =	shalt  }
0x4a: {  	_ =	shalt  }
0x4b: {  	_ =	shalt  }
0x4c: {  	_ =	shalt  }
0x4d: {  	_ =	shalt  }
0x4e: {  	_ =	shalt  }
0x4f: {  	_ =	shalt  }
0x50: {  	_ =	shalt  }
0x51: {  	_ =	shalt  }
0x52: {  	_ =	shalt  }
0x53: {  	_ =	shalt  }
0x54: {  	_ =	shalt  }
0x55: {  	_ =	shalt  }
0x56: {  	_ =	shalt  }
0x57: {  	_ =	shalt  }
0x58: {  	_ =	shalt  }
0x59: {  	_ =	shalt  }
0x5a: {  	_ =	shalt  }
0x5b: {  	_ =	shalt  }
0x5c: {  	_ =	shalt  }
0x5d: {  	_ =	shalt  }
0x5e: {  	_ =	shalt  }
0x5f: {  	_ =	shalt  }
0x60: {  	_ =	shalt  }
0x61: {  	_ =	shalt  }
0x62: {  	_ =	shalt  }
0x63: {  	_ =	shalt  }
0x64: {  	_ =	shalt  }
0x65: {  	_ =	shalt  }
0x66: {  	_ =	shalt  }
0x67: {  	_ =	shalt  }
0x68: {  	_ =	shalt  }
0x69: {  	_ =	shalt  }
0x6a: {  	_ =	shalt  }
0x6b: {  	_ =	shalt  }
0x6c: {  	_ =	shalt  }
0x6d: {  	_ =	shalt  }
0x6e: {  	_ =	shalt  }
0x6f: {  	_ =	shalt  }
0x70: {  	_ =	shalt  }
0x71: {  	_ =	shalt  }
0x72: {  	_ =	shalt  }
0x73: {  	_ =	shalt  }
0x74: {  	_ =	shalt  }
0x75: {  	_ =	shalt  }
0x76: {  	_ =	shalt  }
0x77: {  	_ =	shalt  }
0x78: {  	_ =	shalt  }
0x79: {  	_ =	shalt  }
0x7a: {  	_ =	shalt  }
0x7b: {  	_ =	shalt  }
0x7c: {  	_ =	shalt  }
0x7d: {  	_ =	shalt  }
0x7e: {  	_ =	shalt  }
0x7f: {  	_ =	shalt  }
0x80: {  	_ =	shalt  }
0x81: {  	_ =	shalt  }
0x82: {  	_ =	shalt  }
0x83: {  	_ =	shalt  }
0x84: {  	_ =	shalt  }
0x85: {  	_ =	shalt  }
0x86: {  	_ =	shalt  }
0x87: {  	_ =	shalt  }
.Lfunc_end0:
.L_simem_size_0:
called_computation.2_lowered:
.L_overlay_start_0:
0x88: {  	s2 =	sld [smem:$0x3FD9]  }
0x89: {  	s3 =	sld [smem:$0x3FFE];
	_ =	sdelay $0x1  }
0x8a: {  	s1 =	srdreg.scid  }
0x8b: {  	s0 =	sand.u32 $0x1, s1  }
0x8c: {  	s17 =	sshll.u32 s0, $0xA;
	s2 =	sadd.s32 s3, s2  }
0x8d: {  	s2 =	sadd.s32 s2, s17  }
0x8e: {  	[smem:$0x3FC2] =	sst s2  }
0x8f: {  	_ = 	snop  }
0x90: {  	s2 =	sld [smem:$0x3FD0];
	(tm) =	ssettm $0x1  }
0x91: {  	s18 =	sld [smem:$0x3FFB];
	_ =	sdelay $0x3  }
0x92: {  	_ =	strace s18  }
0x93: {  	s3 =	sld [smem:$0x3FFC];
	_ =	sdelay $0x3  }
0x94: {  	_ =	strace s3  }
0x95: {  	s3 =	sld [smem:$0x3FFD];
	_ =	sdelay $0x3  }
0x96: {  	_ =	strace s3  }
0x97: {  	_ =	strace $0x8FFFFFFF  }
0x98: {  	s19 =	sld [smem:$0x3FDB];
	_ =	sdelay $0x1  }
0x99: {  	s4 =	simm.s32 $_scs_section_size  }
0x9a: {  	s5 =	simm.s32 $_size__tile_overlayer_lowered;
	s6 =	simm.s32 $_tile_overlayer_lowered  }
0x9b: {  	s22 =	simm.s32 $0x1BFF;
	s21 =	sshll.u32 s6, $0x1;
	s3 =	sadd.s32 s4, s19  }
0x9c: {  	s7 =	simm.s32 $0x0;
	s20 =	sshll.u32 s5, $0x1;
	s5 =	sadd.s32 s21, s3  }
0x9d: {  	[timem:s7], [sflag:s22] =	dma.local [hbm:s5], s20  }
0x9e: {  	_ =	swait.ge [sflag:s22], s20  }
0x9f: {  	s4 =	ssub.s32 $0x0, s20;
	[sflag:s22] =	ssyncset.done $0x0  }
0xa0: {  	[sflag:s22] =	ssyncadd.s32 s4;
	_ =	sdelay $0x1  }
0xa1: {  	s23 =	simm.s32 $0x1B8B  }
0xa2: {  	_ =	swait.ge [sflag:s23], $0x1  }
0xa3: {  	[sflag:s23] =	ssyncset.done $0x0  }
0xa4: {  	s25 =	simm.s32 $0x1B8E;
	s24 =	sld [smem:$0x3FFE];
	[sflag:s23] =	ssyncadd.s32 $0xFFFFFFFF  }
0xa5: {  	s26 =	simm.s32 $execute0_lowered;
	[smem:$0x3FD2] =	sst s25  }
0xa6: {  	s5 =	sshll.u32 s26, $0x1;
	_ =	strace $0x8000004C;
	[dreg:$0x1] =	wrdreg $0xFFFFFFFF  }
0xa7: {  	s28 =	simm.s32 $_size_execute0_lowered;
	s3 =	sadd.s32 s3, s5;
	[dreg:$0x0] =	wrdreg $0x0  }
0xa8: {  	s5 =	sshll.u32 s28, $0x1;
	[dreg:$0x2] =	wrdreg s3  }
0xa9: {  	[dreg:$0x3] =	wrdreg s5  }
0xaa: {  	[dreg:$0x4] =	wrdreg $0xC0  }
0xab: {  	_ =	task [dreg:s7], $0x5FFFF  }
0xac: {  	[dreg:$0x1] =	wrdreg $0xFFFFFFFF  }
0xad: {  	[dreg:$0x0] =	wrdreg $0x60  }
0xae: {  	[dreg:$0x2] =	wrdreg s2  }
0xaf: {  	[dreg:$0x3] =	wrdreg s24  }
0xb0: {  	[dreg:$0x4] =	wrdreg $0x138000  }
0xb1: {  	[dreg:$0x5] =	wrdreg $0x9  }
0xb2: {  	_ =	task.clear_ibuf [dreg:s7], $0x6FFFF;
	_ =	strace $0x9000004C  }
0xb3: {  	s29 =	simm.s32 $0x9;
	_ =	strace $0x8000004E  }
0xb4: {  	_ =	swait.ge [sflag:s29], $0x1  }
0xb5: {  	[sflag:s29] =	ssyncadd.s32 $0xFFFFFFFF  }
0xb6: {  	_ =	strace $0x9000004E  }
0xb7: {  	_ =	sfence  }
0xb8: {  	s30 =	sld [smem:$0x0];
	_ =	sdelay $0x2  }
0xb9: {  	s31 =	sshll.u32 s1, $0xD;
	s1 =	sshrl.u32 s1, $0x2  }
0xba: {  	s3 =	sand.u32 $0x4000, s31;
	s1 =	sadd.s32 s1, s30  }
0xbb: {  	s0 =	sor.u32 s3, s0;
	s1 =	sshll.u32 s1, $0x11  }
0xbc: {  	s0 =	sor.u32 s1, s0  }
0xbd: {  	s0 =	sadd.s32 $0x8F2B, s0  }
0xbe: {  	[sflag:s0] =	ssyncadd.remote.s32 $0x1  }
0xbf: {  	_ =	sfence.sel $0xFFFF  }
0xc0: {  	[dreg:$0x0] =	wrdreg $0xFFFFFFFF;
	(pc) =	sbr.abs _section_cstart, $3  }
0xc1: {  	[dreg:$0x1] =	wrdreg $0xFFFFFFFF  }
0xc2: {  	_ =	task.clear_ibuf [dreg:s7], $0x2FFFF;
	_ =	strace $0x9FFFFFFF  }
0xc3: {  	(tm) =	ssettm $0x7FFFFFFF  }
tec
execute0_lowered:
.L_overlay_start_1:
0x0: {  	(tag) =	ssettag $0x1  }
0x1: {  	s0 =	rddreg [dreg:$0x0]  }
0x2: {  	s1 =	srdreg.scid;
	s10 =	rddreg [dreg:$0x1]  }
0x3: {  	s3 =	rddreg [dreg:$0x2];
	s2 =	stileid.u32;
	s4 =	simm.s32 $0x0  }
0x4: {  	s16 =	simm.s32 $0x7800;
	s17 =	simm.s32 $0xB800;
	s18 =	simm.s32 $0x3  }
0x5: {  	s23 =	simm.s32 $0x1;
	s5 =	sand.u32 $0x1, s1;
	s1 =	rddreg [dreg:$0x3]  }
0x6: {  	s24 =	simm.s32 $0x0;
	[smem:$0x7FF] =	sst s4;
	s9 =	smul.u32 $0x140, s2  }
0x7: {  	s11 =	smul.u32 $0x28000, s2;
	s22 =	sadd.s32 $0x96700, s10;
	s31 =	sshll.u32 s2, $0x6  }
0x8: {  	s6 =	sshll.u32 s5, $0x4;
	_ =	strace $0x8000004D;
	s19 =	smul.u32 $0x13880, s5  }
0x9: {  	s30 =	ssub.s32 $0x2, s5;
	s5 =	sadd.s32 $0x16000, s10;
	s6 =	sor.u32 s2, s6  }
0xa: {  	s7 =	sshrl.u32 s30, $0x1;
	s11 =	sshrl.u32 s11, $0x2;
	s14 =	smin.u32 s9, $0x1248  }
0xb: {  	s6 =	smul.u32 $0x500, s6;
	s12 =	sadd.s32 s19, s10;
	s13 =	ssub.s32 s30, s7  }
0xc: {  	s15 =	sadd.s32 s11, s3;
	s9 =	sshll.u32 s14, $0x7;
	s21 =	sshll.u32 s14, $0x4  }
0xd: {  	s11 =	simm.s32 $0x4;
	s22 =	sadd.s32 s19, s22;
	s19 =	simm.s32 $0xF800  }
.Ltmp0:
0xe: {  	s20 =	sadd.s32 $0x6F600, s12;
	s9 =	sadd.s32 s9, s3;
	(pc) =	sbr.rel .LBB2_1-.Ltmp0, $4  }
0xf: {  	s12 =	simm.s32 $0x5000;
	s14 =	sshrl.u32 s15, $0x3;
	s15 =	simm.s32 $0x80  }
0x10: {  	s8 =	sadd.s32 s6, s10;
	s10 =	smax.u32 s13, $0x1;
	s13 =	sor.u32 $0x1C04, s31  }
0x11: {  	s20 =	sadd.s32 s21, s20;
	s21 =	sadd.s32 s21, s22;
	s22 =	simm.s32 $0x2  }
0x12: {  	s6 =	sadd.s32 $0x65600, s8;
	s7 =	sadd.s32 $0xC000, s8;
	s8 =	sadd.s32 $0x2000, s8  }
.LBB2_15:
0x13: {  	[bflag:$0x0] =	sbarrier.arrive $0xFFFF;
	s24 =	sadd.s32 $0x1, s24  }
0x14: {  	[hbm:s21], [sflag:s13] =	dma.local [spmem:s25], $0x1400  }
0x15: {  	p0 =	sne.s32 s24, s10  }
.Ltmp1:
0x16: {  	_ =	swait.ge [sflag:s11], $0x1400;
	(pc) =	sbr.rel @!p0 .LBB2_16-.Ltmp1, $3  }
0x17: {  	[sflag:s11] =	ssyncset.done $0x0  }
0x18: {  	[sflag:s11] =	ssyncadd.s32 $0xFFFFEC00  }
0x19: {  	[bflag:$0x0] =	sbarrier.arrive $0xFFFF;
	_ =	sdelay $0x1  }
.LBB2_1:
0x1a: {  	[tilespmem:s4], [sflag:$0x4] =	stream.linear.gather [hbm4b:s6+s4], $0x2780, $0x38;
	[tilespmem:$0x1D800] =	vst v63  }
0x1b: {  	_ =	swait.ge [sflag:s11], $0x2780  }
0x1c: {  	[sflag:s11] =	ssyncset.done $0x0  }
0x1d: {  	s25 =	simm.s32 $0x2800;
	[sflag:s11] =	ssyncadd.s32 $0xFFFFD880  }
0x1e: {  	[tilespmem:s25], [sflag:$0x4] =	stream.linear.gather [hbm4b:s7+s4], $0x2780, $0x38;
	[tilespmem:$0x1D800] =	vst v63  }
0x1f: {  	_ =	swait.ge [sflag:s11], $0x2780  }
0x20: {  	[sflag:s11] =	ssyncset.done $0x0  }
0x21: {  	[sflag:s11] =	ssyncadd.s32 $0xFFFFD880  }
0x22: {  	[tilespmem:s12], [sflag:$0x4] =	stream.linear.gather [hbm4b:s8+s4], $0x2780, $0x38;
	[tilespmem:$0x1D800] =	vst v63  }
0x23: {  	_ =	swait.ge [sflag:s11], $0x2780  }
0x24: {  	[sflag:s11] =	ssyncset.done $0x0  }
0x25: {  	[sflag:s11] =	ssyncadd.s32 $0xFFFFD880  }
0x26: {  	[spmem:s14], [sflag:s13] =	dma.local [hbm:s5], $0x1400  }
0x27: {  	_ =	swait.ge [sflag:s11], $0x1400  }
0x28: {  	[sflag:s11] =	ssyncset.done $0x0  }
.Ltmp2:
0x29: {  	[sflag:s11] =	ssyncadd.s32 $0xFFFFEC00;
	(pc) =	sbr.rel .LBB2_2-.Ltmp2, $4  }
0x2a: {  	[bflag:$0x0] =	sbarrier.arrive $0xFFFF  }
0x2b: {  	[tilespmem:s16], [sflag:$0x1] =	stream.indirect.gather [hbm4b:s0+s15], $0x80, s4, s15, $0xb8;
	[tilespmem:$0x1D800] =	vst v63  }
0x2c: {  	s26 =	simm.s32 $0x100;
	s28 =	simm.s32 $0x0  }
0x2d: {  	[tilespmem:s17], [sflag:$0x2] =	stream.indirect.gather [hbm4b:s0+s15], $0x80, s15, s15, $0xb8;
	[tilespmem:$0x1D800] =	vst v63  }
.LBB2_6:
0x2e: {  	p0 =	sgt.u32 s28, $0x4C  }
0x2f: {  	s29 =	simm.s32 @!p0 $0x80;
	s30 =	simm.s32 @!p0 $0xB800  }
0x30: {  	[tilespmem:s30], [sflag:$0x2] =	stream.indirect.gather @!p0 [hbm4b:s0+s29], $0x80, s26, s29, $0xb8;
	[tilespmem:$0x1D800] =	vst v63  }
0x31: {  	_ =	swait.ge [sflag:s18], $0x4000  }
0x32: {  	[sflag:s18] =	ssyncset.done $0x0  }
0x33: {  	s29 =	simm.s32 $0x4;
	[sflag:s18] =	ssyncadd.s32 $0xFFFFC000  }
0x34: {  	[spmem:s3] =	stream.indirect.scatter.add.f32 [tilespmem:s19], [sflag:$0x4], $0x80, s25, s15, $0xb8;
	[tilespmem:$0x1D800] =	vst v63  }
.LBB2_7:
0x35: {  	s28 =	sadd.s32 $0x1, s28  }
0x36: {  	p0 =	sne.s32 s28, $0x4F  }
.Ltmp3:
0x37: {  	_ = 	snop;
	(pc) =	sbr.rel @!p0 .LBB2_8-.Ltmp3, $4  }
0x38: {  	_ = 	snop  }
0x39: {  	_ =	swait.ge [sflag:s29], $0x4000  }
0x3a: {  	[sflag:s29] =	ssyncset.done $0x0  }
0x3b: {  	s26 =	sadd.s32 $0x80, s26;
	s25 =	sadd.s32 $0x80, s25;
	[sflag:s29] =	ssyncadd.s32 $0xFFFFC000  }
.LBB2_2:
0x3c: {  	s29 =	smul.u32 $0xAB, s28;
	_ =	sdelay $0x1  }
0x3d: {  	s29 =	sshrl.u32 s29, $0x9  }
0x3e: {  	s29 =	sand.u32 $0x7F, s29  }
0x3f: {  	s29 =	smul.u32 $0x3, s29;
	_ =	sdelay $0x1  }
0x40: {  	s29 =	ssub.s32 s28, s29  }
0x41: {  	s29 =	sand.u32 $0xFF, s29  }
0x42: {  	p0 =	seq.s32 s29, $0x2  }
.Ltmp4:
0x43: {  	_ = 	snop;
	(pc) =	sbr.rel @p0 .LBB2_6-.Ltmp4, $1  }
0x44: {  	_ =	sdelay $0x3  }
0x45: {  	p0 =	seq.s32 s29, $0x1  }
.Ltmp5:
0x46: {  	_ = 	snop;
	(pc) =	sbr.rel @!p0 .LBB2_4-.Ltmp5, $1  }
0x47: {  	_ =	sdelay $0x3  }
0x48: {  	p0 =	sgt.u32 s28, $0x4C  }
0x49: {  	s29 =	simm.s32 @!p0 $0x80;
	s30 =	simm.s32 @!p0 $0x7800  }
0x4a: {  	[tilespmem:s30], [sflag:$0x1] =	stream.indirect.gather @!p0 [hbm4b:s0+s29], $0x80, s26, s29, $0xb8;
	[tilespmem:$0x1D800] =	vst v63  }
.Ltmp6:
0x4b: {  	_ = 	snop;
	(pc) =	sbr.rel .LBB2_7-.Ltmp6, $4  }
0x4c: {  	_ =	swait.ge [sflag:s22], $0x4000  }
0x4d: {  	[sflag:s22] =	ssyncset.done $0x0  }
0x4e: {  	s29 =	simm.s32 $0x5;
	[sflag:s22] =	ssyncadd.s32 $0xFFFFC000  }
0x4f: {  	[spmem:s3] =	stream.indirect.scatter.add.f32 [tilespmem:s17], [sflag:$0x5], $0x80, s25, s15, $0xb8;
	[tilespmem:$0x1D800] =	vst v63  }
.LBB2_4:
0x50: {  	p0 =	sgt.u32 s28, $0x4C  }
0x51: {  	s29 =	simm.s32 @!p0 $0x80;
	s30 =	simm.s32 @!p0 $0xF800  }
0x52: {  	[tilespmem:s30], [sflag:$0x3] =	stream.indirect.gather @!p0 [hbm4b:s0+s29], $0x80, s26, s29, $0xb8;
	[tilespmem:$0x1D800] =	vst v63  }
.Ltmp7:
0x53: {  	_ = 	snop;
	(pc) =	sbr.rel .LBB2_7-.Ltmp7, $4  }
0x54: {  	_ =	swait.ge [sflag:s23], $0x4000  }
0x55: {  	[sflag:s23] =	ssyncset.done $0x0  }
0x56: {  	s29 =	simm.s32 $0x5;
	[sflag:s23] =	ssyncadd.s32 $0xFFFFC000  }
0x57: {  	[spmem:s3] =	stream.indirect.scatter.add.f32 [tilespmem:s16], [sflag:$0x5], $0x80, s25, s15, $0xb8;
	[tilespmem:$0x1D800] =	vst v63  }
.LBB2_8:
0x58: {  	[bflag:$0x0] =	sbarrier.arrive $0xFFFF;
	s25 =	sshrl.u32 s9, $0x3  }
0x59: {  	[hbm:s20], [sflag:s13] =	dma.local [spmem:s25], $0x1400  }
0x5a: {  	_ =	swait.ge [sflag:s11], $0x1400  }
0x5b: {  	[sflag:s11] =	ssyncset.done $0x0  }
0x5c: {  	[sflag:s11] =	ssyncadd.s32 $0xFFFFEC00  }
0x5d: {  	[bflag:$0x0] =	sbarrier.arrive $0xFFFF  }
0x5e: {  	[spmem:s14], [sflag:s13] =	dma.local [hbm:s5], $0x1400  }
0x5f: {  	_ =	swait.ge [sflag:s11], $0x1400  }
0x60: {  	[sflag:s11] =	ssyncset.done $0x0  }
.Ltmp8:
0x61: {  	[sflag:s11] =	ssyncadd.s32 $0xFFFFEC00;
	(pc) =	sbr.rel .LBB2_9-.Ltmp8, $4  }
0x62: {  	s26 =	simm.s32 $0x0;
	[bflag:$0x0] =	sbarrier.arrive $0xFFFF  }
0x63: {  	[tilespmem:s16], [sflag:$0x1] =	stream.indirect.gather [hbm4b:s0+s15], $0x80, s26, s15, $0xb8;
	[tilespmem:$0x1D800] =	vst v63  }
0x64: {  	s28 =	simm.s32 $0x100;
	s29 =	simm.s32 $0x5000  }
0x65: {  	[tilespmem:s17], [sflag:$0x2] =	stream.indirect.gather [hbm4b:s0+s15], $0x80, s15, s15, $0xb8;
	[tilespmem:$0x1D800] =	vst v63  }
.LBB2_13:
0x66: {  	p0 =	sgt.u32 s26, $0x4C  }
0x67: {  	s30 =	simm.s32 @!p0 $0x80;
	s31 =	simm.s32 @!p0 $0xB800  }
0x68: {  	[tilespmem:s31], [sflag:$0x2] =	stream.indirect.gather @!p0 [hbm4b:s0+s30], $0x80, s28, s30, $0xb8;
	[tilespmem:$0x1D800] =	vst v63  }
0x69: {  	_ =	swait.ge [sflag:s18], $0x4000  }
0x6a: {  	[sflag:s18] =	ssyncset.done $0x0  }
0x6b: {  	s30 =	simm.s32 $0x4;
	[sflag:s18] =	ssyncadd.s32 $0xFFFFC000  }
0x6c: {  	[spmem:s3] =	stream.indirect.scatter.add.f32 [tilespmem:s19], [sflag:$0x4], $0x80, s29, s15, $0xb8;
	[tilespmem:$0x1D800] =	vst v63  }
.LBB2_14:
0x6d: {  	s26 =	sadd.s32 $0x1, s26  }
0x6e: {  	p0 =	sne.s32 s26, $0x4F  }
.Ltmp9:
0x6f: {  	_ = 	snop;
	(pc) =	sbr.rel @!p0 .LBB2_15-.Ltmp9, $4  }
0x70: {  	_ = 	snop  }
0x71: {  	_ =	swait.ge [sflag:s30], $0x4000  }
0x72: {  	[sflag:s30] =	ssyncset.done $0x0  }
0x73: {  	s28 =	sadd.s32 $0x80, s28;
	s29 =	sadd.s32 $0x80, s29;
	[sflag:s30] =	ssyncadd.s32 $0xFFFFC000  }
.LBB2_9:
0x74: {  	s30 =	smul.u32 $0xAB, s26;
	_ =	sdelay $0x1  }
0x75: {  	s30 =	sshrl.u32 s30, $0x9  }
0x76: {  	s30 =	sand.u32 $0x7F, s30  }
0x77: {  	s30 =	smul.u32 $0x3, s30;
	_ =	sdelay $0x1  }
0x78: {  	s30 =	ssub.s32 s26, s30  }
0x79: {  	s30 =	sand.u32 $0xFF, s30  }
0x7a: {  	p0 =	seq.s32 s30, $0x2  }
.Ltmp10:
0x7b: {  	_ = 	snop;
	(pc) =	sbr.rel @p0 .LBB2_13-.Ltmp10, $1  }
0x7c: {  	_ =	sdelay $0x3  }
0x7d: {  	p0 =	seq.s32 s30, $0x1  }
.Ltmp11:
0x7e: {  	_ = 	snop;
	(pc) =	sbr.rel @!p0 .LBB2_11-.Ltmp11, $1  }
0x7f: {  	_ =	sdelay $0x3  }
0x80: {  	p0 =	sgt.u32 s26, $0x4C  }
0x81: {  	s30 =	simm.s32 @!p0 $0x80;
	s31 =	simm.s32 @!p0 $0x7800  }
0x82: {  	[tilespmem:s31], [sflag:$0x1] =	stream.indirect.gather @!p0 [hbm4b:s0+s30], $0x80, s28, s30, $0xb8;
	[tilespmem:$0x1D800] =	vst v63  }
.Ltmp12:
0x83: {  	_ = 	snop;
	(pc) =	sbr.rel .LBB2_14-.Ltmp12, $4  }
0x84: {  	_ =	swait.ge [sflag:s22], $0x4000  }
0x85: {  	[sflag:s22] =	ssyncset.done $0x0  }
0x86: {  	s30 =	simm.s32 $0x5;
	[sflag:s22] =	ssyncadd.s32 $0xFFFFC000  }
0x87: {  	[spmem:s3] =	stream.indirect.scatter.add.f32 [tilespmem:s17], [sflag:$0x5], $0x80, s29, s15, $0xb8;
	[tilespmem:$0x1D800] =	vst v63  }
.LBB2_11:
0x88: {  	p0 =	sgt.u32 s26, $0x4C  }
0x89: {  	s30 =	simm.s32 @!p0 $0x80;
	s31 =	simm.s32 @!p0 $0xF800  }
0x8a: {  	[tilespmem:s31], [sflag:$0x3] =	stream.indirect.gather @!p0 [hbm4b:s0+s30], $0x80, s28, s30, $0xb8;
	[tilespmem:$0x1D800] =	vst v63  }
.Ltmp13:
0x8b: {  	_ = 	snop;
	(pc) =	sbr.rel .LBB2_14-.Ltmp13, $4  }
0x8c: {  	_ =	swait.ge [sflag:s23], $0x4000  }
0x8d: {  	[sflag:s23] =	ssyncset.done $0x0  }
0x8e: {  	s30 =	simm.s32 $0x5;
	[sflag:s23] =	ssyncadd.s32 $0xFFFFC000  }
0x8f: {  	[spmem:s3] =	stream.indirect.scatter.add.f32 [tilespmem:s16], [sflag:$0x5], $0x80, s29, s15, $0xb8;
	[tilespmem:$0x1D800] =	vst v63  }
.LBB2_16:
0x90: {  	_ =	sfence.sel $0x180000  }
0x91: {  	[bflag:$0x0] =	sbarrier.arrive $0xFFFF  }
0x92: {  	p0 =	sne.s32 s2, $0x0;
	_ =	strace $0x9000004D  }
0x93: {  	s0 =	sadd.s32 @!p0 $0x100000, s1;
	[bflag:$0x2] =	sbarrier.arrive $0xFFFF  }
0x94: {  	[sflag:s0] =	ssyncadd.tile.s32 @!p0 $0x1;
	_ =	shalt  }
.Lfunc_end2:
_tile_overlayer_lowered:
.L_overlay_start_2:
0x95: {  	(tag) =	ssettag $0x2  }
0x96: {  	s0 =	rddreg [dreg:$0x0];
	s2 =	stileid.u32  }
0x97: {  	s1 =	rddreg [dreg:$0x1];
	p0 =	sne.s32 s2, $0x0  }
0x98: {  	s3 =	rddreg [dreg:$0x2];
	[bflag:$0x3] =	sbarrier.arrive $0xFFFF;
	s2 =	simm.s32 @!p0 $0x1C04  }
0x99: {  	[timem:s3], [sflag:s2] =	dma.local @!p0 [hbm:s0], s1  }
0x9a: {  	s0 =	simm.s32 @!p0 $0x4  }
0x9b: {  	_ =	swait.ge @!p0 [sflag:s0], s1  }
0x9c: {  	s1 =	ssub.s32 @!p0 $0x0, s1;
	[sflag:s0] =	ssyncset.done @!p0 $0x0  }
0x9d: {  	[sflag:s0] =	ssyncadd.s32 @!p0 s1  }
0x9e: {  	[bflag:$0x3] =	sbarrier.arrive $0xFFFF  }
0x9f: {  	_ =	shalt  }

// kernel: kernel.7.cloned.1.call-start
scs
__scs_entry_jumppad:
0x0: {  	(pc) =	sbr.rel $0x88, $3  }
0x1: {  	(tag) =	ssettag $0x0;
	lr =	simm.s32 $0x1  }
0x2: {  	[smem:$0x3F9B] =	sst lr;
	_ =	strace $0xD0000000  }
0x3: {  	_ = 	snop  }
0x4: {  	_ = 	snop  }
0x5: {  	_ = 	snop  }
0x6: {  	_ = 	snop  }
0x7: {  	_ = 	snop  }
__scs_overlays_trampoline_lowered:
0x8: {  	[smem:$0x3FAA] =	sst s0  }
0x9: {  	[smem:$0x3FAB] =	sst s1  }
0xa: {  	[smem:$0x3FAC] =	sst s2  }
0xb: {  	[smem:$0x3FAD] =	sst s3  }
0xc: {  	[smem:$0x3FAE] =	sst s4  }
0xd: {  	[smem:$0x3FAF] =	sst s5  }
0xe: {  	[smem:$0x3FB0] =	sst s6  }
0xf: {  	[smem:$0x3FB1] =	sst s7  }
0x10: {  	[smem:$0x3FB2] =	sst s8  }
0x11: {  	[smem:$0x3FB3] =	sst s9;
	s0 =	simm.s32 @!p0 $0x0  }
0x12: {  	s1 =	sld [smem:$0x3F99];
	s0 =	simm.s32 @p0 $0x1  }
0x13: {  	[smem:$0x3FB4] =	sst s0;
	s0 =	simm.s32 @!p1 $0x0  }
0x14: {  	s2 =	sld [smem:$0x3F98];
	s0 =	simm.s32 @p1 $0x1  }
0x15: {  	[smem:$0x3FB5] =	sst s0;
	s0 =	simm.s32 @!p2 $0x0  }
0x16: {  	s3 =	sld [smem:$0x3FDB];
	s0 =	simm.s32 @p2 $0x1  }
0x17: {  	s4 =	simm.s32 $0x1BF5;
	[smem:$0x3FB7] =	sst s0  }
0x18: {  	s0 =	sld [smem:$0x3F9A];
	_ =	swait.ge [sflag:s4], $0x0  }
0x19: {  	s7 =	sld [smem:$0x3F9B]  }
0x1a: {  	s8 =	sadd.s32 $0xFFFFE003, lr  }
0x1b: {  	s9 =	sadd.s32 $0xFFFFFEF7, lr;
	s5 =	simm.s32 $0xFFFFFFFF;
	p2 =	slt.u32 s8, $0xFFFFF086  }
0x1c: {  	p1 =	slt.u32 s9, $0xF7A;
	s5 =	simm.s32 @!p2 $0x0  }
0x1d: {  	s5 =	simm.s32 @p1 $0x1;
	p0 =	seq.s32 s7, s2  }
0x1e: {  	s7 =	smul.u32 @!p0 $0xF7A, s2;
	p2 =	seq.s32 @!p0 s5, $0x0  }
0x1f: {  	s9 =	smul.u32 $0xF7A, s1;
	s8 =	simm.s32 @!p0 $0x1BF5;
	p2 =	por !p2, p0  }
0x20: {  	[sflag:s8] =	ssyncset.s32 @!p0 $0xFFFFF086;
	s6 =	sadd.s32 @!p0 s3, s7;
	s7 =	simm.s32 @!p0 $0x108  }
0x21: {  	s3 =	sadd.s32 s3, s9;
	s6 =	sadd.s32 @!p0 $0x88, s6;
	s7 =	simm.s32 @p2 $0x1082  }
0x22: {  	[simem:s7], [sflag:s8] =	dma.local @!p0 [hbm:s6], $0xF7A  }
0x23: {  	s9 =	sor.u32 $0xD0000000, s2;
	s6 =	simm.s32 $0x108;
	_ =	swait.ge @!p0 [sflag:s8], $0x0  }
0x24: {  	s3 =	sadd.s32 $0x88, s3;
	s6 =	simm.s32 @!p1 $0x1082;
	[sflag:s4] =	ssyncset.s32 $0xFFFFF086  }
0x25: {  	[simem:s6], [sflag:s4] =	dma.local [hbm:s3], $0xF7A  }
0x26: {  	[smem:$0x3F9B] =	sst s1;
	(tag) =	ssettag s2;
	_ =	strace s9  }
0x27: {  	s1 =	sld [smem:$0x3FAB]  }
0x28: {  	s2 =	sld [smem:$0x3FAC]  }
0x29: {  	s4 =	sld [smem:$0x3FAE]  }
0x2a: {  	p0 =	seq.s32 s5, $0x0;
	s5 =	sld [smem:$0x3FAF]  }
0x2b: {  	s6 =	sld [smem:$0x3FB0]  }
0x2c: {  	s7 =	sld [smem:$0x3FB1]  }
0x2d: {  	s3 =	simm.s32 $0x108;
	s8 =	sld [smem:$0x3FB2]  }
0x2e: {  	s3 =	simm.s32 @!p0 $0x1082;
	s9 =	sld [smem:$0x3FB3]  }
0x2f: {  	lr =	sadd.s32 s0, s3;
	s0 =	sld [smem:$0x3FAA]  }
0x30: {  	s3 =	sld [smem:$0x3FAD]  }
0x31: {  	[smem:$0x3FB6] =	sst s10  }
0x32: {  	s10 =	sld [smem:$0x3FB4];
	_ =	sdelay $0x3  }
0x33: {  	p0 =	seq.s32 s10, $0x1;
	s10 =	sld [smem:$0x3FB6];
	_ =	sdelay $0x3  }
0x34: {  	[smem:$0x3FB6] =	sst s10  }
0x35: {  	s10 =	sld [smem:$0x3FB5];
	_ =	sdelay $0x3  }
0x36: {  	p1 =	seq.s32 s10, $0x1;
	s10 =	sld [smem:$0x3FB6];
	_ =	sdelay $0x3  }
0x37: {  	[smem:$0x3FB6] =	sst s10  }
0x38: {  	s10 =	sld [smem:$0x3FB7]  }
0x39: {  	_ = 	snop;
	(pc) =	sbr.ind lr, $3  }
0x3a: {  	_ = 	snop  }
0x3b: {  	_ = 	snop  }
0x3c: {  	p2 =	seq.s32 s10, $0x1;
	s10 =	sld [smem:$0x3FB6]  }
0x3d: {  	_ =	shalt  }
0x3e: {  	_ =	shalt  }
0x3f: {  	_ =	shalt  }
0x40: {  	_ =	shalt  }
0x41: {  	_ =	shalt  }
0x42: {  	_ =	shalt  }
0x43: {  	_ =	shalt  }
0x44: {  	_ =	shalt  }
0x45: {  	_ =	shalt  }
0x46: {  	_ =	shalt  }
0x47: {  	_ =	shalt  }
0x48: {  	_ =	shalt  }
0x49: {  	_ =	shalt  }
0x4a: {  	_ =	shalt  }
0x4b: {  	_ =	shalt  }
0x4c: {  	_ =	shalt  }
0x4d: {  	_ =	shalt  }
0x4e: {  	_ =	shalt  }
0x4f: {  	_ =	shalt  }
0x50: {  	_ =	shalt  }
0x51: {  	_ =	shalt  }
0x52: {  	_ =	shalt  }
0x53: {  	_ =	shalt  }
0x54: {  	_ =	shalt  }
0x55: {  	_ =	shalt  }
0x56: {  	_ =	shalt  }
0x57: {  	_ =	shalt  }
0x58: {  	_ =	shalt  }
0x59: {  	_ =	shalt  }
0x5a: {  	_ =	shalt  }
0x5b: {  	_ =	shalt  }
0x5c: {  	_ =	shalt  }
0x5d: {  	_ =	shalt  }
0x5e: {  	_ =	shalt  }
0x5f: {  	_ =	shalt  }
0x60: {  	_ =	shalt  }
0x61: {  	_ =	shalt  }
0x62: {  	_ =	shalt  }
0x63: {  	_ =	shalt  }
0x64: {  	_ =	shalt  }
0x65: {  	_ =	shalt  }
0x66: {  	_ =	shalt  }
0x67: {  	_ =	shalt  }
0x68: {  	_ =	shalt  }
0x69: {  	_ =	shalt  }
0x6a: {  	_ =	shalt  }
0x6b: {  	_ =	shalt  }
0x6c: {  	_ =	shalt  }
0x6d: {  	_ =	shalt  }
0x6e: {  	_ =	shalt  }
0x6f: {  	_ =	shalt  }
0x70: {  	_ =	shalt  }
0x71: {  	_ =	shalt  }
0x72: {  	_ =	shalt  }
0x73: {  	_ =	shalt  }
0x74: {  	_ =	shalt  }
0x75: {  	_ =	shalt  }
0x76: {  	_ =	shalt  }
0x77: {  	_ =	shalt  }
0x78: {  	_ =	shalt  }
0x79: {  	_ =	shalt  }
0x7a: {  	_ =	shalt  }
0x7b: {  	_ =	shalt  }
0x7c: {  	_ =	shalt  }
0x7d: {  	_ =	shalt  }
0x7e: {  	_ =	shalt  }
0x7f: {  	_ =	shalt  }
0x80: {  	_ =	shalt  }
0x81: {  	_ =	shalt  }
0x82: {  	_ =	shalt  }
0x83: {  	_ =	shalt  }
0x84: {  	_ =	shalt  }
0x85: {  	_ =	shalt  }
0x86: {  	_ =	shalt  }
0x87: {  	_ =	shalt  }
.Lfunc_end0:
.L_simem_size_0:
called_computation_lowered:
.L_overlay_start_0:
0x88: {  	s2 =	sld [smem:$0x3FD9]  }
0x89: {  	s3 =	sld [smem:$0x3FFE];
	_ =	sdelay $0x1  }
0x8a: {  	s1 =	srdreg.scid  }
0x8b: {  	s0 =	sand.u32 $0x1, s1  }
0x8c: {  	s17 =	sshll.u32 s0, $0xA;
	s2 =	sadd.s32 s3, s2  }
0x8d: {  	s2 =	sadd.s32 s2, s17  }
0x8e: {  	[smem:$0x3FC2] =	sst s2  }
0x8f: {  	_ = 	snop  }
0x90: {  	s2 =	sld [smem:$0x3FD0];
	(tm) =	ssettm $0x1  }
0x91: {  	s18 =	sld [smem:$0x3FFB];
	_ =	sdelay $0x3  }
0x92: {  	_ =	strace s18  }
0x93: {  	s3 =	sld [smem:$0x3FFC];
	_ =	sdelay $0x3  }
0x94: {  	_ =	strace s3  }
0x95: {  	s3 =	sld [smem:$0x3FFD];
	_ =	sdelay $0x3  }
0x96: {  	_ =	strace s3  }
0x97: {  	_ =	strace $0x8FFFFFFF  }
0x98: {  	s19 =	sld [smem:$0x3FDB];
	_ =	sdelay $0x1  }
0x99: {  	s4 =	simm.s32 $_scs_section_size  }
0x9a: {  	s5 =	simm.s32 $_size__tile_overlayer_lowered;
	s6 =	simm.s32 $_tile_overlayer_lowered  }
0x9b: {  	s22 =	simm.s32 $0x1BFF;
	s21 =	sshll.u32 s6, $0x1;
	s3 =	sadd.s32 s4, s19  }
0x9c: {  	s7 =	simm.s32 $0x0;
	s20 =	sshll.u32 s5, $0x1;
	s5 =	sadd.s32 s21, s3  }
0x9d: {  	[timem:s7], [sflag:s22] =	dma.local [hbm:s5], s20  }
0x9e: {  	_ =	swait.ge [sflag:s22], s20  }
0x9f: {  	s4 =	ssub.s32 $0x0, s20;
	[sflag:s22] =	ssyncset.done $0x0  }
0xa0: {  	[sflag:s22] =	ssyncadd.s32 s4;
	_ =	sdelay $0x1  }
0xa1: {  	s23 =	simm.s32 $0x1B8B  }
0xa2: {  	_ =	swait.ge [sflag:s23], $0x1  }
0xa3: {  	[sflag:s23] =	ssyncset.done $0x0  }
0xa4: {  	s25 =	simm.s32 $0x1B8E;
	s24 =	sld [smem:$0x3FFE];
	[sflag:s23] =	ssyncadd.s32 $0xFFFFFFFF  }
0xa5: {  	s26 =	simm.s32 $execute0_lowered;
	[smem:$0x3FD2] =	sst s25  }
0xa6: {  	s5 =	sshll.u32 s26, $0x1;
	_ =	strace $0x80000046;
	[dreg:$0x1] =	wrdreg $0xFFFFFFFF  }
0xa7: {  	s28 =	simm.s32 $_size_execute0_lowered;
	s3 =	sadd.s32 s3, s5;
	[dreg:$0x0] =	wrdreg $0x0  }
0xa8: {  	s5 =	sshll.u32 s28, $0x1;
	[dreg:$0x2] =	wrdreg s3  }
0xa9: {  	[dreg:$0x3] =	wrdreg s5  }
0xaa: {  	[dreg:$0x4] =	wrdreg $0xC0  }
0xab: {  	_ =	task [dreg:s7], $0x5FFFF  }
0xac: {  	[dreg:$0x1] =	wrdreg $0xFFFFFFFF  }
0xad: {  	[dreg:$0x0] =	wrdreg $0x60  }
0xae: {  	[dreg:$0x2] =	wrdreg s2  }
0xaf: {  	[dreg:$0x3] =	wrdreg s24  }
0xb0: {  	[dreg:$0x4] =	wrdreg $0x90000  }
0xb1: {  	[dreg:$0x5] =	wrdreg $0x9  }
0xb2: {  	_ =	task.clear_ibuf [dreg:s7], $0x6FFFF;
	_ =	strace $0x90000046  }
0xb3: {  	s29 =	simm.s32 $0x9;
	_ =	strace $0x80000048  }
0xb4: {  	_ =	swait.ge [sflag:s29], $0x1  }
0xb5: {  	[sflag:s29] =	ssyncadd.s32 $0xFFFFFFFF  }
0xb6: {  	_ =	strace $0x90000048  }
0xb7: {  	_ =	sfence  }
0xb8: {  	s30 =	sld [smem:$0x0];
	_ =	sdelay $0x2  }
0xb9: {  	s31 =	sshll.u32 s1, $0xD;
	s1 =	sshrl.u32 s1, $0x2  }
0xba: {  	s3 =	sand.u32 $0x4000, s31;
	s1 =	sadd.s32 s1, s30  }
0xbb: {  	s0 =	sor.u32 s3, s0;
	s1 =	sshll.u32 s1, $0x11  }
0xbc: {  	s0 =	sor.u32 s1, s0  }
0xbd: {  	s0 =	sadd.s32 $0x8F2B, s0  }
0xbe: {  	[sflag:s0] =	ssyncadd.remote.s32 $0x1  }
0xbf: {  	_ =	sfence.sel $0xFFFF  }
0xc0: {  	[dreg:$0x0] =	wrdreg $0xFFFFFFFF;
	(pc) =	sbr.abs _section_cstart, $3  }
0xc1: {  	[dreg:$0x1] =	wrdreg $0xFFFFFFFF  }
0xc2: {  	_ =	task.clear_ibuf [dreg:s7], $0x2FFFF;
	_ =	strace $0x9FFFFFFF  }
0xc3: {  	(tm) =	ssettm $0x7FFFFFFF  }
tec
execute0_lowered:
.L_overlay_start_1:
0x0: {  	(tag) =	ssettag $0x1  }
0x1: {  	s1 =	rddreg [dreg:$0x0]  }
0x2: {  	s8 =	rddreg [dreg:$0x1]  }
0x3: {  	s0 =	srdreg.scid;
	s3 =	rddreg [dreg:$0x2]  }
0x4: {  	s4 =	simm.s32 $0x0;
	s6 =	sand.u32 $0x1, s0;
	s0 =	stileid.u32  }
0x5: {  	[smem:$0x7FF] =	sst s4;
	s16 =	smul.u32 $0x13880, s6  }
0x6: {  	s19 =	sadd.s32 $0x3E500, s8;
	s2 =	sshll.u32 s6, $0x4;
	s9 =	smul.u32 $0x140, s0  }
0x7: {  	s6 =	ssub.s32 $0x2, s6;
	s12 =	smul.u32 $0x28000, s0;
	s31 =	sshll.u32 s0, $0x6  }
0x8: {  	s5 =	sor.u32 s0, s2;
	s2 =	rddreg [dreg:$0x3];
	_ =	strace $0x80000047  }
0x9: {  	s11 =	sshrl.u32 s6, $0x1;
	s5 =	smul.u32 $0x500, s5;
	s10 =	sadd.s32 s16, s8  }
0xa: {  	s11 =	ssub.s32 s6, s11;
	s9 =	smin.u32 s9, $0x1248;
	s12 =	sshrl.u32 s12, $0x2  }
0xb: {  	s19 =	sadd.s32 s16, s19;
	s13 =	sshll.u32 s9, $0x7;
	s14 =	sadd.s32 s12, s3  }
0xc: {  	s15 =	sadd.s32 $0x17400, s10;
	s18 =	sshll.u32 s9, $0x4;
	s9 =	simm.s32 $0x5000  }
0xd: {  	s10 =	simm.s32 $0x1;
	s12 =	sor.u32 $0x1C01, s31;
	s7 =	sadd.s32 s5, s8  }
0xe: {  	s5 =	sadd.s32 $0x16000, s8;
	s17 =	sadd.s32 s13, s3;
	s8 =	smax.u32 s11, $0x1  }
0xf: {  	s11 =	simm.s32 $0x2800;
	s13 =	sshrl.u32 s14, $0x3;
	s14 =	simm.s32 $0x80  }
0x10: {  	s15 =	sadd.s32 s18, s15;
	s6 =	sadd.s32 $0xC000, s7;
	s7 =	sadd.s32 $0x2000, s7  }
0x11: {  	s16 =	sshrl.u32 s17, $0x3;
	s17 =	sadd.s32 s18, s19;
	s18 =	simm.s32 $0x0  }
.LBB2_1:
0x12: {  	[tilespmem:s9], [sflag:$0x1] =	stream.linear.gather [hbm4b:s1+s4], $0x4000, $0x38;
	[tilespmem:$0x13000] =	vst v63  }
0x13: {  	_ =	swait.ge [sflag:s10], $0x4000  }
0x14: {  	[sflag:s10] =	ssyncset.done $0x0  }
0x15: {  	[sflag:s10] =	ssyncadd.s32 $0xFFFFC000  }
0x16: {  	[tilespmem:s4], [sflag:$0x1] =	stream.linear.gather [hbm4b:s6+s4], $0x2780, $0x38;
	[tilespmem:$0x13000] =	vst v63  }
0x17: {  	_ =	swait.ge [sflag:s10], $0x2780  }
0x18: {  	[sflag:s10] =	ssyncset.done $0x0  }
0x19: {  	[sflag:s10] =	ssyncadd.s32 $0xFFFFD880  }
0x1a: {  	[tilespmem:s11], [sflag:$0x1] =	stream.linear.gather [hbm4b:s7+s4], $0x2780, $0x38;
	[tilespmem:$0x13000] =	vst v63  }
0x1b: {  	_ =	swait.ge [sflag:s10], $0x2780  }
0x1c: {  	[sflag:s10] =	ssyncset.done $0x0  }
0x1d: {  	[sflag:s10] =	ssyncadd.s32 $0xFFFFD880  }
0x1e: {  	[spmem:s13], [sflag:s12] =	dma.local [hbm:s5], $0x1400  }
0x1f: {  	_ =	swait.ge [sflag:s10], $0x1400  }
0x20: {  	[sflag:s10] =	ssyncset.done $0x0  }
0x21: {  	[sflag:s10] =	ssyncadd.s32 $0xFFFFEC00  }
0x22: {  	s19 =	simm.s32 $0x0;
	[bflag:$0x0] =	sbarrier.arrive $0xFFFF  }
0x23: {  	[spmem:s3] =	stream.indirect.scatter.add.f32 [tilespmem:s9], [sflag:$0x1], $0x80, s19, s14, $0xb8;
	[tilespmem:$0x13000] =	vst v63  }
0x24: {  	_ =	swait.ge [sflag:s10], $0x4000  }
0x25: {  	s19 =	simm.s32 $0x200;
	[sflag:s10] =	ssyncset.done $0x0  }
.LBB2_2:
0x26: {  	s20 =	sshra.s32 s19, $0x2;
	[sflag:s10] =	ssyncadd.s32 $0xFFFFC000;
	p0 =	sne.s32 s19, $0x9C00  }
0x27: {  	[spmem:s3] =	stream.indirect.scatter.add.f32 [tilespmem:s9], [sflag:$0x1], $0x80, s20, s14, $0xb8;
	[tilespmem:$0x13000] =	vst v63  }
.Ltmp0:
0x28: {  	_ = 	snop;
	(pc) =	sbr.rel @p0 .LBB2_2-.Ltmp0, $4  }
0x29: {  	_ = 	snop  }
0x2a: {  	s19 =	sadd.s32 $0x200, s19  }
0x2b: {  	_ =	swait.ge [sflag:s10], $0x4000  }
0x2c: {  	[sflag:s10] =	ssyncset.done $0x0  }
0x2d: {  	[sflag:s10] =	ssyncadd.s32 $0xFFFFC000  }
0x2e: {  	[bflag:$0x0] =	sbarrier.arrive $0xFFFF  }
0x2f: {  	[hbm:s15], [sflag:s12] =	dma.local [spmem:s16], $0x1400  }
0x30: {  	_ =	swait.ge [sflag:s10], $0x1400  }
0x31: {  	[sflag:s10] =	ssyncset.done $0x0  }
0x32: {  	[sflag:s10] =	ssyncadd.s32 $0xFFFFEC00  }
0x33: {  	[bflag:$0x0] =	sbarrier.arrive $0xFFFF  }
0x34: {  	[spmem:s13], [sflag:s12] =	dma.local [hbm:s5], $0x1400  }
0x35: {  	_ =	swait.ge [sflag:s10], $0x1400  }
0x36: {  	[sflag:s10] =	ssyncset.done $0x0  }
0x37: {  	[sflag:s10] =	ssyncadd.s32 $0xFFFFEC00  }
0x38: {  	s19 =	simm.s32 $0x2800;
	[bflag:$0x0] =	sbarrier.arrive $0xFFFF  }
0x39: {  	[spmem:s3] =	stream.indirect.scatter.add.f32 [tilespmem:s9], [sflag:$0x1], $0x80, s19, s14, $0xb8;
	[tilespmem:$0x13000] =	vst v63  }
0x3a: {  	s19 =	simm.s32 $0x200;
	_ =	swait.ge [sflag:s10], $0x4000  }
.LBB2_4:
0x3b: {  	s20 =	sshra.s32 s19, $0x2;
	[sflag:s10] =	ssyncset.done $0x0;
	p0 =	sne.s32 s19, $0x9C00  }
.Ltmp1:
0x3c: {  	s20 =	sadd.s32 $0x2800, s20;
	[sflag:s10] =	ssyncadd.s32 $0xFFFFC000;
	(pc) =	sbr.rel @p0 .LBB2_4-.Ltmp1, $3  }
0x3d: {  	[spmem:s3] =	stream.indirect.scatter.add.f32 [tilespmem:s9], [sflag:$0x1], $0x80, s20, s14, $0xb8;
	[tilespmem:$0x13000] =	vst v63  }
0x3e: {  	s19 =	sadd.s32 $0x200, s19;
	_ =	sdelay $0x1  }
0x3f: {  	_ =	swait.ge [sflag:s10], $0x4000  }
0x40: {  	[sflag:s10] =	ssyncset.done $0x0  }
0x41: {  	s18 =	sadd.s32 $0x1, s18;
	[sflag:s10] =	ssyncadd.s32 $0xFFFFC000  }
0x42: {  	p0 =	sne.s32 s18, s8;
	[bflag:$0x0] =	sbarrier.arrive $0xFFFF  }
0x43: {  	[hbm:s17], [sflag:s12] =	dma.local [spmem:s16], $0x1400  }
.Ltmp2:
0x44: {  	_ =	swait.ge [sflag:s10], $0x1400;
	(pc) =	sbr.rel @p0 .LBB2_1-.Ltmp2, $3  }
0x45: {  	[sflag:s10] =	ssyncset.done $0x0  }
0x46: {  	[sflag:s10] =	ssyncadd.s32 $0xFFFFEC00  }
0x47: {  	[bflag:$0x0] =	sbarrier.arrive $0xFFFF;
	_ =	sdelay $0x1  }
0x48: {  	_ =	sfence.sel $0x180000  }
0x49: {  	[bflag:$0x0] =	sbarrier.arrive $0xFFFF  }
0x4a: {  	p0 =	sne.s32 s0, $0x0;
	_ =	strace $0x90000047  }
0x4b: {  	s0 =	sadd.s32 @!p0 $0x100000, s2;
	[bflag:$0x2] =	sbarrier.arrive $0xFFFF  }
0x4c: {  	[sflag:s0] =	ssyncadd.tile.s32 @!p0 $0x1;
	_ =	shalt  }
.Lfunc_end2:
_tile_overlayer_lowered:
.L_overlay_start_2:
0x4d: {  	(tag) =	ssettag $0x2  }
0x4e: {  	s0 =	rddreg [dreg:$0x0];
	s2 =	stileid.u32  }
0x4f: {  	s1 =	rddreg [dreg:$0x1];
	p0 =	sne.s32 s2, $0x0  }
0x50: {  	s3 =	rddreg [dreg:$0x2];
	[bflag:$0x3] =	sbarrier.arrive $0xFFFF;
	s2 =	simm.s32 @!p0 $0x1C01  }
0x51: {  	[timem:s3], [sflag:s2] =	dma.local @!p0 [hbm:s0], s1  }
0x52: {  	s0 =	simm.s32 @!p0 $0x1  }
0x53: {  	_ =	swait.ge @!p0 [sflag:s0], s1  }
0x54: {  	s1 =	ssub.s32 @!p0 $0x0, s1;
	[sflag:s0] =	ssyncset.done @!p0 $0x0  }
0x55: {  	[sflag:s0] =	ssyncadd.s32 @!p0 s1  }
0x56: {  	[bflag:$0x3] =	sbarrier.arrive $0xFFFF  }
0x57: {  	_ =	shalt  }

</sc_bundles>
